<compile_context>
chip_gen: v7x
topology: tpu7x:2x2x1
jax: 0.10.2.dev20260603
libtpu: 0.0.44.dev20260713+nightly
codegen_flags: <defaults>
</compile_context>

<pallas_src>
import functools

import jax
import jax.numpy as jnp
from jax import lax
from jax.experimental import pallas as pl
from jax.experimental.pallas import tpu as pltpu
from jax.experimental.pallas import tpu_sc as plsc

N = 10000
E = 320000
D_IN = 128
D_H = 256
D_OUT = 128
D_PRED = 512
N_KINDS = 4

NC = 2
NS = 16
NW = NC * NS
L = 16

CH = 128
NCH_E = 80
EPAD = NW * NCH_E * CH
NCH1 = 2 * NCH_E
NPAD = 10240
RPT = NPAD // NS
REP = 8
DEGBASE = N + L


PXR = 80


def _sc_agg_body(nchunk, table, px, zeros, out,
                 px_v, src_c, dst_c, rows_v, gsem_a, gsem_b, acc_sh):
    c = lax.axis_index("c")
    s = lax.axis_index("s")
    w = c * NS + s

    def unpack(j, b):
        r = j - jnp.where(j >= PXR, PXR, 0)
        for t in range(CH // L):
            p16 = px_v[r, pl.ds(t * L, L)]
            src_c[b, pl.ds(t * L, L)] = p16 & 16383
            dst_c[b, pl.ds(t * L, L)] = p16 >> 14

    def fire(b, sem):
        return pltpu.async_copy(table.at[src_c.at[b]], rows_v.at[b], sem)

    def wait(b, sem):
        pltpu.make_async_copy(table.at[src_c.at[b]], rows_v.at[b], sem).wait()

    def scat(b):
        pltpu.sync_copy(rows_v.at[b], acc_sh.at[dst_c.at[b]], add=True)

    pltpu.sync_copy(zeros.at[pl.ds(s * RPT, RPT)], acc_sh.at[pl.ds(s * RPT, RPT)])
    pltpu.sync_copy(px.at[w, pl.ds(0, PXR)], px_v)
    plsc.subcore_barrier()
    unpack(jnp.int32(0), 0)
    fire(0, gsem_a)

    def pair(t, carry):
        j0 = 2 * t
        j1 = j0 + 1
        wait(0, gsem_a)
        unpack(j1, 1)
        fire(1, gsem_b)
        scat(0)
        wait(1, gsem_b)
        if nchunk > PXR:
            @pl.when(j1 == PXR - 1)
            def _():
                pltpu.sync_copy(px.at[w, pl.ds(PXR, PXR)], px_v)

        @pl.when(j1 != nchunk - 1)
        def _():
            unpack(j1 + 1, 0)
            fire(0, gsem_a)

        scat(1)
        return carry

    lax.fori_loop(0, nchunk // 2, pair, 0)
    plsc.subcore_barrier()

    pltpu.sync_copy(acc_sh.at[pl.ds(s * RPT, RPT)], out.at[c, pl.ds(s * RPT, RPT)])


def _make_sc_agg(nchunk):
    mesh = plsc.VectorSubcoreMesh(core_axis_name="c", subcore_axis_name="s")
    return pl.kernel(
        functools.partial(_sc_agg_body, nchunk),
        out_type=jax.ShapeDtypeStruct((NC, NPAD, D_IN), jnp.float32),
        mesh=mesh,
        scratch_types=[
            pltpu.VMEM((PXR, CH), jnp.int32),
            pltpu.VMEM((2, CH), jnp.int32),
            pltpu.VMEM((2, CH), jnp.int32),
            pltpu.VMEM((2, CH, D_IN), jnp.float32),
            pltpu.SemaphoreType.DMA,
            pltpu.SemaphoreType.DMA,
            pltpu.VMEM_SHARED((NPAD, D_IN), jnp.float32),
        ],
    )


_sc_agg1 = _make_sc_agg(NCH1)
_sc_agg2 = _make_sc_agg(NCH_E)



BLK = 400
NBLK = N // BLK
DBLK = NPAD // 8

_dot = functools.partial(jnp.dot, preferred_element_type=jnp.float32,
                         precision=lax.Precision.HIGHEST)


def _ext_body(s3, d3, rp, ep):
    sv = s3[...]
    dv = d3[...]
    rp[...] = sv | (dv << 14)
    ep[...] = (((dv & (REP * CH - 1)) + N)
               | (((dv >> 7) + DEGBASE) << 14))


def _tc_ext(src3, dst3):
    return pl.pallas_call(
        _ext_body,
        out_shape=[
            jax.ShapeDtypeStruct((NW, NCH_E, CH), jnp.int32),
            jax.ShapeDtypeStruct((NW, NCH_E, CH), jnp.int32),
        ],
    )(src3, dst3)


def _stage_a_body(x, nk, emb, h0):
    h = x[...]
    k = nk[...].astype(jnp.float32)
    for kk in range(N_KINDS):
        mask = jnp.where(k == kk, 1.0, 0.0)
        h = h + mask * emb[kk, :][None, :]
    h0[...] = h


def _tc_stage_a(x, nk2, emb):
    return pl.pallas_call(
        _stage_a_body,
        grid=(NBLK,),
        in_specs=[
            pl.BlockSpec((BLK, D_IN), lambda i: (i, 0)),
            pl.BlockSpec((BLK, 1), lambda i: (i, 0)),
            pl.BlockSpec((N_KINDS, D_IN), lambda i: (0, 0)),
        ],
        out_specs=pl.BlockSpec((BLK, D_IN), lambda i: (i, 0)),
        out_shape=jax.ShapeDtypeStruct((N, D_IN), jnp.float32),
    )(x, nk2, emb)


def _deg_body(degp, out):
    out[...] = jnp.maximum(jnp.sum(degp[...], axis=0), 1.0)[:, None]


def _tc_deg(degp):
    return pl.pallas_call(
        _deg_body,
        grid=(8,),
        in_specs=[pl.BlockSpec((NC, DBLK), lambda i: (0, i))],
        out_specs=pl.BlockSpec((DBLK, 1), lambda i: (i, 0)),
        out_shape=jax.ShapeDtypeStruct((NPAD, 1), jnp.float32),
    )(degp)


def _stage_b_body(h0, s0a, s0b, dg, w1s, w1n, b1, w2s, w2n, z, hs):
    deg = dg[...]
    a0 = (s0a[...] + s0b[...]) / deg
    h1 = jax.nn.relu(_dot(h0[...], w1s[...]) + _dot(a0, w1n[...]) + b1[...])
    z[...] = _dot(h1, w2n[...])
    hs[...] = _dot(h1, w2s[...])


def _tc_stage_b(h0, s0a, s0b, dg, W1s, W1n, b1, W2s, W2n):
    return pl.pallas_call(
        _stage_b_body,
        grid=(NBLK,),
        in_specs=[
            pl.BlockSpec((BLK, D_IN), lambda i: (i, 0)),
            pl.BlockSpec((BLK, D_IN), lambda i: (i, 0)),
            pl.BlockSpec((BLK, D_IN), lambda i: (i, 0)),
            pl.BlockSpec((BLK, 1), lambda i: (i, 0)),
            pl.BlockSpec((D_IN, D_H), lambda i: (0, 0)),
            pl.BlockSpec((D_IN, D_H), lambda i: (0, 0)),
            pl.BlockSpec((1, D_H), lambda i: (0, 0)),
            pl.BlockSpec((D_H, D_OUT), lambda i: (0, 0)),
            pl.BlockSpec((D_H, D_OUT), lambda i: (0, 0)),
        ],
        out_specs=[
            pl.BlockSpec((BLK, D_OUT), lambda i: (i, 0)),
            pl.BlockSpec((BLK, D_OUT), lambda i: (i, 0)),
        ],
        out_shape=[
            jax.ShapeDtypeStruct((N, D_OUT), jnp.float32),
            jax.ShapeDtypeStruct((N, D_OUT), jnp.float32),
        ],
    )(h0, s0a, s0b, dg, W1s, W1n, b1, W2s, W2n)


def _stage_c_body(hs, s1a, s1b, dg, b2, wp1, bp1, wp2, bp2, p):
    deg = dg[...]
    a1 = (s1a[...] + s1b[...]) / deg
    h2 = hs[...] + a1 + b2[...]
    g = jax.nn.relu(_dot(h2, wp1[...]) + bp1[...])
    p[...] = _dot(g, wp2[...]) + bp2[...]


def _tc_stage_c(hs, s1a, s1b, dg, b2, Wp1, bp1, Wp2, bp2):
    return pl.pallas_call(
        _stage_c_body,
        grid=(NBLK,),
        in_specs=[
            pl.BlockSpec((BLK, D_OUT), lambda i: (i, 0)),
            pl.BlockSpec((BLK, D_OUT), lambda i: (i, 0)),
            pl.BlockSpec((BLK, D_OUT), lambda i: (i, 0)),
            pl.BlockSpec((BLK, 1), lambda i: (i, 0)),
            pl.BlockSpec((1, D_OUT), lambda i: (0, 0)),
            pl.BlockSpec((D_OUT, D_PRED), lambda i: (0, 0)),
            pl.BlockSpec((1, D_PRED), lambda i: (0, 0)),
            pl.BlockSpec((D_PRED, D_OUT), lambda i: (0, 0)),
            pl.BlockSpec((1, D_OUT), lambda i: (0, 0)),
        ],
        out_specs=pl.BlockSpec((BLK, D_OUT), lambda i: (i, 0)),
        out_shape=jax.ShapeDtypeStruct((N, D_OUT), jnp.float32),
    )(hs, s1a, s1b, dg, b2, Wp1, bp1, Wp2, bp2)


def kernel(x, edge_index, node_kind, family_ids, kind_emb,
           W1s, W1n, b1, W2s, W2n, b2, Wp1, bp1, Wp2, bp2):
    src = edge_index[0]
    dst = edge_index[1]
    pad = EPAD - E
    src3 = jnp.concatenate([src, jnp.zeros((pad,), jnp.int32)]).reshape(NW, NCH_E, CH)
    dst3 = jnp.concatenate([dst, jnp.full((pad,), N, jnp.int32)]).reshape(NW, NCH_E, CH)
    rp, ep = _tc_ext(src3, dst3)
    px1 = jnp.stack([rp, ep], axis=2).reshape(NW, NCH1, CH)

    zeros = jnp.zeros((NPAD, D_IN), jnp.float32)
    eye_rep = jnp.tile(jnp.eye(CH, dtype=jnp.float32), (REP, 1))

    nk2 = node_kind[:, None]
    b1r = b1[None, :]
    b2r = b2[None, :]
    bp1r = bp1[None, :]
    bp2r = bp2[None, :]

    h0 = _tc_stage_a(x, nk2, kind_emb)
    table1 = jnp.concatenate([h0, eye_rep])
    s0 = _sc_agg1(table1, px1, zeros)
    dg = _tc_deg(s0[:, DEGBASE:DEGBASE + NPAD // CH, :].reshape(NC, NPAD))
    z, hs = _tc_stage_b(h0, s0[0], s0[1], dg, W1s, W1n, b1r, W2s, W2n)
    s1 = _sc_agg2(z, rp, zeros)
    p = _tc_stage_c(hs, s1[0], s1[1], dg, b2r, Wp1, bp1r, Wp2, bp2r)
    return p

# --- scband reference (transcript-rebuilt; emitter-appended) ---
"""Pipeline reference for scband-bgrl-model-41523743817922 (READ-ONLY COPY).

The authoritative reference and input builder live on the scoring server;
editing this copy changes nothing except your own understanding.
"""

import jax, jax.numpy as jnp
import numpy as np

N = 10000
E = 320000
D_IN = 128
D_H = 256
D_OUT = 128
D_PRED = 512
N_KINDS = 4


def setup_inputs(seed: int = 0) -> dict:
    key = jax.random.key(seed)
    ks = jax.random.split(key, 20)
    x = jax.random.normal(ks[0], (N, D_IN), dtype=jnp.float32)
    edge_index = jax.random.randint(ks[1], (2, E), 0, N, dtype=jnp.int32)
    node_kind = jax.random.randint(ks[2], (N,), 0, N_KINDS, dtype=jnp.int32)
    family_ids = jax.random.randint(ks[3], (N,), 0, 1, dtype=jnp.int32)
    s = 0.02
    kind_emb = jax.random.normal(ks[4], (N_KINDS, D_IN), dtype=jnp.float32) * s
    W1s = jax.random.normal(ks[5], (D_IN, D_H), dtype=jnp.float32) * s
    W1n = jax.random.normal(ks[6], (D_IN, D_H), dtype=jnp.float32) * s
    b1 = jnp.zeros((D_H,), dtype=jnp.float32)
    W2s = jax.random.normal(ks[7], (D_H, D_OUT), dtype=jnp.float32) * s
    W2n = jax.random.normal(ks[8], (D_H, D_OUT), dtype=jnp.float32) * s
    b2 = jnp.zeros((D_OUT,), dtype=jnp.float32)
    Wp1 = jax.random.normal(ks[9], (D_OUT, D_PRED), dtype=jnp.float32) * s
    bp1 = jnp.zeros((D_PRED,), dtype=jnp.float32)
    Wp2 = jax.random.normal(ks[10], (D_PRED, D_OUT), dtype=jnp.float32) * s
    bp2 = jnp.zeros((D_OUT,), dtype=jnp.float32)
    return {"x": x, "edge_index": edge_index, "node_kind": node_kind,
            "family_ids": family_ids, "kind_emb": kind_emb,
            "W1s": W1s, "W1n": W1n, "b1": b1,
            "W2s": W2s, "W2n": W2n, "b2": b2,
            "Wp1": Wp1, "bp1": bp1, "Wp2": Wp2, "bp2": bp2}


def reference(x, edge_index, node_kind, family_ids, kind_emb,
              W1s, W1n, b1, W2s, W2n, b2, Wp1, bp1, Wp2, bp2):
    # BGRL online path: GraphSAGE encoder (2 mean-aggregation SAGE layers,
    # node_kind embedding added to input features; external_prior_mode='none'
    # so family_ids are unused) followed by the MLP predictor.
    src = edge_index[0]
    dst = edge_index[1]
    h0 = x + jnp.take(kind_emb, node_kind, axis=0)
    deg = jnp.zeros((N,), dtype=jnp.float32).at[dst].add(1.0)
    deg = jnp.clip(deg, 1.0, None)

    def agg_mean(h):
        msg = jnp.take(h, src, axis=0)
        s = jax.ops.segment_sum(msg, dst, num_segments=N)
        return s / deg[:, None]

    h1 = jax.nn.relu(h0 @ W1s + agg_mean(h0) @ W1n + b1)
    h2 = h1 @ W2s + agg_mean(h1) @ W2n + b2
    p = jax.nn.relu(h2 @ Wp1 + bp1) @ Wp2 + bp2
    return p

if __name__ == "__main__":
    import jax
    _d = setup_inputs()
    print(jax.jit(kernel)(*tuple(_d.values())))

</pallas_src>

<mosaic_0001>
#map = affine_map<(d0, d1) -> (0, 0)>
#map1 = affine_map<(d0, d1) -> (0, 0, 0)>
module attributes {stable_mosaic.version = 14 : i64} {
  func.func @_sc_agg_body(%arg0: i32, %arg1: i32, %arg2: memref<11024x128xf32, #tpu.memory_space<hbm>>, %arg3: memref<32x160x128xi32, #tpu.memory_space<hbm>>, %arg4: memref<10240x128xf32, #tpu.memory_space<hbm>>, %arg5: memref<2x10240x128xf32, #tpu.memory_space<hbm>>, %arg6: memref<80x128xi32, #tpu.memory_space<vmem>>, %arg7: memref<2x128xi32, #tpu.memory_space<vmem>>, %arg8: memref<2x128xi32, #tpu.memory_space<vmem>>, %arg9: memref<2x128x128xf32, #tpu.memory_space<vmem>>, %arg10: memref<!tpu.dma_semaphore, #tpu.memory_space<semaphore_mem>>, %arg11: memref<!tpu.dma_semaphore, #tpu.memory_space<semaphore_mem>>, %arg12: memref<10240x128xf32, #tpu.memory_space<vmem_shared>>) attributes {dimension_semantics = [#tpu.dimension_semantics<core_parallel>, #tpu.dimension_semantics<subcore_parallel>], iteration_bounds = array<i64: 2, 16>, scalar_prefetch = 0 : i64, scratch_operands = 7 : i64, tpu.core_type = #tpu.core_type<sc_vector_subcore>, window_params = [{transform_indices = #map}, {transform_indices = #map1}, {transform_indices = #map}, {transform_indices = #map1}]} {
    %mul3A = arith.constant 16 : i32
    %mul3A_0 = arith.muli %arg0, %mul3A : i32
    %add3A = arith.addi %mul3A_0, %arg1 : i32
    %mul3A_1 = arith.constant 640 : i32
    %mul3A_2 = arith.muli %arg1, %mul3A_1 : i32
    %mul3A_3 = arith.constant 640 : i32
    %mul3A_4 = arith.muli %arg1, %mul3A_3 : i32
    "tpu.region"() ({
      %run_scoped3A = tpu.sem_alloc : memref<!tpu.dma_semaphore, #tpu.memory_space<semaphore_mem>>
      %dma_start3A_202 = arith.constant 0 : i32
      %dma_start3A_203 = tpu.memref_slice %arg12[%mul3A_4, %dma_start3A_202] : memref<10240x128xf32, #tpu.memory_space<vmem_shared>> -> memref<640x128xf32, #tpu.memory_space<vmem_shared>>
      %dma_start3A_204 = arith.constant 0 : i32
      %dma_start3A_205 = tpu.memref_slice %arg4[%mul3A_2, %dma_start3A_204] : memref<10240x128xf32, #tpu.memory_space<hbm>> -> memref<640x128xf32, #tpu.memory_space<hbm>>
      tpu.enqueue_dma source(%dma_start3A_205 : memref<640x128xf32, #tpu.memory_space<hbm>>) target(%dma_start3A_203 : memref<640x128xf32, #tpu.memory_space<vmem_shared>>) target_semaphore(%run_scoped3A : memref<!tpu.dma_semaphore, #tpu.memory_space<semaphore_mem>>)
      %dma_wait3A = arith.constant 0 : i32
      %dma_wait3A_206 = tpu.memref_slice %arg12[%mul3A_4, %dma_wait3A] : memref<10240x128xf32, #tpu.memory_space<vmem_shared>> -> memref<640x128xf32, #tpu.memory_space<vmem_shared>>
      %dma_wait3A_207 = arith.constant 0 : i32
      %dma_wait3A_208 = tpu.memref_slice %arg4[%mul3A_2, %dma_wait3A_207] : memref<10240x128xf32, #tpu.memory_space<hbm>> -> memref<640x128xf32, #tpu.memory_space<hbm>>
      tpu.wait_dma2 semaphore(%run_scoped3A : memref<!tpu.dma_semaphore, #tpu.memory_space<semaphore_mem>>) src(%dma_wait3A_208 : memref<640x128xf32, #tpu.memory_space<hbm>>) dst(%dma_wait3A_206 : memref<640x128xf32, #tpu.memory_space<vmem_shared>>)
      tpu.yield
    }) : () -> ()
    "tpu.region"() ({
      %run_scoped3A = tpu.sem_alloc : memref<!tpu.dma_semaphore, #tpu.memory_space<semaphore_mem>>
      %dma_start3A_202 = arith.constant 0 : i32
      %dma_start3A_203 = arith.constant 0 : i32
      %dma_start3A_204 = tpu.memref_slice %arg3[%add3A, %dma_start3A_202, %dma_start3A_203] : memref<32x160x128xi32, #tpu.memory_space<hbm>> -> memref<1x80x128xi32, #tpu.memory_space<hbm>>
      %dma_start3A_205 = tpu.memref_squeeze %dma_start3A_204 : memref<1x80x128xi32, #tpu.memory_space<hbm>> -> memref<80x128xi32, #tpu.memory_space<hbm>>
      %dma_start3A_206 = arith.constant 0 : i32
      %dma_start3A_207 = arith.constant 0 : i32
      %dma_start3A_208 = tpu.memref_slice %arg3[%add3A, %dma_start3A_206, %dma_start3A_207] : memref<32x160x128xi32, #tpu.memory_space<hbm>> -> memref<1x80x128xi32, #tpu.memory_space<hbm>>
      %dma_start3A_209 = tpu.memref_squeeze %dma_start3A_208 : memref<1x80x128xi32, #tpu.memory_space<hbm>> -> memref<80x128xi32, #tpu.memory_space<hbm>>
      tpu.enqueue_dma source(%dma_start3A_209 : memref<80x128xi32, #tpu.memory_space<hbm>>) target(%arg6 : memref<80x128xi32, #tpu.memory_space<vmem>>) target_semaphore(%run_scoped3A : memref<!tpu.dma_semaphore, #tpu.memory_space<semaphore_mem>>)
      %dma_wait3A = arith.constant 0 : i32
      %dma_wait3A_210 = arith.constant 0 : i32
      %dma_wait3A_211 = tpu.memref_slice %arg3[%add3A, %dma_wait3A, %dma_wait3A_210] : memref<32x160x128xi32, #tpu.memory_space<hbm>> -> memref<1x80x128xi32, #tpu.memory_space<hbm>>
      %dma_wait3A_212 = tpu.memref_squeeze %dma_wait3A_211 : memref<1x80x128xi32, #tpu.memory_space<hbm>> -> memref<80x128xi32, #tpu.memory_space<hbm>>
      %dma_wait3A_213 = arith.constant 0 : i32
      %dma_wait3A_214 = arith.constant 0 : i32
      %dma_wait3A_215 = tpu.memref_slice %arg3[%add3A, %dma_wait3A_213, %dma_wait3A_214] : memref<32x160x128xi32, #tpu.memory_space<hbm>> -> memref<1x80x128xi32, #tpu.memory_space<hbm>>
      %dma_wait3A_216 = tpu.memref_squeeze %dma_wait3A_215 : memref<1x80x128xi32, #tpu.memory_space<hbm>> -> memref<80x128xi32, #tpu.memory_space<hbm>>
      tpu.wait_dma2 semaphore(%run_scoped3A : memref<!tpu.dma_semaphore, #tpu.memory_space<semaphore_mem>>) src(%dma_wait3A_216 : memref<80x128xi32, #tpu.memory_space<hbm>>) dst(%arg6 : memref<80x128xi32, #tpu.memory_space<vmem>>)
      tpu.yield
    }) : () -> ()
    %barrier3A = arith.constant 0 : index
    tpu.barrier barrier_id(%barrier3A)
    %ge3A = arith.constant 0 : i32
    %ge3A_5 = arith.constant 80 : i32
    %ge3A_6 = arith.cmpi sge, %ge3A, %ge3A_5 : i32
    %jit3A = arith.constant 80 : i32
    %jit3A_7 = arith.constant 0 : i32
    %select_n3A = arith.select %ge3A_6, %jit3A, %jit3A_7 : i32
    %sub3A = arith.constant 0 : i32
    %sub3A_8 = arith.subi %sub3A, %select_n3A : i32
    %get3A = arith.index_cast %sub3A_8 : i32 to index
    %get3A_9 = arith.constant 0 : index
    %get3A_10 = tpu.vector_load %arg6[%get3A, %get3A_9] {strides = array<i32>} : memref<80x128xi32, #tpu.memory_space<vmem>>, vector<1x16xi32>,
    %get3A_11 = vector.shape_cast %get3A_10 : vector<1x16xi32> to vector<16xi32>
    %and3A = arith.constant 16383 : i32
    %and3A_12 = vector.broadcast %and3A : i32 to vector<16xi32>
    %and3A_13 = arith.andi %get3A_11, %and3A_12 : vector<16xi32>
    %swap3A = arith.constant 0 : i32
    %swap3A_14 = arith.index_cast %swap3A : i32 to index
    %swap3A_15 = arith.constant 0 : index
    %swap3A_16 = tpu.vector_load %arg7[%swap3A_14, %swap3A_15] {strides = array<i32>} : memref<2x128xi32, #tpu.memory_space<vmem>>, vector<1x16xi32>,
    %swap3A_17 = vector.shape_cast %swap3A_16 : vector<1x16xi32> to vector<16xi32>
    %swap3A_18 = vector.shape_cast %and3A_13 : vector<16xi32> to vector<1x16xi32>
    tpu.vector_store %arg7[%swap3A_14, %swap3A_15], %swap3A_18 {strides = array<i32>} : memref<2x128xi32, #tpu.memory_space<vmem>>, vector<1x16xi32>,
    %shift_right_arithmetic3A = arith.constant 14 : i32
    %shift_right_arithmetic3A_19 = vector.broadcast %shift_right_arithmetic3A : i32 to vector<16xi32>
    %shift_right_arithmetic3A_20 = arith.shrsi %get3A_11, %shift_right_arithmetic3A_19 : vector<16xi32>
    %swap3A_21 = arith.constant 0 : i32
    %swap3A_22 = arith.index_cast %swap3A_21 : i32 to index
    %swap3A_23 = arith.constant 0 : index
    %swap3A_24 = tpu.vector_load %arg8[%swap3A_22, %swap3A_23] {strides = array<i32>} : memref<2x128xi32, #tpu.memory_space<vmem>>, vector<1x16xi32>,
    %swap3A_25 = vector.shape_cast %swap3A_24 : vector<1x16xi32> to vector<16xi32>
    %swap3A_26 = vector.shape_cast %shift_right_arithmetic3A_20 : vector<16xi32> to vector<1x16xi32>
    tpu.vector_store %arg8[%swap3A_22, %swap3A_23], %swap3A_26 {strides = array<i32>} : memref<2x128xi32, #tpu.memory_space<vmem>>, vector<1x16xi32>,
    %get3A_27 = arith.index_cast %sub3A_8 : i32 to index
    %get3A_28 = arith.constant 16 : index
    %get3A_29 = tpu.vector_load %arg6[%get3A_27, %get3A_28] {strides = array<i32>} : memref<80x128xi32, #tpu.memory_space<vmem>>, vector<1x16xi32>,
    %get3A_30 = vector.shape_cast %get3A_29 : vector<1x16xi32> to vector<16xi32>
    %and3A_31 = arith.constant 16383 : i32
    %and3A_32 = vector.broadcast %and3A_31 : i32 to vector<16xi32>
    %and3A_33 = arith.andi %get3A_30, %and3A_32 : vector<16xi32>
    %swap3A_34 = arith.constant 0 : i32
    %swap3A_35 = arith.index_cast %swap3A_34 : i32 to index
    %swap3A_36 = arith.constant 16 : index
    %swap3A_37 = tpu.vector_load %arg7[%swap3A_35, %swap3A_36] {strides = array<i32>} : memref<2x128xi32, #tpu.memory_space<vmem>>, vector<1x16xi32>,
    %swap3A_38 = vector.shape_cast %swap3A_37 : vector<1x16xi32> to vector<16xi32>
    %swap3A_39 = vector.shape_cast %and3A_33 : vector<16xi32> to vector<1x16xi32>
    tpu.vector_store %arg7[%swap3A_35, %swap3A_36], %swap3A_39 {strides = array<i32>} : memref<2x128xi32, #tpu.memory_space<vmem>>, vector<1x16xi32>,
    %shift_right_arithmetic3A_40 = arith.constant 14 : i32
    %shift_right_arithmetic3A_41 = vector.broadcast %shift_right_arithmetic3A_40 : i32 to vector<16xi32>
    %shift_right_arithmetic3A_42 = arith.shrsi %get3A_30, %shift_right_arithmetic3A_41 : vector<16xi32>
    %swap3A_43 = arith.constant 0 : i32
    %swap3A_44 = arith.index_cast %swap3A_43 : i32 to index
    %swap3A_45 = arith.constant 16 : index
    %swap3A_46 = tpu.vector_load %arg8[%swap3A_44, %swap3A_45] {strides = array<i32>} : memref<2x128xi32, #tpu.memory_space<vmem>>, vector<1x16xi32>,
    %swap3A_47 = vector.shape_cast %swap3A_46 : vector<1x16xi32> to vector<16xi32>
    %swap3A_48 = vector.shape_cast %shift_right_arithmetic3A_42 : vector<16xi32> to vector<1x16xi32>
    tpu.vector_store %arg8[%swap3A_44, %swap3A_45], %swap3A_48 {strides = array<i32>} : memref<2x128xi32, #tpu.memory_space<vmem>>, vector<1x16xi32>,
    %get3A_49 = arith.index_cast %sub3A_8 : i32 to index
    %get3A_50 = arith.constant 32 : index
    %get3A_51 = tpu.vector_load %arg6[%get3A_49, %get3A_50] {strides = array<i32>} : memref<80x128xi32, #tpu.memory_space<vmem>>, vector<1x16xi32>,
    %get3A_52 = vector.shape_cast %get3A_51 : vector<1x16xi32> to vector<16xi32>
    %and3A_53 = arith.constant 16383 : i32
    %and3A_54 = vector.broadcast %and3A_53 : i32 to vector<16xi32>
    %and3A_55 = arith.andi %get3A_52, %and3A_54 : vector<16xi32>
    %swap3A_56 = arith.constant 0 : i32
    %swap3A_57 = arith.index_cast %swap3A_56 : i32 to index
    %swap3A_58 = arith.constant 32 : index
    %swap3A_59 = tpu.vector_load %arg7[%swap3A_57, %swap3A_58] {strides = array<i32>} : memref<2x128xi32, #tpu.memory_space<vmem>>, vector<1x16xi32>,
    %swap3A_60 = vector.shape_cast %swap3A_59 : vector<1x16xi32> to vector<16xi32>
    %swap3A_61 = vector.shape_cast %and3A_55 : vector<16xi32> to vector<1x16xi32>
    tpu.vector_store %arg7[%swap3A_57, %swap3A_58], %swap3A_61 {strides = array<i32>} : memref<2x128xi32, #tpu.memory_space<vmem>>, vector<1x16xi32>,
    %shift_right_arithmetic3A_62 = arith.constant 14 : i32
    %shift_right_arithmetic3A_63 = vector.broadcast %shift_right_arithmetic3A_62 : i32 to vector<16xi32>
    %shift_right_arithmetic3A_64 = arith.shrsi %get3A_52, %shift_right_arithmetic3A_63 : vector<16xi32>
    %swap3A_65 = arith.constant 0 : i32
    %swap3A_66 = arith.index_cast %swap3A_65 : i32 to index
    %swap3A_67 = arith.constant 32 : index
    %swap3A_68 = tpu.vector_load %arg8[%swap3A_66, %swap3A_67] {strides = array<i32>} : memref<2x128xi32, #tpu.memory_space<vmem>>, vector<1x16xi32>,
    %swap3A_69 = vector.shape_cast %swap3A_68 : vector<1x16xi32> to vector<16xi32>
    %swap3A_70 = vector.shape_cast %shift_right_arithmetic3A_64 : vector<16xi32> to vector<1x16xi32>
    tpu.vector_store %arg8[%swap3A_66, %swap3A_67], %swap3A_70 {strides = array<i32>} : memref<2x128xi32, #tpu.memory_space<vmem>>, vector<1x16xi32>,
    %get3A_71 = arith.index_cast %sub3A_8 : i32 to index
    %get3A_72 = arith.constant 48 : index
    %get3A_73 = tpu.vector_load %arg6[%get3A_71, %get3A_72] {strides = array<i32>} : memref<80x128xi32, #tpu.memory_space<vmem>>, vector<1x16xi32>,
    %get3A_74 = vector.shape_cast %get3A_73 : vector<1x16xi32> to vector<16xi32>
    %and3A_75 = arith.constant 16383 : i32
    %and3A_76 = vector.broadcast %and3A_75 : i32 to vector<16xi32>
    %and3A_77 = arith.andi %get3A_74, %and3A_76 : vector<16xi32>
    %swap3A_78 = arith.constant 0 : i32
    %swap3A_79 = arith.index_cast %swap3A_78 : i32 to index
    %swap3A_80 = arith.constant 48 : index
    %swap3A_81 = tpu.vector_load %arg7[%swap3A_79, %swap3A_80] {strides = array<i32>} : memref<2x128xi32, #tpu.memory_space<vmem>>, vector<1x16xi32>,
    %swap3A_82 = vector.shape_cast %swap3A_81 : vector<1x16xi32> to vector<16xi32>
    %swap3A_83 = vector.shape_cast %and3A_77 : vector<16xi32> to vector<1x16xi32>
    tpu.vector_store %arg7[%swap3A_79, %swap3A_80], %swap3A_83 {strides = array<i32>} : memref<2x128xi32, #tpu.memory_space<vmem>>, vector<1x16xi32>,
    %shift_right_arithmetic3A_84 = arith.constant 14 : i32
    %shift_right_arithmetic3A_85 = vector.broadcast %shift_right_arithmetic3A_84 : i32 to vector<16xi32>
    %shift_right_arithmetic3A_86 = arith.shrsi %get3A_74, %shift_right_arithmetic3A_85 : vector<16xi32>
    %swap3A_87 = arith.constant 0 : i32
    %swap3A_88 = arith.index_cast %swap3A_87 : i32 to index
    %swap3A_89 = arith.constant 48 : index
    %swap3A_90 = tpu.vector_load %arg8[%swap3A_88, %swap3A_89] {strides = array<i32>} : memref<2x128xi32, #tpu.memory_space<vmem>>, vector<1x16xi32>,
    %swap3A_91 = vector.shape_cast %swap3A_90 : vector<1x16xi32> to vector<16xi32>
    %swap3A_92 = vector.shape_cast %shift_right_arithmetic3A_86 : vector<16xi32> to vector<1x16xi32>
    tpu.vector_store %arg8[%swap3A_88, %swap3A_89], %swap3A_92 {strides = array<i32>} : memref<2x128xi32, #tpu.memory_space<vmem>>, vector<1x16xi32>,
    %get3A_93 = arith.index_cast %sub3A_8 : i32 to index
    %get3A_94 = arith.constant 64 : index
    %get3A_95 = tpu.vector_load %arg6[%get3A_93, %get3A_94] {strides = array<i32>} : memref<80x128xi32, #tpu.memory_space<vmem>>, vector<1x16xi32>,
    %get3A_96 = vector.shape_cast %get3A_95 : vector<1x16xi32> to vector<16xi32>
    %and3A_97 = arith.constant 16383 : i32
    %and3A_98 = vector.broadcast %and3A_97 : i32 to vector<16xi32>
    %and3A_99 = arith.andi %get3A_96, %and3A_98 : vector<16xi32>
    %swap3A_100 = arith.constant 0 : i32
    %swap3A_101 = arith.index_cast %swap3A_100 : i32 to index
    %swap3A_102 = arith.constant 64 : index
    %swap3A_103 = tpu.vector_load %arg7[%swap3A_101, %swap3A_102] {strides = array<i32>} : memref<2x128xi32, #tpu.memory_space<vmem>>, vector<1x16xi32>,
    %swap3A_104 = vector.shape_cast %swap3A_103 : vector<1x16xi32> to vector<16xi32>
    %swap3A_105 = vector.shape_cast %and3A_99 : vector<16xi32> to vector<1x16xi32>
    tpu.vector_store %arg7[%swap3A_101, %swap3A_102], %swap3A_105 {strides = array<i32>} : memref<2x128xi32, #tpu.memory_space<vmem>>, vector<1x16xi32>,
    %shift_right_arithmetic3A_106 = arith.constant 14 : i32
    %shift_right_arithmetic3A_107 = vector.broadcast %shift_right_arithmetic3A_106 : i32 to vector<16xi32>
    %shift_right_arithmetic3A_108 = arith.shrsi %get3A_96, %shift_right_arithmetic3A_107 : vector<16xi32>
    %swap3A_109 = arith.constant 0 : i32
    %swap3A_110 = arith.index_cast %swap3A_109 : i32 to index
    %swap3A_111 = arith.constant 64 : index
    %swap3A_112 = tpu.vector_load %arg8[%swap3A_110, %swap3A_111] {strides = array<i32>} : memref<2x128xi32, #tpu.memory_space<vmem>>, vector<1x16xi32>,
    %swap3A_113 = vector.shape_cast %swap3A_112 : vector<1x16xi32> to vector<16xi32>
    %swap3A_114 = vector.shape_cast %shift_right_arithmetic3A_108 : vector<16xi32> to vector<1x16xi32>
    tpu.vector_store %arg8[%swap3A_110, %swap3A_111], %swap3A_114 {strides = array<i32>} : memref<2x128xi32, #tpu.memory_space<vmem>>, vector<1x16xi32>,
    %get3A_115 = arith.index_cast %sub3A_8 : i32 to index
    %get3A_116 = arith.constant 80 : index
    %get3A_117 = tpu.vector_load %arg6[%get3A_115, %get3A_116] {strides = array<i32>} : memref<80x128xi32, #tpu.memory_space<vmem>>, vector<1x16xi32>,
    %get3A_118 = vector.shape_cast %get3A_117 : vector<1x16xi32> to vector<16xi32>
    %and3A_119 = arith.constant 16383 : i32
    %and3A_120 = vector.broadcast %and3A_119 : i32 to vector<16xi32>
    %and3A_121 = arith.andi %get3A_118, %and3A_120 : vector<16xi32>
    %swap3A_122 = arith.constant 0 : i32
    %swap3A_123 = arith.index_cast %swap3A_122 : i32 to index
    %swap3A_124 = arith.constant 80 : index
    %swap3A_125 = tpu.vector_load %arg7[%swap3A_123, %swap3A_124] {strides = array<i32>} : memref<2x128xi32, #tpu.memory_space<vmem>>, vector<1x16xi32>,
    %swap3A_126 = vector.shape_cast %swap3A_125 : vector<1x16xi32> to vector<16xi32>
    %swap3A_127 = vector.shape_cast %and3A_121 : vector<16xi32> to vector<1x16xi32>
    tpu.vector_store %arg7[%swap3A_123, %swap3A_124], %swap3A_127 {strides = array<i32>} : memref<2x128xi32, #tpu.memory_space<vmem>>, vector<1x16xi32>,
    %shift_right_arithmetic3A_128 = arith.constant 14 : i32
    %shift_right_arithmetic3A_129 = vector.broadcast %shift_right_arithmetic3A_128 : i32 to vector<16xi32>
    %shift_right_arithmetic3A_130 = arith.shrsi %get3A_118, %shift_right_arithmetic3A_129 : vector<16xi32>
    %swap3A_131 = arith.constant 0 : i32
    %swap3A_132 = arith.index_cast %swap3A_131 : i32 to index
    %swap3A_133 = arith.constant 80 : index
    %swap3A_134 = tpu.vector_load %arg8[%swap3A_132, %swap3A_133] {strides = array<i32>} : memref<2x128xi32, #tpu.memory_space<vmem>>, vector<1x16xi32>,
    %swap3A_135 = vector.shape_cast %swap3A_134 : vector<1x16xi32> to vector<16xi32>
    %swap3A_136 = vector.shape_cast %shift_right_arithmetic3A_130 : vector<16xi32> to vector<1x16xi32>
    tpu.vector_store %arg8[%swap3A_132, %swap3A_133], %swap3A_136 {strides = array<i32>} : memref<2x128xi32, #tpu.memory_space<vmem>>, vector<1x16xi32>,
    %get3A_137 = arith.index_cast %sub3A_8 : i32 to index
    %get3A_138 = arith.constant 96 : index
    %get3A_139 = tpu.vector_load %arg6[%get3A_137, %get3A_138] {strides = array<i32>} : memref<80x128xi32, #tpu.memory_space<vmem>>, vector<1x16xi32>,
    %get3A_140 = vector.shape_cast %get3A_139 : vector<1x16xi32> to vector<16xi32>
    %and3A_141 = arith.constant 16383 : i32
    %and3A_142 = vector.broadcast %and3A_141 : i32 to vector<16xi32>
    %and3A_143 = arith.andi %get3A_140, %and3A_142 : vector<16xi32>
    %swap3A_144 = arith.constant 0 : i32
    %swap3A_145 = arith.index_cast %swap3A_144 : i32 to index
    %swap3A_146 = arith.constant 96 : index
    %swap3A_147 = tpu.vector_load %arg7[%swap3A_145, %swap3A_146] {strides = array<i32>} : memref<2x128xi32, #tpu.memory_space<vmem>>, vector<1x16xi32>,
    %swap3A_148 = vector.shape_cast %swap3A_147 : vector<1x16xi32> to vector<16xi32>
    %swap3A_149 = vector.shape_cast %and3A_143 : vector<16xi32> to vector<1x16xi32>
    tpu.vector_store %arg7[%swap3A_145, %swap3A_146], %swap3A_149 {strides = array<i32>} : memref<2x128xi32, #tpu.memory_space<vmem>>, vector<1x16xi32>,
    %shift_right_arithmetic3A_150 = arith.constant 14 : i32
    %shift_right_arithmetic3A_151 = vector.broadcast %shift_right_arithmetic3A_150 : i32 to vector<16xi32>
    %shift_right_arithmetic3A_152 = arith.shrsi %get3A_140, %shift_right_arithmetic3A_151 : vector<16xi32>
    %swap3A_153 = arith.constant 0 : i32
    %swap3A_154 = arith.index_cast %swap3A_153 : i32 to index
    %swap3A_155 = arith.constant 96 : index
    %swap3A_156 = tpu.vector_load %arg8[%swap3A_154, %swap3A_155] {strides = array<i32>} : memref<2x128xi32, #tpu.memory_space<vmem>>, vector<1x16xi32>,
    %swap3A_157 = vector.shape_cast %swap3A_156 : vector<1x16xi32> to vector<16xi32>
    %swap3A_158 = vector.shape_cast %shift_right_arithmetic3A_152 : vector<16xi32> to vector<1x16xi32>
    tpu.vector_store %arg8[%swap3A_154, %swap3A_155], %swap3A_158 {strides = array<i32>} : memref<2x128xi32, #tpu.memory_space<vmem>>, vector<1x16xi32>,
    %get3A_159 = arith.index_cast %sub3A_8 : i32 to index
    %get3A_160 = arith.constant 112 : index
    %get3A_161 = tpu.vector_load %arg6[%get3A_159, %get3A_160] {strides = array<i32>} : memref<80x128xi32, #tpu.memory_space<vmem>>, vector<1x16xi32>,
    %get3A_162 = vector.shape_cast %get3A_161 : vector<1x16xi32> to vector<16xi32>
    %and3A_163 = arith.constant 16383 : i32
    %and3A_164 = vector.broadcast %and3A_163 : i32 to vector<16xi32>
    %and3A_165 = arith.andi %get3A_162, %and3A_164 : vector<16xi32>
    %swap3A_166 = arith.constant 0 : i32
    %swap3A_167 = arith.index_cast %swap3A_166 : i32 to index
    %swap3A_168 = arith.constant 112 : index
    %swap3A_169 = tpu.vector_load %arg7[%swap3A_167, %swap3A_168] {strides = array<i32>} : memref<2x128xi32, #tpu.memory_space<vmem>>, vector<1x16xi32>,
    %swap3A_170 = vector.shape_cast %swap3A_169 : vector<1x16xi32> to vector<16xi32>
    %swap3A_171 = vector.shape_cast %and3A_165 : vector<16xi32> to vector<1x16xi32>
    tpu.vector_store %arg7[%swap3A_167, %swap3A_168], %swap3A_171 {strides = array<i32>} : memref<2x128xi32, #tpu.memory_space<vmem>>, vector<1x16xi32>,
    %shift_right_arithmetic3A_172 = arith.constant 14 : i32
    %shift_right_arithmetic3A_173 = vector.broadcast %shift_right_arithmetic3A_172 : i32 to vector<16xi32>
    %shift_right_arithmetic3A_174 = arith.shrsi %get3A_162, %shift_right_arithmetic3A_173 : vector<16xi32>
    %swap3A_175 = arith.constant 0 : i32
    %swap3A_176 = arith.index_cast %swap3A_175 : i32 to index
    %swap3A_177 = arith.constant 112 : index
    %swap3A_178 = tpu.vector_load %arg8[%swap3A_176, %swap3A_177] {strides = array<i32>} : memref<2x128xi32, #tpu.memory_space<vmem>>, vector<1x16xi32>,
    %swap3A_179 = vector.shape_cast %swap3A_178 : vector<1x16xi32> to vector<16xi32>
    %swap3A_180 = vector.shape_cast %shift_right_arithmetic3A_174 : vector<16xi32> to vector<1x16xi32>
    tpu.vector_store %arg8[%swap3A_176, %swap3A_177], %swap3A_180 {strides = array<i32>} : memref<2x128xi32, #tpu.memory_space<vmem>>, vector<1x16xi32>,
    %dma_start3A = arith.constant 0 : i32
    %dma_start3A_181 = arith.constant 0 : i32
    %dma_start3A_182 = arith.constant 0 : i32
    %dma_start3A_183 = arith.constant 0 : i32
    %dma_start3A_184 = tpu.memref_slice %arg9[%dma_start3A_181, %dma_start3A_182, %dma_start3A_183] : memref<2x128x128xf32, #tpu.memory_space<vmem>> -> memref<1x128x128xf32, #tpu.memory_space<vmem>>
    %dma_start3A_185 = tpu.memref_squeeze %dma_start3A_184 : memref<1x128x128xf32, #tpu.memory_space<vmem>> -> memref<128x128xf32, #tpu.memory_space<vmem>>
    %dma_start3A_186 = arith.constant 0 : i32
    %dma_start3A_187 = tpu.memref_slice %arg7[%dma_start3A, %dma_start3A_186] : memref<2x128xi32, #tpu.memory_space<vmem>> -> memref<1x128xi32, #tpu.memory_space<vmem>>
    %dma_start3A_188 = tpu.memref_squeeze %dma_start3A_187 : memref<1x128xi32, #tpu.memory_space<vmem>> -> memref<128xi32, #tpu.memory_space<vmem>>
    %dma_start3A_189 = arith.constant 0 : i32
    %dma_start3A_190 = arith.constant 0 : i32
    %dma_start3A_191 = tpu.memref_slice %arg2[%dma_start3A_189, %dma_start3A_190] : memref<11024x128xf32, #tpu.memory_space<hbm>> -> memref<11024x128xf32, #tpu.memory_space<hbm>>
    tpu.enqueue_indirect_dma source(%dma_start3A_191 : memref<11024x128xf32, #tpu.memory_space<hbm>>) target(%dma_start3A_185 : memref<128x128xf32, #tpu.memory_space<vmem>>) offsets(%dma_start3A_188 : memref<128xi32, #tpu.memory_space<vmem>>) semaphore(%arg10 : memref<!tpu.dma_semaphore, #tpu.memory_space<semaphore_mem>>)
    %scan3A = arith.constant 0 : i32
    %scan3A_192 = arith.constant 0 : i32
    %scan3A_193 = arith.constant 80 : i32
    %scan3A_194 = arith.addi %scan3A_192, %scan3A_193 : i32
    %scan3A_195 = arith.constant 1 : i32
    scf.for %scan3A_202 = %scan3A_192 to %scan3A_194 step %scan3A_195  : i32 {
      %mul3A_203 = arith.constant 2 : i32
      %mul3A_204 = arith.muli %mul3A_203, %scan3A_202 : i32
      %add3A_205 = arith.constant 1 : i32
      %add3A_206 = arith.addi %mul3A_204, %add3A_205 : i32
      %dma_wait3A = arith.constant 0 : i32
      %dma_wait3A_207 = arith.constant 0 : i32
      %dma_wait3A_208 = arith.constant 0 : i32
      %dma_wait3A_209 = arith.constant 0 : i32
      %dma_wait3A_210 = tpu.memref_slice %arg9[%dma_wait3A_207, %dma_wait3A_208, %dma_wait3A_209] : memref<2x128x128xf32, #tpu.memory_space<vmem>> -> memref<1x128x128xf32, #tpu.memory_space<vmem>>
      %dma_wait3A_211 = tpu.memref_squeeze %dma_wait3A_210 : memref<1x128x128xf32, #tpu.memory_space<vmem>> -> memref<128x128xf32, #tpu.memory_space<vmem>>
      %dma_wait3A_212 = arith.constant 0 : i32
      %dma_wait3A_213 = tpu.memref_slice %arg7[%dma_wait3A, %dma_wait3A_212] : memref<2x128xi32, #tpu.memory_space<vmem>> -> memref<1x128xi32, #tpu.memory_space<vmem>>
      %dma_wait3A_214 = tpu.memref_squeeze %dma_wait3A_213 : memref<1x128xi32, #tpu.memory_space<vmem>> -> memref<128xi32, #tpu.memory_space<vmem>>
      %dma_wait3A_215 = arith.constant 0 : i32
      %dma_wait3A_216 = arith.constant 0 : i32
      %dma_wait3A_217 = tpu.memref_slice %arg2[%dma_wait3A_215, %dma_wait3A_216] : memref<11024x128xf32, #tpu.memory_space<hbm>> -> memref<11024x128xf32, #tpu.memory_space<hbm>>
      tpu.wait_indirect_dma semaphore(%arg10 : memref<!tpu.dma_semaphore, #tpu.memory_space<semaphore_mem>>) src(%dma_wait3A_217 : memref<11024x128xf32, #tpu.memory_space<hbm>>) dst(%dma_wait3A_211 : memref<128x128xf32, #tpu.memory_space<vmem>>)
      %ge3A_218 = arith.constant 80 : i32
      %ge3A_219 = arith.cmpi sge, %add3A_206, %ge3A_218 : i32
      %jit3A_220 = arith.constant 80 : i32
      %jit3A_221 = arith.constant 0 : i32
      %select_n3A_222 = arith.select %ge3A_219, %jit3A_220, %jit3A_221 : i32
      %sub3A_223 = arith.subi %add3A_206, %select_n3A_222 : i32
      %get3A_224 = arith.index_cast %sub3A_223 : i32 to index
      %get3A_225 = arith.constant 0 : index
      %get3A_226 = tpu.vector_load %arg6[%get3A_224, %get3A_225] {strides = array<i32>} : memref<80x128xi32, #tpu.memory_space<vmem>>, vector<1x16xi32>,
      %get3A_227 = vector.shape_cast %get3A_226 : vector<1x16xi32> to vector<16xi32>
      %and3A_228 = arith.constant 16383 : i32
      %and3A_229 = vector.broadcast %and3A_228 : i32 to vector<16xi32>
      %and3A_230 = arith.andi %get3A_227, %and3A_229 : vector<16xi32>
      %swap3A_231 = arith.constant 1 : i32
      %swap3A_232 = arith.index_cast %swap3A_231 : i32 to index
      %swap3A_233 = arith.constant 0 : index
      %swap3A_234 = tpu.vector_load %arg7[%swap3A_232, %swap3A_233] {strides = array<i32>} : memref<2x128xi32, #tpu.memory_space<vmem>>, vector<1x16xi32>,
      %swap3A_235 = vector.shape_cast %swap3A_234 : vector<1x16xi32> to vector<16xi32>
      %swap3A_236 = vector.shape_cast %and3A_230 : vector<16xi32> to vector<1x16xi32>
      tpu.vector_store %arg7[%swap3A_232, %swap3A_233], %swap3A_236 {strides = array<i32>} : memref<2x128xi32, #tpu.memory_space<vmem>>, vector<1x16xi32>,
      %shift_right_arithmetic3A_237 = arith.constant 14 : i32
      %shift_right_arithmetic3A_238 = vector.broadcast %shift_right_arithmetic3A_237 : i32 to vector<16xi32>
      %shift_right_arithmetic3A_239 = arith.shrsi %get3A_227, %shift_right_arithmetic3A_238 : vector<16xi32>
      %swap3A_240 = arith.constant 1 : i32
      %swap3A_241 = arith.index_cast %swap3A_240 : i32 to index
      %swap3A_242 = arith.constant 0 : index
      %swap3A_243 = tpu.vector_load %arg8[%swap3A_241, %swap3A_242] {strides = array<i32>} : memref<2x128xi32, #tpu.memory_space<vmem>>, vector<1x16xi32>,
      %swap3A_244 = vector.shape_cast %swap3A_243 : vector<1x16xi32> to vector<16xi32>
      %swap3A_245 = vector.shape_cast %shift_right_arithmetic3A_239 : vector<16xi32> to vector<1x16xi32>
      tpu.vector_store %arg8[%swap3A_241, %swap3A_242], %swap3A_245 {strides = array<i32>} : memref<2x128xi32, #tpu.memory_space<vmem>>, vector<1x16xi32>,
      %get3A_246 = arith.index_cast %sub3A_223 : i32 to index
      %get3A_247 = arith.constant 16 : index
      %get3A_248 = tpu.vector_load %arg6[%get3A_246, %get3A_247] {strides = array<i32>} : memref<80x128xi32, #tpu.memory_space<vmem>>, vector<1x16xi32>,
      %get3A_249 = vector.shape_cast %get3A_248 : vector<1x16xi32> to vector<16xi32>
      %and3A_250 = arith.constant 16383 : i32
      %and3A_251 = vector.broadcast %and3A_250 : i32 to vector<16xi32>
      %and3A_252 = arith.andi %get3A_249, %and3A_251 : vector<16xi32>
      %swap3A_253 = arith.constant 1 : i32
      %swap3A_254 = arith.index_cast %swap3A_253 : i32 to index
      %swap3A_255 = arith.constant 16 : index
      %swap3A_256 = tpu.vector_load %arg7[%swap3A_254, %swap3A_255] {strides = array<i32>} : memref<2x128xi32, #tpu.memory_space<vmem>>, vector<1x16xi32>,
      %swap3A_257 = vector.shape_cast %swap3A_256 : vector<1x16xi32> to vector<16xi32>
      %swap3A_258 = vector.shape_cast %and3A_252 : vector<16xi32> to vector<1x16xi32>
      tpu.vector_store %arg7[%swap3A_254, %swap3A_255], %swap3A_258 {strides = array<i32>} : memref<2x128xi32, #tpu.memory_space<vmem>>, vector<1x16xi32>,
      %shift_right_arithmetic3A_259 = arith.constant 14 : i32
      %shift_right_arithmetic3A_260 = vector.broadcast %shift_right_arithmetic3A_259 : i32 to vector<16xi32>
      %shift_right_arithmetic3A_261 = arith.shrsi %get3A_249, %shift_right_arithmetic3A_260 : vector<16xi32>
      %swap3A_262 = arith.constant 1 : i32
      %swap3A_263 = arith.index_cast %swap3A_262 : i32 to index
      %swap3A_264 = arith.constant 16 : index
      %swap3A_265 = tpu.vector_load %arg8[%swap3A_263, %swap3A_264] {strides = array<i32>} : memref<2x128xi32, #tpu.memory_space<vmem>>, vector<1x16xi32>,
      %swap3A_266 = vector.shape_cast %swap3A_265 : vector<1x16xi32> to vector<16xi32>
      %swap3A_267 = vector.shape_cast %shift_right_arithmetic3A_261 : vector<16xi32> to vector<1x16xi32>
      tpu.vector_store %arg8[%swap3A_263, %swap3A_264], %swap3A_267 {strides = array<i32>} : memref<2x128xi32, #tpu.memory_space<vmem>>, vector<1x16xi32>,
      %get3A_268 = arith.index_cast %sub3A_223 : i32 to index
      %get3A_269 = arith.constant 32 : index
      %get3A_270 = tpu.vector_load %arg6[%get3A_268, %get3A_269] {strides = array<i32>} : memref<80x128xi32, #tpu.memory_space<vmem>>, vector<1x16xi32>,
      %get3A_271 = vector.shape_cast %get3A_270 : vector<1x16xi32> to vector<16xi32>
      %and3A_272 = arith.constant 16383 : i32
      %and3A_273 = vector.broadcast %and3A_272 : i32 to vector<16xi32>
      %and3A_274 = arith.andi %get3A_271, %and3A_273 : vector<16xi32>
      %swap3A_275 = arith.constant 1 : i32
      %swap3A_276 = arith.index_cast %swap3A_275 : i32 to index
      %swap3A_277 = arith.constant 32 : index
      %swap3A_278 = tpu.vector_load %arg7[%swap3A_276, %swap3A_277] {strides = array<i32>} : memref<2x128xi32, #tpu.memory_space<vmem>>, vector<1x16xi32>,
      %swap3A_279 = vector.shape_cast %swap3A_278 : vector<1x16xi32> to vector<16xi32>
      %swap3A_280 = vector.shape_cast %and3A_274 : vector<16xi32> to vector<1x16xi32>
      tpu.vector_store %arg7[%swap3A_276, %swap3A_277], %swap3A_280 {strides = array<i32>} : memref<2x128xi32, #tpu.memory_space<vmem>>, vector<1x16xi32>,
      %shift_right_arithmetic3A_281 = arith.constant 14 : i32
      %shift_right_arithmetic3A_282 = vector.broadcast %shift_right_arithmetic3A_281 : i32 to vector<16xi32>
      %shift_right_arithmetic3A_283 = arith.shrsi %get3A_271, %shift_right_arithmetic3A_282 : vector<16xi32>
      %swap3A_284 = arith.constant 1 : i32
      %swap3A_285 = arith.index_cast %swap3A_284 : i32 to index
      %swap3A_286 = arith.constant 32 : index
      %swap3A_287 = tpu.vector_load %arg8[%swap3A_285, %swap3A_286] {strides = array<i32>} : memref<2x128xi32, #tpu.memory_space<vmem>>, vector<1x16xi32>,
      %swap3A_288 = vector.shape_cast %swap3A_287 : vector<1x16xi32> to vector<16xi32>
      %swap3A_289 = vector.shape_cast %shift_right_arithmetic3A_283 : vector<16xi32> to vector<1x16xi32>
      tpu.vector_store %arg8[%swap3A_285, %swap3A_286], %swap3A_289 {strides = array<i32>} : memref<2x128xi32, #tpu.memory_space<vmem>>, vector<1x16xi32>,
      %get3A_290 = arith.index_cast %sub3A_223 : i32 to index
      %get3A_291 = arith.constant 48 : index
      %get3A_292 = tpu.vector_load %arg6[%get3A_290, %get3A_291] {strides = array<i32>} : memref<80x128xi32, #tpu.memory_space<vmem>>, vector<1x16xi32>,
      %get3A_293 = vector.shape_cast %get3A_292 : vector<1x16xi32> to vector<16xi32>
      %and3A_294 = arith.constant 16383 : i32
      %and3A_295 = vector.broadcast %and3A_294 : i32 to vector<16xi32>
      %and3A_296 = arith.andi %get3A_293, %and3A_295 : vector<16xi32>
      %swap3A_297 = arith.constant 1 : i32
      %swap3A_298 = arith.index_cast %swap3A_297 : i32 to index
      %swap3A_299 = arith.constant 48 : index
      %swap3A_300 = tpu.vector_load %arg7[%swap3A_298, %swap3A_299] {strides = array<i32>} : memref<2x128xi32, #tpu.memory_space<vmem>>, vector<1x16xi32>,
      %swap3A_301 = vector.shape_cast %swap3A_300 : vector<1x16xi32> to vector<16xi32>
      %swap3A_302 = vector.shape_cast %and3A_296 : vector<16xi32> to vector<1x16xi32>
      tpu.vector_store %arg7[%swap3A_298, %swap3A_299], %swap3A_302 {strides = array<i32>} : memref<2x128xi32, #tpu.memory_space<vmem>>, vector<1x16xi32>,
      %shift_right_arithmetic3A_303 = arith.constant 14 : i32
      %shift_right_arithmetic3A_304 = vector.broadcast %shift_right_arithmetic3A_303 : i32 to vector<16xi32>
      %shift_right_arithmetic3A_305 = arith.shrsi %get3A_293, %shift_right_arithmetic3A_304 : vector<16xi32>
      %swap3A_306 = arith.constant 1 : i32
      %swap3A_307 = arith.index_cast %swap3A_306 : i32 to index
      %swap3A_308 = arith.constant 48 : index
      %swap3A_309 = tpu.vector_load %arg8[%swap3A_307, %swap3A_308] {strides = array<i32>} : memref<2x128xi32, #tpu.memory_space<vmem>>, vector<1x16xi32>,
      %swap3A_310 = vector.shape_cast %swap3A_309 : vector<1x16xi32> to vector<16xi32>
      %swap3A_311 = vector.shape_cast %shift_right_arithmetic3A_305 : vector<16xi32> to vector<1x16xi32>
      tpu.vector_store %arg8[%swap3A_307, %swap3A_308], %swap3A_311 {strides = array<i32>} : memref<2x128xi32, #tpu.memory_space<vmem>>, vector<1x16xi32>,
      %get3A_312 = arith.index_cast %sub3A_223 : i32 to index
      %get3A_313 = arith.constant 64 : index
      %get3A_314 = tpu.vector_load %arg6[%get3A_312, %get3A_313] {strides = array<i32>} : memref<80x128xi32, #tpu.memory_space<vmem>>, vector<1x16xi32>,
      %get3A_315 = vector.shape_cast %get3A_314 : vector<1x16xi32> to vector<16xi32>
      %and3A_316 = arith.constant 16383 : i32
      %and3A_317 = vector.broadcast %and3A_316 : i32 to vector<16xi32>
      %and3A_318 = arith.andi %get3A_315, %and3A_317 : vector<16xi32>
      %swap3A_319 = arith.constant 1 : i32
      %swap3A_320 = arith.index_cast %swap3A_319 : i32 to index
      %swap3A_321 = arith.constant 64 : index
      %swap3A_322 = tpu.vector_load %arg7[%swap3A_320, %swap3A_321] {strides = array<i32>} : memref<2x128xi32, #tpu.memory_space<vmem>>, vector<1x16xi32>,
      %swap3A_323 = vector.shape_cast %swap3A_322 : vector<1x16xi32> to vector<16xi32>
      %swap3A_324 = vector.shape_cast %and3A_318 : vector<16xi32> to vector<1x16xi32>
      tpu.vector_store %arg7[%swap3A_320, %swap3A_321], %swap3A_324 {strides = array<i32>} : memref<2x128xi32, #tpu.memory_space<vmem>>, vector<1x16xi32>,
      %shift_right_arithmetic3A_325 = arith.constant 14 : i32
      %shift_right_arithmetic3A_326 = vector.broadcast %shift_right_arithmetic3A_325 : i32 to vector<16xi32>
      %shift_right_arithmetic3A_327 = arith.shrsi %get3A_315, %shift_right_arithmetic3A_326 : vector<16xi32>
      %swap3A_328 = arith.constant 1 : i32
      %swap3A_329 = arith.index_cast %swap3A_328 : i32 to index
      %swap3A_330 = arith.constant 64 : index
      %swap3A_331 = tpu.vector_load %arg8[%swap3A_329, %swap3A_330] {strides = array<i32>} : memref<2x128xi32, #tpu.memory_space<vmem>>, vector<1x16xi32>,
      %swap3A_332 = vector.shape_cast %swap3A_331 : vector<1x16xi32> to vector<16xi32>
      %swap3A_333 = vector.shape_cast %shift_right_arithmetic3A_327 : vector<16xi32> to vector<1x16xi32>
      tpu.vector_store %arg8[%swap3A_329, %swap3A_330], %swap3A_333 {strides = array<i32>} : memref<2x128xi32, #tpu.memory_space<vmem>>, vector<1x16xi32>,
      %get3A_334 = arith.index_cast %sub3A_223 : i32 to index
      %get3A_335 = arith.constant 80 : index
      %get3A_336 = tpu.vector_load %arg6[%get3A_334, %get3A_335] {strides = array<i32>} : memref<80x128xi32, #tpu.memory_space<vmem>>, vector<1x16xi32>,
      %get3A_337 = vector.shape_cast %get3A_336 : vector<1x16xi32> to vector<16xi32>
      %and3A_338 = arith.constant 16383 : i32
      %and3A_339 = vector.broadcast %and3A_338 : i32 to vector<16xi32>
      %and3A_340 = arith.andi %get3A_337, %and3A_339 : vector<16xi32>
      %swap3A_341 = arith.constant 1 : i32
      %swap3A_342 = arith.index_cast %swap3A_341 : i32 to index
      %swap3A_343 = arith.constant 80 : index
      %swap3A_344 = tpu.vector_load %arg7[%swap3A_342, %swap3A_343] {strides = array<i32>} : memref<2x128xi32, #tpu.memory_space<vmem>>, vector<1x16xi32>,
      %swap3A_345 = vector.shape_cast %swap3A_344 : vector<1x16xi32> to vector<16xi32>
      %swap3A_346 = vector.shape_cast %and3A_340 : vector<16xi32> to vector<1x16xi32>
      tpu.vector_store %arg7[%swap3A_342, %swap3A_343], %swap3A_346 {strides = array<i32>} : memref<2x128xi32, #tpu.memory_space<vmem>>, vector<1x16xi32>,
      %shift_right_arithmetic3A_347 = arith.constant 14 : i32
      %shift_right_arithmetic3A_348 = vector.broadcast %shift_right_arithmetic3A_347 : i32 to vector<16xi32>
      %shift_right_arithmetic3A_349 = arith.shrsi %get3A_337, %shift_right_arithmetic3A_348 : vector<16xi32>
      %swap3A_350 = arith.constant 1 : i32
      %swap3A_351 = arith.index_cast %swap3A_350 : i32 to index
      %swap3A_352 = arith.constant 80 : index
      %swap3A_353 = tpu.vector_load %arg8[%swap3A_351, %swap3A_352] {strides = array<i32>} : memref<2x128xi32, #tpu.memory_space<vmem>>, vector<1x16xi32>,
      %swap3A_354 = vector.shape_cast %swap3A_353 : vector<1x16xi32> to vector<16xi32>
      %swap3A_355 = vector.shape_cast %shift_right_arithmetic3A_349 : vector<16xi32> to vector<1x16xi32>
      tpu.vector_store %arg8[%swap3A_351, %swap3A_352], %swap3A_355 {strides = array<i32>} : memref<2x128xi32, #tpu.memory_space<vmem>>, vector<1x16xi32>,
      %get3A_356 = arith.index_cast %sub3A_223 : i32 to index
      %get3A_357 = arith.constant 96 : index
      %get3A_358 = tpu.vector_load %arg6[%get3A_356, %get3A_357] {strides = array<i32>} : memref<80x128xi32, #tpu.memory_space<vmem>>, vector<1x16xi32>,
      %get3A_359 = vector.shape_cast %get3A_358 : vector<1x16xi32> to vector<16xi32>
      %and3A_360 = arith.constant 16383 : i32
      %and3A_361 = vector.broadcast %and3A_360 : i32 to vector<16xi32>
      %and3A_362 = arith.andi %get3A_359, %and3A_361 : vector<16xi32>
      %swap3A_363 = arith.constant 1 : i32
      %swap3A_364 = arith.index_cast %swap3A_363 : i32 to index
      %swap3A_365 = arith.constant 96 : index
      %swap3A_366 = tpu.vector_load %arg7[%swap3A_364, %swap3A_365] {strides = array<i32>} : memref<2x128xi32, #tpu.memory_space<vmem>>, vector<1x16xi32>,
      %swap3A_367 = vector.shape_cast %swap3A_366 : vector<1x16xi32> to vector<16xi32>
      %swap3A_368 = vector.shape_cast %and3A_362 : vector<16xi32> to vector<1x16xi32>
      tpu.vector_store %arg7[%swap3A_364, %swap3A_365], %swap3A_368 {strides = array<i32>} : memref<2x128xi32, #tpu.memory_space<vmem>>, vector<1x16xi32>,
      %shift_right_arithmetic3A_369 = arith.constant 14 : i32
      %shift_right_arithmetic3A_370 = vector.broadcast %shift_right_arithmetic3A_369 : i32 to vector<16xi32>
      %shift_right_arithmetic3A_371 = arith.shrsi %get3A_359, %shift_right_arithmetic3A_370 : vector<16xi32>
      %swap3A_372 = arith.constant 1 : i32
      %swap3A_373 = arith.index_cast %swap3A_372 : i32 to index
      %swap3A_374 = arith.constant 96 : index
      %swap3A_375 = tpu.vector_load %arg8[%swap3A_373, %swap3A_374] {strides = array<i32>} : memref<2x128xi32, #tpu.memory_space<vmem>>, vector<1x16xi32>,
      %swap3A_376 = vector.shape_cast %swap3A_375 : vector<1x16xi32> to vector<16xi32>
      %swap3A_377 = vector.shape_cast %shift_right_arithmetic3A_371 : vector<16xi32> to vector<1x16xi32>
      tpu.vector_store %arg8[%swap3A_373, %swap3A_374], %swap3A_377 {strides = array<i32>} : memref<2x128xi32, #tpu.memory_space<vmem>>, vector<1x16xi32>,
      %get3A_378 = arith.index_cast %sub3A_223 : i32 to index
      %get3A_379 = arith.constant 112 : index
      %get3A_380 = tpu.vector_load %arg6[%get3A_378, %get3A_379] {strides = array<i32>} : memref<80x128xi32, #tpu.memory_space<vmem>>, vector<1x16xi32>,
      %get3A_381 = vector.shape_cast %get3A_380 : vector<1x16xi32> to vector<16xi32>
      %and3A_382 = arith.constant 16383 : i32
      %and3A_383 = vector.broadcast %and3A_382 : i32 to vector<16xi32>
      %and3A_384 = arith.andi %get3A_381, %and3A_383 : vector<16xi32>
      %swap3A_385 = arith.constant 1 : i32
      %swap3A_386 = arith.index_cast %swap3A_385 : i32 to index
      %swap3A_387 = arith.constant 112 : index
      %swap3A_388 = tpu.vector_load %arg7[%swap3A_386, %swap3A_387] {strides = array<i32>} : memref<2x128xi32, #tpu.memory_space<vmem>>, vector<1x16xi32>,
      %swap3A_389 = vector.shape_cast %swap3A_388 : vector<1x16xi32> to vector<16xi32>
      %swap3A_390 = vector.shape_cast %and3A_384 : vector<16xi32> to vector<1x16xi32>
      tpu.vector_store %arg7[%swap3A_386, %swap3A_387], %swap3A_390 {strides = array<i32>} : memref<2x128xi32, #tpu.memory_space<vmem>>, vector<1x16xi32>,
      %shift_right_arithmetic3A_391 = arith.constant 14 : i32
      %shift_right_arithmetic3A_392 = vector.broadcast %shift_right_arithmetic3A_391 : i32 to vector<16xi32>
      %shift_right_arithmetic3A_393 = arith.shrsi %get3A_381, %shift_right_arithmetic3A_392 : vector<16xi32>
      %swap3A_394 = arith.constant 1 : i32
      %swap3A_395 = arith.index_cast %swap3A_394 : i32 to index
      %swap3A_396 = arith.constant 112 : index
      %swap3A_397 = tpu.vector_load %arg8[%swap3A_395, %swap3A_396] {strides = array<i32>} : memref<2x128xi32, #tpu.memory_space<vmem>>, vector<1x16xi32>,
      %swap3A_398 = vector.shape_cast %swap3A_397 : vector<1x16xi32> to vector<16xi32>
      %swap3A_399 = vector.shape_cast %shift_right_arithmetic3A_393 : vector<16xi32> to vector<1x16xi32>
      tpu.vector_store %arg8[%swap3A_395, %swap3A_396], %swap3A_399 {strides = array<i32>} : memref<2x128xi32, #tpu.memory_space<vmem>>, vector<1x16xi32>,
      %dma_start3A_400 = arith.constant 1 : i32
      %dma_start3A_401 = arith.constant 1 : i32
      %dma_start3A_402 = arith.constant 0 : i32
      %dma_start3A_403 = arith.constant 0 : i32
      %dma_start3A_404 = tpu.memref_slice %arg9[%dma_start3A_401, %dma_start3A_402, %dma_start3A_403] : memref<2x128x128xf32, #tpu.memory_space<vmem>> -> memref<1x128x128xf32, #tpu.memory_space<vmem>>
      %dma_start3A_405 = tpu.memref_squeeze %dma_start3A_404 : memref<1x128x128xf32, #tpu.memory_space<vmem>> -> memref<128x128xf32, #tpu.memory_space<vmem>>
      %dma_start3A_406 = arith.constant 0 : i32
      %dma_start3A_407 = tpu.memref_slice %arg7[%dma_start3A_400, %dma_start3A_406] : memref<2x128xi32, #tpu.memory_space<vmem>> -> memref<1x128xi32, #tpu.memory_space<vmem>>
      %dma_start3A_408 = tpu.memref_squeeze %dma_start3A_407 : memref<1x128xi32, #tpu.memory_space<vmem>> -> memref<128xi32, #tpu.memory_space<vmem>>
      %dma_start3A_409 = arith.constant 0 : i32
      %dma_start3A_410 = arith.constant 0 : i32
      %dma_start3A_411 = tpu.memref_slice %arg2[%dma_start3A_409, %dma_start3A_410] : memref<11024x128xf32, #tpu.memory_space<hbm>> -> memref<11024x128xf32, #tpu.memory_space<hbm>>
      tpu.enqueue_indirect_dma source(%dma_start3A_411 : memref<11024x128xf32, #tpu.memory_space<hbm>>) target(%dma_start3A_405 : memref<128x128xf32, #tpu.memory_space<vmem>>) offsets(%dma_start3A_408 : memref<128xi32, #tpu.memory_space<vmem>>) semaphore(%arg11 : memref<!tpu.dma_semaphore, #tpu.memory_space<semaphore_mem>>)
      %run_scoped3A = arith.constant 0 : i32
      %run_scoped3A_412 = arith.constant 0 : i32
      "tpu.region"() ({
        %run_scoped3A_433 = tpu.sem_alloc : memref<!tpu.dma_semaphore, #tpu.memory_space<semaphore_mem>>
        %dma_start3A_434 = arith.constant 0 : i32
        %dma_start3A_435 = arith.constant 0 : i32
        %dma_start3A_436 = tpu.memref_slice %arg9[%run_scoped3A, %dma_start3A_434, %dma_start3A_435] : memref<2x128x128xf32, #tpu.memory_space<vmem>> -> memref<1x128x128xf32, #tpu.memory_space<vmem>>
        %dma_start3A_437 = tpu.memref_squeeze %dma_start3A_436 : memref<1x128x128xf32, #tpu.memory_space<vmem>> -> memref<128x128xf32, #tpu.memory_space<vmem>>
        %dma_start3A_438 = arith.constant 0 : i32
        %dma_start3A_439 = tpu.memref_slice %arg8[%run_scoped3A_412, %dma_start3A_438] : memref<2x128xi32, #tpu.memory_space<vmem>> -> memref<1x128xi32, #tpu.memory_space<vmem>>
        %dma_start3A_440 = tpu.memref_squeeze %dma_start3A_439 : memref<1x128xi32, #tpu.memory_space<vmem>> -> memref<128xi32, #tpu.memory_space<vmem>>
        %dma_start3A_441 = arith.constant 0 : i32
        %dma_start3A_442 = arith.constant 0 : i32
        %dma_start3A_443 = tpu.memref_slice %arg12[%dma_start3A_441, %dma_start3A_442] : memref<10240x128xf32, #tpu.memory_space<vmem_shared>> -> memref<10240x128xf32, #tpu.memory_space<vmem_shared>>
        tpu.enqueue_indirect_dma source(%dma_start3A_437 : memref<128x128xf32, #tpu.memory_space<vmem>>) target(%dma_start3A_443 : memref<10240x128xf32, #tpu.memory_space<vmem_shared>>) offsets(%dma_start3A_440 : memref<128xi32, #tpu.memory_space<vmem>>) semaphore(%run_scoped3A_433 : memref<!tpu.dma_semaphore, #tpu.memory_space<semaphore_mem>>) {add = true}
        %dma_wait3A_444 = arith.constant 0 : i32
        %dma_wait3A_445 = arith.constant 0 : i32
        %dma_wait3A_446 = tpu.memref_slice %arg9[%run_scoped3A, %dma_wait3A_444, %dma_wait3A_445] : memref<2x128x128xf32, #tpu.memory_space<vmem>> -> memref<1x128x128xf32, #tpu.memory_space<vmem>>
        %dma_wait3A_447 = tpu.memref_squeeze %dma_wait3A_446 : memref<1x128x128xf32, #tpu.memory_space<vmem>> -> memref<128x128xf32, #tpu.memory_space<vmem>>
        %dma_wait3A_448 = arith.constant 0 : i32
        %dma_wait3A_449 = tpu.memref_slice %arg8[%run_scoped3A_412, %dma_wait3A_448] : memref<2x128xi32, #tpu.memory_space<vmem>> -> memref<1x128xi32, #tpu.memory_space<vmem>>
        %dma_wait3A_450 = tpu.memref_squeeze %dma_wait3A_449 : memref<1x128xi32, #tpu.memory_space<vmem>> -> memref<128xi32, #tpu.memory_space<vmem>>
        %dma_wait3A_451 = arith.constant 0 : i32
        %dma_wait3A_452 = arith.constant 0 : i32
        %dma_wait3A_453 = tpu.memref_slice %arg12[%dma_wait3A_451, %dma_wait3A_452] : memref<10240x128xf32, #tpu.memory_space<vmem_shared>> -> memref<10240x128xf32, #tpu.memory_space<vmem_shared>>
        tpu.wait_indirect_dma semaphore(%run_scoped3A_433 : memref<!tpu.dma_semaphore, #tpu.memory_space<semaphore_mem>>) src(%dma_wait3A_447 : memref<128x128xf32, #tpu.memory_space<vmem>>) dst(%dma_wait3A_453 : memref<10240x128xf32, #tpu.memory_space<vmem_shared>>)
        tpu.yield
      }) : () -> ()
      %dma_wait3A_413 = arith.constant 1 : i32
      %dma_wait3A_414 = arith.constant 1 : i32
      %dma_wait3A_415 = arith.constant 0 : i32
      %dma_wait3A_416 = arith.constant 0 : i32
      %dma_wait3A_417 = tpu.memref_slice %arg9[%dma_wait3A_414, %dma_wait3A_415, %dma_wait3A_416] : memref<2x128x128xf32, #tpu.memory_space<vmem>> -> memref<1x128x128xf32, #tpu.memory_space<vmem>>
      %dma_wait3A_418 = tpu.memref_squeeze %dma_wait3A_417 : memref<1x128x128xf32, #tpu.memory_space<vmem>> -> memref<128x128xf32, #tpu.memory_space<vmem>>
      %dma_wait3A_419 = arith.constant 0 : i32
      %dma_wait3A_420 = tpu.memref_slice %arg7[%dma_wait3A_413, %dma_wait3A_419] : memref<2x128xi32, #tpu.memory_space<vmem>> -> memref<1x128xi32, #tpu.memory_space<vmem>>
      %dma_wait3A_421 = tpu.memref_squeeze %dma_wait3A_420 : memref<1x128xi32, #tpu.memory_space<vmem>> -> memref<128xi32, #tpu.memory_space<vmem>>
      %dma_wait3A_422 = arith.constant 0 : i32
      %dma_wait3A_423 = arith.constant 0 : i32
      %dma_wait3A_424 = tpu.memref_slice %arg2[%dma_wait3A_422, %dma_wait3A_423] : memref<11024x128xf32, #tpu.memory_space<hbm>> -> memref<11024x128xf32, #tpu.memory_space<hbm>>
      tpu.wait_indirect_dma semaphore(%arg11 : memref<!tpu.dma_semaphore, #tpu.memory_space<semaphore_mem>>) src(%dma_wait3A_424 : memref<11024x128xf32, #tpu.memory_space<hbm>>) dst(%dma_wait3A_418 : memref<128x128xf32, #tpu.memory_space<vmem>>)
      %eq3A = arith.constant 79 : i32
      %eq3A_425 = arith.cmpi eq, %add3A_206, %eq3A : i32
      %convert_element_type3A = arith.extui %eq3A_425 : i1 to i32
      %cond3A = arith.constant 0 : i32
      %cond3A_426 = arith.cmpi ne, %convert_element_type3A, %cond3A : i32
      scf.if %cond3A_426 {
        "tpu.region"() ({
          %run_scoped3A_433 = tpu.sem_alloc : memref<!tpu.dma_semaphore, #tpu.memory_space<semaphore_mem>>
          %dma_start3A_434 = arith.constant 80 : i32
          %dma_start3A_435 = arith.constant 0 : i32
          %dma_start3A_436 = tpu.memref_slice %arg3[%add3A, %dma_start3A_434, %dma_start3A_435] : memref<32x160x128xi32, #tpu.memory_space<hbm>> -> memref<1x80x128xi32, #tpu.memory_space<hbm>>
          %dma_start3A_437 = tpu.memref_squeeze %dma_start3A_436 : memref<1x80x128xi32, #tpu.memory_space<hbm>> -> memref<80x128xi32, #tpu.memory_space<hbm>>
          %dma_start3A_438 = arith.constant 80 : i32
          %dma_start3A_439 = arith.constant 0 : i32
          %dma_start3A_440 = tpu.memref_slice %arg3[%add3A, %dma_start3A_438, %dma_start3A_439] : memref<32x160x128xi32, #tpu.memory_space<hbm>> -> memref<1x80x128xi32, #tpu.memory_space<hbm>>
          %dma_start3A_441 = tpu.memref_squeeze %dma_start3A_440 : memref<1x80x128xi32, #tpu.memory_space<hbm>> -> memref<80x128xi32, #tpu.memory_space<hbm>>
          tpu.enqueue_dma source(%dma_start3A_441 : memref<80x128xi32, #tpu.memory_space<hbm>>) target(%arg6 : memref<80x128xi32, #tpu.memory_space<vmem>>) target_semaphore(%run_scoped3A_433 : memref<!tpu.dma_semaphore, #tpu.memory_space<semaphore_mem>>)
          %dma_wait3A_442 = arith.constant 80 : i32
          %dma_wait3A_443 = arith.constant 0 : i32
          %dma_wait3A_444 = tpu.memref_slice %arg3[%add3A, %dma_wait3A_442, %dma_wait3A_443] : memref<32x160x128xi32, #tpu.memory_space<hbm>> -> memref<1x80x128xi32, #tpu.memory_space<hbm>>
          %dma_wait3A_445 = tpu.memref_squeeze %dma_wait3A_444 : memref<1x80x128xi32, #tpu.memory_space<hbm>> -> memref<80x128xi32, #tpu.memory_space<hbm>>
          %dma_wait3A_446 = arith.constant 80 : i32
          %dma_wait3A_447 = arith.constant 0 : i32
          %dma_wait3A_448 = tpu.memref_slice %arg3[%add3A, %dma_wait3A_446, %dma_wait3A_447] : memref<32x160x128xi32, #tpu.memory_space<hbm>> -> memref<1x80x128xi32, #tpu.memory_space<hbm>>
          %dma_wait3A_449 = tpu.memref_squeeze %dma_wait3A_448 : memref<1x80x128xi32, #tpu.memory_space<hbm>> -> memref<80x128xi32, #tpu.memory_space<hbm>>
          tpu.wait_dma2 semaphore(%run_scoped3A_433 : memref<!tpu.dma_semaphore, #tpu.memory_space<semaphore_mem>>) src(%dma_wait3A_449 : memref<80x128xi32, #tpu.memory_space<hbm>>) dst(%arg6 : memref<80x128xi32, #tpu.memory_space<vmem>>)
          tpu.yield
        }) : () -> ()
      } else {
      }
      %ne3A = arith.constant 159 : i32
      %ne3A_427 = arith.cmpi ne, %add3A_206, %ne3A : i32
      %convert_element_type3A_428 = arith.extui %ne3A_427 : i1 to i32
      %cond3A_429 = arith.constant 0 : i32
      %cond3A_430 = arith.cmpi ne, %convert_element_type3A_428, %cond3A_429 : i32
      scf.if %cond3A_430 {
        %add3A_433 = arith.constant 1 : i32
        %add3A_434 = arith.addi %add3A_206, %add3A_433 : i32
        %ge3A_435 = arith.constant 80 : i32
        %ge3A_436 = arith.cmpi sge, %add3A_434, %ge3A_435 : i32
        %jit3A_437 = arith.constant 80 : i32
        %jit3A_438 = arith.constant 0 : i32
        %select_n3A_439 = arith.select %ge3A_436, %jit3A_437, %jit3A_438 : i32
        %sub3A_440 = arith.subi %add3A_434, %select_n3A_439 : i32
        %get3A_441 = arith.index_cast %sub3A_440 : i32 to index
        %get3A_442 = arith.constant 0 : index
        %get3A_443 = tpu.vector_load %arg6[%get3A_441, %get3A_442] {strides = array<i32>} : memref<80x128xi32, #tpu.memory_space<vmem>>, vector<1x16xi32>,
        %get3A_444 = vector.shape_cast %get3A_443 : vector<1x16xi32> to vector<16xi32>
        %and3A_445 = arith.constant 16383 : i32
        %and3A_446 = vector.broadcast %and3A_445 : i32 to vector<16xi32>
        %and3A_447 = arith.andi %get3A_444, %and3A_446 : vector<16xi32>
        %swap3A_448 = arith.constant 0 : i32
        %swap3A_449 = arith.index_cast %swap3A_448 : i32 to index
        %swap3A_450 = arith.constant 0 : index
        %swap3A_451 = tpu.vector_load %arg7[%swap3A_449, %swap3A_450] {strides = array<i32>} : memref<2x128xi32, #tpu.memory_space<vmem>>, vector<1x16xi32>,
        %swap3A_452 = vector.shape_cast %swap3A_451 : vector<1x16xi32> to vector<16xi32>
        %swap3A_453 = vector.shape_cast %and3A_447 : vector<16xi32> to vector<1x16xi32>
        tpu.vector_store %arg7[%swap3A_449, %swap3A_450], %swap3A_453 {strides = array<i32>} : memref<2x128xi32, #tpu.memory_space<vmem>>, vector<1x16xi32>,
        %shift_right_arithmetic3A_454 = arith.constant 14 : i32
        %shift_right_arithmetic3A_455 = vector.broadcast %shift_right_arithmetic3A_454 : i32 to vector<16xi32>
        %shift_right_arithmetic3A_456 = arith.shrsi %get3A_444, %shift_right_arithmetic3A_455 : vector<16xi32>
        %swap3A_457 = arith.constant 0 : i32
        %swap3A_458 = arith.index_cast %swap3A_457 : i32 to index
        %swap3A_459 = arith.constant 0 : index
        %swap3A_460 = tpu.vector_load %arg8[%swap3A_458, %swap3A_459] {strides = array<i32>} : memref<2x128xi32, #tpu.memory_space<vmem>>, vector<1x16xi32>,
        %swap3A_461 = vector.shape_cast %swap3A_460 : vector<1x16xi32> to vector<16xi32>
        %swap3A_462 = vector.shape_cast %shift_right_arithmetic3A_456 : vector<16xi32> to vector<1x16xi32>
        tpu.vector_store %arg8[%swap3A_458, %swap3A_459], %swap3A_462 {strides = array<i32>} : memref<2x128xi32, #tpu.memory_space<vmem>>, vector<1x16xi32>,
        %get3A_463 = arith.index_cast %sub3A_440 : i32 to index
        %get3A_464 = arith.constant 16 : index
        %get3A_465 = tpu.vector_load %arg6[%get3A_463, %get3A_464] {strides = array<i32>} : memref<80x128xi32, #tpu.memory_space<vmem>>, vector<1x16xi32>,
        %get3A_466 = vector.shape_cast %get3A_465 : vector<1x16xi32> to vector<16xi32>
        %and3A_467 = arith.constant 16383 : i32
        %and3A_468 = vector.broadcast %and3A_467 : i32 to vector<16xi32>
        %and3A_469 = arith.andi %get3A_466, %and3A_468 : vector<16xi32>
        %swap3A_470 = arith.constant 0 : i32
        %swap3A_471 = arith.index_cast %swap3A_470 : i32 to index
        %swap3A_472 = arith.constant 16 : index
        %swap3A_473 = tpu.vector_load %arg7[%swap3A_471, %swap3A_472] {strides = array<i32>} : memref<2x128xi32, #tpu.memory_space<vmem>>, vector<1x16xi32>,
        %swap3A_474 = vector.shape_cast %swap3A_473 : vector<1x16xi32> to vector<16xi32>
        %swap3A_475 = vector.shape_cast %and3A_469 : vector<16xi32> to vector<1x16xi32>
        tpu.vector_store %arg7[%swap3A_471, %swap3A_472], %swap3A_475 {strides = array<i32>} : memref<2x128xi32, #tpu.memory_space<vmem>>, vector<1x16xi32>,
        %shift_right_arithmetic3A_476 = arith.constant 14 : i32
        %shift_right_arithmetic3A_477 = vector.broadcast %shift_right_arithmetic3A_476 : i32 to vector<16xi32>
        %shift_right_arithmetic3A_478 = arith.shrsi %get3A_466, %shift_right_arithmetic3A_477 : vector<16xi32>
        %swap3A_479 = arith.constant 0 : i32
        %swap3A_480 = arith.index_cast %swap3A_479 : i32 to index
        %swap3A_481 = arith.constant 16 : index
        %swap3A_482 = tpu.vector_load %arg8[%swap3A_480, %swap3A_481] {strides = array<i32>} : memref<2x128xi32, #tpu.memory_space<vmem>>, vector<1x16xi32>,
        %swap3A_483 = vector.shape_cast %swap3A_482 : vector<1x16xi32> to vector<16xi32>
        %swap3A_484 = vector.shape_cast %shift_right_arithmetic3A_478 : vector<16xi32> to vector<1x16xi32>
        tpu.vector_store %arg8[%swap3A_480, %swap3A_481], %swap3A_484 {strides = array<i32>} : memref<2x128xi32, #tpu.memory_space<vmem>>, vector<1x16xi32>,
        %get3A_485 = arith.index_cast %sub3A_440 : i32 to index
        %get3A_486 = arith.constant 32 : index
        %get3A_487 = tpu.vector_load %arg6[%get3A_485, %get3A_486] {strides = array<i32>} : memref<80x128xi32, #tpu.memory_space<vmem>>, vector<1x16xi32>,
        %get3A_488 = vector.shape_cast %get3A_487 : vector<1x16xi32> to vector<16xi32>
        %and3A_489 = arith.constant 16383 : i32
        %and3A_490 = vector.broadcast %and3A_489 : i32 to vector<16xi32>
        %and3A_491 = arith.andi %get3A_488, %and3A_490 : vector<16xi32>
        %swap3A_492 = arith.constant 0 : i32
        %swap3A_493 = arith.index_cast %swap3A_492 : i32 to index
        %swap3A_494 = arith.constant 32 : index
        %swap3A_495 = tpu.vector_load %arg7[%swap3A_493, %swap3A_494] {strides = array<i32>} : memref<2x128xi32, #tpu.memory_space<vmem>>, vector<1x16xi32>,
        %swap3A_496 = vector.shape_cast %swap3A_495 : vector<1x16xi32> to vector<16xi32>
        %swap3A_497 = vector.shape_cast %and3A_491 : vector<16xi32> to vector<1x16xi32>
        tpu.vector_store %arg7[%swap3A_493, %swap3A_494], %swap3A_497 {strides = array<i32>} : memref<2x128xi32, #tpu.memory_space<vmem>>, vector<1x16xi32>,
        %shift_right_arithmetic3A_498 = arith.constant 14 : i32
        %shift_right_arithmetic3A_499 = vector.broadcast %shift_right_arithmetic3A_498 : i32 to vector<16xi32>
        %shift_right_arithmetic3A_500 = arith.shrsi %get3A_488, %shift_right_arithmetic3A_499 : vector<16xi32>
        %swap3A_501 = arith.constant 0 : i32
        %swap3A_502 = arith.index_cast %swap3A_501 : i32 to index
        %swap3A_503 = arith.constant 32 : index
        %swap3A_504 = tpu.vector_load %arg8[%swap3A_502, %swap3A_503] {strides = array<i32>} : memref<2x128xi32, #tpu.memory_space<vmem>>, vector<1x16xi32>,
        %swap3A_505 = vector.shape_cast %swap3A_504 : vector<1x16xi32> to vector<16xi32>
        %swap3A_506 = vector.shape_cast %shift_right_arithmetic3A_500 : vector<16xi32> to vector<1x16xi32>
        tpu.vector_store %arg8[%swap3A_502, %swap3A_503], %swap3A_506 {strides = array<i32>} : memref<2x128xi32, #tpu.memory_space<vmem>>, vector<1x16xi32>,
        %get3A_507 = arith.index_cast %sub3A_440 : i32 to index
        %get3A_508 = arith.constant 48 : index
        %get3A_509 = tpu.vector_load %arg6[%get3A_507, %get3A_508] {strides = array<i32>} : memref<80x128xi32, #tpu.memory_space<vmem>>, vector<1x16xi32>,
        %get3A_510 = vector.shape_cast %get3A_509 : vector<1x16xi32> to vector<16xi32>
        %and3A_511 = arith.constant 16383 : i32
        %and3A_512 = vector.broadcast %and3A_511 : i32 to vector<16xi32>
        %and3A_513 = arith.andi %get3A_510, %and3A_512 : vector<16xi32>
        %swap3A_514 = arith.constant 0 : i32
        %swap3A_515 = arith.index_cast %swap3A_514 : i32 to index
        %swap3A_516 = arith.constant 48 : index
        %swap3A_517 = tpu.vector_load %arg7[%swap3A_515, %swap3A_516] {strides = array<i32>} : memref<2x128xi32, #tpu.memory_space<vmem>>, vector<1x16xi32>,
        %swap3A_518 = vector.shape_cast %swap3A_517 : vector<1x16xi32> to vector<16xi32>
        %swap3A_519 = vector.shape_cast %and3A_513 : vector<16xi32> to vector<1x16xi32>
        tpu.vector_store %arg7[%swap3A_515, %swap3A_516], %swap3A_519 {strides = array<i32>} : memref<2x128xi32, #tpu.memory_space<vmem>>, vector<1x16xi32>,
        %shift_right_arithmetic3A_520 = arith.constant 14 : i32
        %shift_right_arithmetic3A_521 = vector.broadcast %shift_right_arithmetic3A_520 : i32 to vector<16xi32>
        %shift_right_arithmetic3A_522 = arith.shrsi %get3A_510, %shift_right_arithmetic3A_521 : vector<16xi32>
        %swap3A_523 = arith.constant 0 : i32
        %swap3A_524 = arith.index_cast %swap3A_523 : i32 to index
        %swap3A_525 = arith.constant 48 : index
        %swap3A_526 = tpu.vector_load %arg8[%swap3A_524, %swap3A_525] {strides = array<i32>} : memref<2x128xi32, #tpu.memory_space<vmem>>, vector<1x16xi32>,
        %swap3A_527 = vector.shape_cast %swap3A_526 : vector<1x16xi32> to vector<16xi32>
        %swap3A_528 = vector.shape_cast %shift_right_arithmetic3A_522 : vector<16xi32> to vector<1x16xi32>
        tpu.vector_store %arg8[%swap3A_524, %swap3A_525], %swap3A_528 {strides = array<i32>} : memref<2x128xi32, #tpu.memory_space<vmem>>, vector<1x16xi32>,
        %get3A_529 = arith.index_cast %sub3A_440 : i32 to index
        %get3A_530 = arith.constant 64 : index
        %get3A_531 = tpu.vector_load %arg6[%get3A_529, %get3A_530] {strides = array<i32>} : memref<80x128xi32, #tpu.memory_space<vmem>>, vector<1x16xi32>,
        %get3A_532 = vector.shape_cast %get3A_531 : vector<1x16xi32> to vector<16xi32>
        %and3A_533 = arith.constant 16383 : i32
        %and3A_534 = vector.broadcast %and3A_533 : i32 to vector<16xi32>
        %and3A_535 = arith.andi %get3A_532, %and3A_534 : vector<16xi32>
        %swap3A_536 = arith.constant 0 : i32
        %swap3A_537 = arith.index_cast %swap3A_536 : i32 to index
        %swap3A_538 = arith.constant 64 : index
        %swap3A_539 = tpu.vector_load %arg7[%swap3A_537, %swap3A_538] {strides = array<i32>} : memref<2x128xi32, #tpu.memory_space<vmem>>, vector<1x16xi32>,
        %swap3A_540 = vector.shape_cast %swap3A_539 : vector<1x16xi32> to vector<16xi32>
        %swap3A_541 = vector.shape_cast %and3A_535 : vector<16xi32> to vector<1x16xi32>
        tpu.vector_store %arg7[%swap3A_537, %swap3A_538], %swap3A_541 {strides = array<i32>} : memref<2x128xi32, #tpu.memory_space<vmem>>, vector<1x16xi32>,
        %shift_right_arithmetic3A_542 = arith.constant 14 : i32
        %shift_right_arithmetic3A_543 = vector.broadcast %shift_right_arithmetic3A_542 : i32 to vector<16xi32>
        %shift_right_arithmetic3A_544 = arith.shrsi %get3A_532, %shift_right_arithmetic3A_543 : vector<16xi32>
        %swap3A_545 = arith.constant 0 : i32
        %swap3A_546 = arith.index_cast %swap3A_545 : i32 to index
        %swap3A_547 = arith.constant 64 : index
        %swap3A_548 = tpu.vector_load %arg8[%swap3A_546, %swap3A_547] {strides = array<i32>} : memref<2x128xi32, #tpu.memory_space<vmem>>, vector<1x16xi32>,
        %swap3A_549 = vector.shape_cast %swap3A_548 : vector<1x16xi32> to vector<16xi32>
        %swap3A_550 = vector.shape_cast %shift_right_arithmetic3A_544 : vector<16xi32> to vector<1x16xi32>
        tpu.vector_store %arg8[%swap3A_546, %swap3A_547], %swap3A_550 {strides = array<i32>} : memref<2x128xi32, #tpu.memory_space<vmem>>, vector<1x16xi32>,
        %get3A_551 = arith.index_cast %sub3A_440 : i32 to index
        %get3A_552 = arith.constant 80 : index
        %get3A_553 = tpu.vector_load %arg6[%get3A_551, %get3A_552] {strides = array<i32>} : memref<80x128xi32, #tpu.memory_space<vmem>>, vector<1x16xi32>,
        %get3A_554 = vector.shape_cast %get3A_553 : vector<1x16xi32> to vector<16xi32>
        %and3A_555 = arith.constant 16383 : i32
        %and3A_556 = vector.broadcast %and3A_555 : i32 to vector<16xi32>
        %and3A_557 = arith.andi %get3A_554, %and3A_556 : vector<16xi32>
        %swap3A_558 = arith.constant 0 : i32
        %swap3A_559 = arith.index_cast %swap3A_558 : i32 to index
        %swap3A_560 = arith.constant 80 : index
        %swap3A_561 = tpu.vector_load %arg7[%swap3A_559, %swap3A_560] {strides = array<i32>} : memref<2x128xi32, #tpu.memory_space<vmem>>, vector<1x16xi32>,
        %swap3A_562 = vector.shape_cast %swap3A_561 : vector<1x16xi32> to vector<16xi32>
        %swap3A_563 = vector.shape_cast %and3A_557 : vector<16xi32> to vector<1x16xi32>
        tpu.vector_store %arg7[%swap3A_559, %swap3A_560], %swap3A_563 {strides = array<i32>} : memref<2x128xi32, #tpu.memory_space<vmem>>, vector<1x16xi32>,
        %shift_right_arithmetic3A_564 = arith.constant 14 : i32
        %shift_right_arithmetic3A_565 = vector.broadcast %shift_right_arithmetic3A_564 : i32 to vector<16xi32>
        %shift_right_arithmetic3A_566 = arith.shrsi %get3A_554, %shift_right_arithmetic3A_565 : vector<16xi32>
        %swap3A_567 = arith.constant 0 : i32
        %swap3A_568 = arith.index_cast %swap3A_567 : i32 to index
        %swap3A_569 = arith.constant 80 : index
        %swap3A_570 = tpu.vector_load %arg8[%swap3A_568, %swap3A_569] {strides = array<i32>} : memref<2x128xi32, #tpu.memory_space<vmem>>, vector<1x16xi32>,
        %swap3A_571 = vector.shape_cast %swap3A_570 : vector<1x16xi32> to vector<16xi32>
        %swap3A_572 = vector.shape_cast %shift_right_arithmetic3A_566 : vector<16xi32> to vector<1x16xi32>
        tpu.vector_store %arg8[%swap3A_568, %swap3A_569], %swap3A_572 {strides = array<i32>} : memref<2x128xi32, #tpu.memory_space<vmem>>, vector<1x16xi32>,
        %get3A_573 = arith.index_cast %sub3A_440 : i32 to index
        %get3A_574 = arith.constant 96 : index
        %get3A_575 = tpu.vector_load %arg6[%get3A_573, %get3A_574] {strides = array<i32>} : memref<80x128xi32, #tpu.memory_space<vmem>>, vector<1x16xi32>,
        %get3A_576 = vector.shape_cast %get3A_575 : vector<1x16xi32> to vector<16xi32>
        %and3A_577 = arith.constant 16383 : i32
        %and3A_578 = vector.broadcast %and3A_577 : i32 to vector<16xi32>
        %and3A_579 = arith.andi %get3A_576, %and3A_578 : vector<16xi32>
        %swap3A_580 = arith.constant 0 : i32
        %swap3A_581 = arith.index_cast %swap3A_580 : i32 to index
        %swap3A_582 = arith.constant 96 : index
        %swap3A_583 = tpu.vector_load %arg7[%swap3A_581, %swap3A_582] {strides = array<i32>} : memref<2x128xi32, #tpu.memory_space<vmem>>, vector<1x16xi32>,
        %swap3A_584 = vector.shape_cast %swap3A_583 : vector<1x16xi32> to vector<16xi32>
        %swap3A_585 = vector.shape_cast %and3A_579 : vector<16xi32> to vector<1x16xi32>
        tpu.vector_store %arg7[%swap3A_581, %swap3A_582], %swap3A_585 {strides = array<i32>} : memref<2x128xi32, #tpu.memory_space<vmem>>, vector<1x16xi32>,
        %shift_right_arithmetic3A_586 = arith.constant 14 : i32
        %shift_right_arithmetic3A_587 = vector.broadcast %shift_right_arithmetic3A_586 : i32 to vector<16xi32>
        %shift_right_arithmetic3A_588 = arith.shrsi %get3A_576, %shift_right_arithmetic3A_587 : vector<16xi32>
        %swap3A_589 = arith.constant 0 : i32
        %swap3A_590 = arith.index_cast %swap3A_589 : i32 to index
        %swap3A_591 = arith.constant 96 : index
        %swap3A_592 = tpu.vector_load %arg8[%swap3A_590, %swap3A_591] {strides = array<i32>} : memref<2x128xi32, #tpu.memory_space<vmem>>, vector<1x16xi32>,
        %swap3A_593 = vector.shape_cast %swap3A_592 : vector<1x16xi32> to vector<16xi32>
        %swap3A_594 = vector.shape_cast %shift_right_arithmetic3A_588 : vector<16xi32> to vector<1x16xi32>
        tpu.vector_store %arg8[%swap3A_590, %swap3A_591], %swap3A_594 {strides = array<i32>} : memref<2x128xi32, #tpu.memory_space<vmem>>, vector<1x16xi32>,
        %get3A_595 = arith.index_cast %sub3A_440 : i32 to index
        %get3A_596 = arith.constant 112 : index
        %get3A_597 = tpu.vector_load %arg6[%get3A_595, %get3A_596] {strides = array<i32>} : memref<80x128xi32, #tpu.memory_space<vmem>>, vector<1x16xi32>,
        %get3A_598 = vector.shape_cast %get3A_597 : vector<1x16xi32> to vector<16xi32>
        %and3A_599 = arith.constant 16383 : i32
        %and3A_600 = vector.broadcast %and3A_599 : i32 to vector<16xi32>
        %and3A_601 = arith.andi %get3A_598, %and3A_600 : vector<16xi32>
        %swap3A_602 = arith.constant 0 : i32
        %swap3A_603 = arith.index_cast %swap3A_602 : i32 to index
        %swap3A_604 = arith.constant 112 : index
        %swap3A_605 = tpu.vector_load %arg7[%swap3A_603, %swap3A_604] {strides = array<i32>} : memref<2x128xi32, #tpu.memory_space<vmem>>, vector<1x16xi32>,
        %swap3A_606 = vector.shape_cast %swap3A_605 : vector<1x16xi32> to vector<16xi32>
        %swap3A_607 = vector.shape_cast %and3A_601 : vector<16xi32> to vector<1x16xi32>
        tpu.vector_store %arg7[%swap3A_603, %swap3A_604], %swap3A_607 {strides = array<i32>} : memref<2x128xi32, #tpu.memory_space<vmem>>, vector<1x16xi32>,
        %shift_right_arithmetic3A_608 = arith.constant 14 : i32
        %shift_right_arithmetic3A_609 = vector.broadcast %shift_right_arithmetic3A_608 : i32 to vector<16xi32>
        %shift_right_arithmetic3A_610 = arith.shrsi %get3A_598, %shift_right_arithmetic3A_609 : vector<16xi32>
        %swap3A_611 = arith.constant 0 : i32
        %swap3A_612 = arith.index_cast %swap3A_611 : i32 to index
        %swap3A_613 = arith.constant 112 : index
        %swap3A_614 = tpu.vector_load %arg8[%swap3A_612, %swap3A_613] {strides = array<i32>} : memref<2x128xi32, #tpu.memory_space<vmem>>, vector<1x16xi32>,
        %swap3A_615 = vector.shape_cast %swap3A_614 : vector<1x16xi32> to vector<16xi32>
        %swap3A_616 = vector.shape_cast %shift_right_arithmetic3A_610 : vector<16xi32> to vector<1x16xi32>
        tpu.vector_store %arg8[%swap3A_612, %swap3A_613], %swap3A_616 {strides = array<i32>} : memref<2x128xi32, #tpu.memory_space<vmem>>, vector<1x16xi32>,
        %dma_start3A_617 = arith.constant 0 : i32
        %dma_start3A_618 = arith.constant 0 : i32
        %dma_start3A_619 = arith.constant 0 : i32
        %dma_start3A_620 = arith.constant 0 : i32
        %dma_start3A_621 = tpu.memref_slice %arg9[%dma_start3A_618, %dma_start3A_619, %dma_start3A_620] : memref<2x128x128xf32, #tpu.memory_space<vmem>> -> memref<1x128x128xf32, #tpu.memory_space<vmem>>
        %dma_start3A_622 = tpu.memref_squeeze %dma_start3A_621 : memref<1x128x128xf32, #tpu.memory_space<vmem>> -> memref<128x128xf32, #tpu.memory_space<vmem>>
        %dma_start3A_623 = arith.constant 0 : i32
        %dma_start3A_624 = tpu.memref_slice %arg7[%dma_start3A_617, %dma_start3A_623] : memref<2x128xi32, #tpu.memory_space<vmem>> -> memref<1x128xi32, #tpu.memory_space<vmem>>
        %dma_start3A_625 = tpu.memref_squeeze %dma_start3A_624 : memref<1x128xi32, #tpu.memory_space<vmem>> -> memref<128xi32, #tpu.memory_space<vmem>>
        %dma_start3A_626 = arith.constant 0 : i32
        %dma_start3A_627 = arith.constant 0 : i32
        %dma_start3A_628 = tpu.memref_slice %arg2[%dma_start3A_626, %dma_start3A_627] : memref<11024x128xf32, #tpu.memory_space<hbm>> -> memref<11024x128xf32, #tpu.memory_space<hbm>>
        tpu.enqueue_indirect_dma source(%dma_start3A_628 : memref<11024x128xf32, #tpu.memory_space<hbm>>) target(%dma_start3A_622 : memref<128x128xf32, #tpu.memory_space<vmem>>) offsets(%dma_start3A_625 : memref<128xi32, #tpu.memory_space<vmem>>) semaphore(%arg10 : memref<!tpu.dma_semaphore, #tpu.memory_space<semaphore_mem>>)
      } else {
      }
      %run_scoped3A_431 = arith.constant 1 : i32
      %run_scoped3A_432 = arith.constant 1 : i32
      "tpu.region"() ({
        %run_scoped3A_433 = tpu.sem_alloc : memref<!tpu.dma_semaphore, #tpu.memory_space<semaphore_mem>>
        %dma_start3A_434 = arith.constant 0 : i32
        %dma_start3A_435 = arith.constant 0 : i32
        %dma_start3A_436 = tpu.memref_slice %arg9[%run_scoped3A_431, %dma_start3A_434, %dma_start3A_435] : memref<2x128x128xf32, #tpu.memory_space<vmem>> -> memref<1x128x128xf32, #tpu.memory_space<vmem>>
        %dma_start3A_437 = tpu.memref_squeeze %dma_start3A_436 : memref<1x128x128xf32, #tpu.memory_space<vmem>> -> memref<128x128xf32, #tpu.memory_space<vmem>>
        %dma_start3A_438 = arith.constant 0 : i32
        %dma_start3A_439 = tpu.memref_slice %arg8[%run_scoped3A_432, %dma_start3A_438] : memref<2x128xi32, #tpu.memory_space<vmem>> -> memref<1x128xi32, #tpu.memory_space<vmem>>
        %dma_start3A_440 = tpu.memref_squeeze %dma_start3A_439 : memref<1x128xi32, #tpu.memory_space<vmem>> -> memref<128xi32, #tpu.memory_space<vmem>>
        %dma_start3A_441 = arith.constant 0 : i32
        %dma_start3A_442 = arith.constant 0 : i32
        %dma_start3A_443 = tpu.memref_slice %arg12[%dma_start3A_441, %dma_start3A_442] : memref<10240x128xf32, #tpu.memory_space<vmem_shared>> -> memref<10240x128xf32, #tpu.memory_space<vmem_shared>>
        tpu.enqueue_indirect_dma source(%dma_start3A_437 : memref<128x128xf32, #tpu.memory_space<vmem>>) target(%dma_start3A_443 : memref<10240x128xf32, #tpu.memory_space<vmem_shared>>) offsets(%dma_start3A_440 : memref<128xi32, #tpu.memory_space<vmem>>) semaphore(%run_scoped3A_433 : memref<!tpu.dma_semaphore, #tpu.memory_space<semaphore_mem>>) {add = true}
        %dma_wait3A_444 = arith.constant 0 : i32
        %dma_wait3A_445 = arith.constant 0 : i32
        %dma_wait3A_446 = tpu.memref_slice %arg9[%run_scoped3A_431, %dma_wait3A_444, %dma_wait3A_445] : memref<2x128x128xf32, #tpu.memory_space<vmem>> -> memref<1x128x128xf32, #tpu.memory_space<vmem>>
        %dma_wait3A_447 = tpu.memref_squeeze %dma_wait3A_446 : memref<1x128x128xf32, #tpu.memory_space<vmem>> -> memref<128x128xf32, #tpu.memory_space<vmem>>
        %dma_wait3A_448 = arith.constant 0 : i32
        %dma_wait3A_449 = tpu.memref_slice %arg8[%run_scoped3A_432, %dma_wait3A_448] : memref<2x128xi32, #tpu.memory_space<vmem>> -> memref<1x128xi32, #tpu.memory_space<vmem>>
        %dma_wait3A_450 = tpu.memref_squeeze %dma_wait3A_449 : memref<1x128xi32, #tpu.memory_space<vmem>> -> memref<128xi32, #tpu.memory_space<vmem>>
        %dma_wait3A_451 = arith.constant 0 : i32
        %dma_wait3A_452 = arith.constant 0 : i32
        %dma_wait3A_453 = tpu.memref_slice %arg12[%dma_wait3A_451, %dma_wait3A_452] : memref<10240x128xf32, #tpu.memory_space<vmem_shared>> -> memref<10240x128xf32, #tpu.memory_space<vmem_shared>>
        tpu.wait_indirect_dma semaphore(%run_scoped3A_433 : memref<!tpu.dma_semaphore, #tpu.memory_space<semaphore_mem>>) src(%dma_wait3A_447 : memref<128x128xf32, #tpu.memory_space<vmem>>) dst(%dma_wait3A_453 : memref<10240x128xf32, #tpu.memory_space<vmem_shared>>)
        tpu.yield
      }) : () -> ()
    }
    %scan3A_196 = arith.constant 80 : i32
    %barrier3A_197 = arith.constant 0 : index
    tpu.barrier barrier_id(%barrier3A_197)
    %mul3A_198 = arith.constant 640 : i32
    %mul3A_199 = arith.muli %arg1, %mul3A_198 : i32
    %mul3A_200 = arith.constant 640 : i32
    %mul3A_201 = arith.muli %arg1, %mul3A_200 : i32
    "tpu.region"() ({
      %run_scoped3A = tpu.sem_alloc : memref<!tpu.dma_semaphore, #tpu.memory_space<semaphore_mem>>
      %dma_start3A_202 = arith.constant 0 : i32
      %dma_start3A_203 = tpu.memref_slice %arg5[%arg0, %mul3A_201, %dma_start3A_202] : memref<2x10240x128xf32, #tpu.memory_space<hbm>> -> memref<1x640x128xf32, #tpu.memory_space<hbm>>
      %dma_start3A_204 = tpu.memref_squeeze %dma_start3A_203 : memref<1x640x128xf32, #tpu.memory_space<hbm>> -> memref<640x128xf32, #tpu.memory_space<hbm>>
      %dma_start3A_205 = arith.constant 0 : i32
      %dma_start3A_206 = tpu.memref_slice %arg12[%mul3A_199, %dma_start3A_205] : memref<10240x128xf32, #tpu.memory_space<vmem_shared>> -> memref<640x128xf32, #tpu.memory_space<vmem_shared>>
      tpu.enqueue_dma source(%dma_start3A_206 : memref<640x128xf32, #tpu.memory_space<vmem_shared>>) target(%dma_start3A_204 : memref<640x128xf32, #tpu.memory_space<hbm>>) target_semaphore(%run_scoped3A : memref<!tpu.dma_semaphore, #tpu.memory_space<semaphore_mem>>)
      %dma_wait3A = arith.constant 0 : i32
      %dma_wait3A_207 = tpu.memref_slice %arg5[%arg0, %mul3A_201, %dma_wait3A] : memref<2x10240x128xf32, #tpu.memory_space<hbm>> -> memref<1x640x128xf32, #tpu.memory_space<hbm>>
      %dma_wait3A_208 = tpu.memref_squeeze %dma_wait3A_207 : memref<1x640x128xf32, #tpu.memory_space<hbm>> -> memref<640x128xf32, #tpu.memory_space<hbm>>
      %dma_wait3A_209 = arith.constant 0 : i32
      %dma_wait3A_210 = tpu.memref_slice %arg12[%mul3A_199, %dma_wait3A_209] : memref<10240x128xf32, #tpu.memory_space<vmem_shared>> -> memref<640x128xf32, #tpu.memory_space<vmem_shared>>
      tpu.wait_dma2 semaphore(%run_scoped3A : memref<!tpu.dma_semaphore, #tpu.memory_space<semaphore_mem>>) src(%dma_wait3A_210 : memref<640x128xf32, #tpu.memory_space<vmem_shared>>) dst(%dma_wait3A_208 : memref<640x128xf32, #tpu.memory_space<hbm>>)
      tpu.yield
    }) : () -> ()
    return
  }
}

#map = affine_map<(d0, d1) -> (0, 0)>
#map1 = affine_map<(d0, d1) -> (0, 0, 0)>
module attributes {stable_mosaic.version = 14 : i64} {
  func.func @_sc_agg_body(%arg0: i32, %arg1: i32, %arg2: memref<10000x128xf32, #tpu.memory_space<hbm>>, %arg3: memref<32x80x128xi32, #tpu.memory_space<hbm>>, %arg4: memref<10240x128xf32, #tpu.memory_space<hbm>>, %arg5: memref<2x10240x128xf32, #tpu.memory_space<hbm>>, %arg6: memref<80x128xi32, #tpu.memory_space<vmem>>, %arg7: memref<2x128xi32, #tpu.memory_space<vmem>>, %arg8: memref<2x128xi32, #tpu.memory_space<vmem>>, %arg9: memref<2x128x128xf32, #tpu.memory_space<vmem>>, %arg10: memref<!tpu.dma_semaphore, #tpu.memory_space<semaphore_mem>>, %arg11: memref<!tpu.dma_semaphore, #tpu.memory_space<semaphore_mem>>, %arg12: memref<10240x128xf32, #tpu.memory_space<vmem_shared>>) attributes {dimension_semantics = [#tpu.dimension_semantics<core_parallel>, #tpu.dimension_semantics<subcore_parallel>], iteration_bounds = array<i64: 2, 16>, scalar_prefetch = 0 : i64, scratch_operands = 7 : i64, tpu.core_type = #tpu.core_type<sc_vector_subcore>, window_params = [{transform_indices = #map}, {transform_indices = #map1}, {transform_indices = #map}, {transform_indices = #map1}]} {
    %mul3A = arith.constant 16 : i32
    %mul3A_0 = arith.muli %arg0, %mul3A : i32
    %add3A = arith.addi %mul3A_0, %arg1 : i32
    %mul3A_1 = arith.constant 640 : i32
    %mul3A_2 = arith.muli %arg1, %mul3A_1 : i32
    %mul3A_3 = arith.constant 640 : i32
    %mul3A_4 = arith.muli %arg1, %mul3A_3 : i32
    "tpu.region"() ({
      %run_scoped3A = tpu.sem_alloc : memref<!tpu.dma_semaphore, #tpu.memory_space<semaphore_mem>>
      %dma_start3A_202 = arith.constant 0 : i32
      %dma_start3A_203 = tpu.memref_slice %arg12[%mul3A_4, %dma_start3A_202] : memref<10240x128xf32, #tpu.memory_space<vmem_shared>> -> memref<640x128xf32, #tpu.memory_space<vmem_shared>>
      %dma_start3A_204 = arith.constant 0 : i32
      %dma_start3A_205 = tpu.memref_slice %arg4[%mul3A_2, %dma_start3A_204] : memref<10240x128xf32, #tpu.memory_space<hbm>> -> memref<640x128xf32, #tpu.memory_space<hbm>>
      tpu.enqueue_dma source(%dma_start3A_205 : memref<640x128xf32, #tpu.memory_space<hbm>>) target(%dma_start3A_203 : memref<640x128xf32, #tpu.memory_space<vmem_shared>>) target_semaphore(%run_scoped3A : memref<!tpu.dma_semaphore, #tpu.memory_space<semaphore_mem>>)
      %dma_wait3A = arith.constant 0 : i32
      %dma_wait3A_206 = tpu.memref_slice %arg12[%mul3A_4, %dma_wait3A] : memref<10240x128xf32, #tpu.memory_space<vmem_shared>> -> memref<640x128xf32, #tpu.memory_space<vmem_shared>>
      %dma_wait3A_207 = arith.constant 0 : i32
      %dma_wait3A_208 = tpu.memref_slice %arg4[%mul3A_2, %dma_wait3A_207] : memref<10240x128xf32, #tpu.memory_space<hbm>> -> memref<640x128xf32, #tpu.memory_space<hbm>>
      tpu.wait_dma2 semaphore(%run_scoped3A : memref<!tpu.dma_semaphore, #tpu.memory_space<semaphore_mem>>) src(%dma_wait3A_208 : memref<640x128xf32, #tpu.memory_space<hbm>>) dst(%dma_wait3A_206 : memref<640x128xf32, #tpu.memory_space<vmem_shared>>)
      tpu.yield
    }) : () -> ()
    "tpu.region"() ({
      %run_scoped3A = tpu.sem_alloc : memref<!tpu.dma_semaphore, #tpu.memory_space<semaphore_mem>>
      %dma_start3A_202 = arith.constant 0 : i32
      %dma_start3A_203 = arith.constant 0 : i32
      %dma_start3A_204 = tpu.memref_slice %arg3[%add3A, %dma_start3A_202, %dma_start3A_203] : memref<32x80x128xi32, #tpu.memory_space<hbm>> -> memref<1x80x128xi32, #tpu.memory_space<hbm>>
      %dma_start3A_205 = tpu.memref_squeeze %dma_start3A_204 : memref<1x80x128xi32, #tpu.memory_space<hbm>> -> memref<80x128xi32, #tpu.memory_space<hbm>>
      %dma_start3A_206 = arith.constant 0 : i32
      %dma_start3A_207 = arith.constant 0 : i32
      %dma_start3A_208 = tpu.memref_slice %arg3[%add3A, %dma_start3A_206, %dma_start3A_207] : memref<32x80x128xi32, #tpu.memory_space<hbm>> -> memref<1x80x128xi32, #tpu.memory_space<hbm>>
      %dma_start3A_209 = tpu.memref_squeeze %dma_start3A_208 : memref<1x80x128xi32, #tpu.memory_space<hbm>> -> memref<80x128xi32, #tpu.memory_space<hbm>>
      tpu.enqueue_dma source(%dma_start3A_209 : memref<80x128xi32, #tpu.memory_space<hbm>>) target(%arg6 : memref<80x128xi32, #tpu.memory_space<vmem>>) target_semaphore(%run_scoped3A : memref<!tpu.dma_semaphore, #tpu.memory_space<semaphore_mem>>)
      %dma_wait3A = arith.constant 0 : i32
      %dma_wait3A_210 = arith.constant 0 : i32
      %dma_wait3A_211 = tpu.memref_slice %arg3[%add3A, %dma_wait3A, %dma_wait3A_210] : memref<32x80x128xi32, #tpu.memory_space<hbm>> -> memref<1x80x128xi32, #tpu.memory_space<hbm>>
      %dma_wait3A_212 = tpu.memref_squeeze %dma_wait3A_211 : memref<1x80x128xi32, #tpu.memory_space<hbm>> -> memref<80x128xi32, #tpu.memory_space<hbm>>
      %dma_wait3A_213 = arith.constant 0 : i32
      %dma_wait3A_214 = arith.constant 0 : i32
      %dma_wait3A_215 = tpu.memref_slice %arg3[%add3A, %dma_wait3A_213, %dma_wait3A_214] : memref<32x80x128xi32, #tpu.memory_space<hbm>> -> memref<1x80x128xi32, #tpu.memory_space<hbm>>
      %dma_wait3A_216 = tpu.memref_squeeze %dma_wait3A_215 : memref<1x80x128xi32, #tpu.memory_space<hbm>> -> memref<80x128xi32, #tpu.memory_space<hbm>>
      tpu.wait_dma2 semaphore(%run_scoped3A : memref<!tpu.dma_semaphore, #tpu.memory_space<semaphore_mem>>) src(%dma_wait3A_216 : memref<80x128xi32, #tpu.memory_space<hbm>>) dst(%arg6 : memref<80x128xi32, #tpu.memory_space<vmem>>)
      tpu.yield
    }) : () -> ()
    %barrier3A = arith.constant 0 : index
    tpu.barrier barrier_id(%barrier3A)
    %ge3A = arith.constant 0 : i32
    %ge3A_5 = arith.constant 80 : i32
    %ge3A_6 = arith.cmpi sge, %ge3A, %ge3A_5 : i32
    %jit3A = arith.constant 80 : i32
    %jit3A_7 = arith.constant 0 : i32
    %select_n3A = arith.select %ge3A_6, %jit3A, %jit3A_7 : i32
    %sub3A = arith.constant 0 : i32
    %sub3A_8 = arith.subi %sub3A, %select_n3A : i32
    %get3A = arith.index_cast %sub3A_8 : i32 to index
    %get3A_9 = arith.constant 0 : index
    %get3A_10 = tpu.vector_load %arg6[%get3A, %get3A_9] {strides = array<i32>} : memref<80x128xi32, #tpu.memory_space<vmem>>, vector<1x16xi32>,
    %get3A_11 = vector.shape_cast %get3A_10 : vector<1x16xi32> to vector<16xi32>
    %and3A = arith.constant 16383 : i32
    %and3A_12 = vector.broadcast %and3A : i32 to vector<16xi32>
    %and3A_13 = arith.andi %get3A_11, %and3A_12 : vector<16xi32>
    %swap3A = arith.constant 0 : i32
    %swap3A_14 = arith.index_cast %swap3A : i32 to index
    %swap3A_15 = arith.constant 0 : index
    %swap3A_16 = tpu.vector_load %arg7[%swap3A_14, %swap3A_15] {strides = array<i32>} : memref<2x128xi32, #tpu.memory_space<vmem>>, vector<1x16xi32>,
    %swap3A_17 = vector.shape_cast %swap3A_16 : vector<1x16xi32> to vector<16xi32>
    %swap3A_18 = vector.shape_cast %and3A_13 : vector<16xi32> to vector<1x16xi32>
    tpu.vector_store %arg7[%swap3A_14, %swap3A_15], %swap3A_18 {strides = array<i32>} : memref<2x128xi32, #tpu.memory_space<vmem>>, vector<1x16xi32>,
    %shift_right_arithmetic3A = arith.constant 14 : i32
    %shift_right_arithmetic3A_19 = vector.broadcast %shift_right_arithmetic3A : i32 to vector<16xi32>
    %shift_right_arithmetic3A_20 = arith.shrsi %get3A_11, %shift_right_arithmetic3A_19 : vector<16xi32>
    %swap3A_21 = arith.constant 0 : i32
    %swap3A_22 = arith.index_cast %swap3A_21 : i32 to index
    %swap3A_23 = arith.constant 0 : index
    %swap3A_24 = tpu.vector_load %arg8[%swap3A_22, %swap3A_23] {strides = array<i32>} : memref<2x128xi32, #tpu.memory_space<vmem>>, vector<1x16xi32>,
    %swap3A_25 = vector.shape_cast %swap3A_24 : vector<1x16xi32> to vector<16xi32>
    %swap3A_26 = vector.shape_cast %shift_right_arithmetic3A_20 : vector<16xi32> to vector<1x16xi32>
    tpu.vector_store %arg8[%swap3A_22, %swap3A_23], %swap3A_26 {strides = array<i32>} : memref<2x128xi32, #tpu.memory_space<vmem>>, vector<1x16xi32>,
    %get3A_27 = arith.index_cast %sub3A_8 : i32 to index
    %get3A_28 = arith.constant 16 : index
    %get3A_29 = tpu.vector_load %arg6[%get3A_27, %get3A_28] {strides = array<i32>} : memref<80x128xi32, #tpu.memory_space<vmem>>, vector<1x16xi32>,
    %get3A_30 = vector.shape_cast %get3A_29 : vector<1x16xi32> to vector<16xi32>
    %and3A_31 = arith.constant 16383 : i32
    %and3A_32 = vector.broadcast %and3A_31 : i32 to vector<16xi32>
    %and3A_33 = arith.andi %get3A_30, %and3A_32 : vector<16xi32>
    %swap3A_34 = arith.constant 0 : i32
    %swap3A_35 = arith.index_cast %swap3A_34 : i32 to index
    %swap3A_36 = arith.constant 16 : index
    %swap3A_37 = tpu.vector_load %arg7[%swap3A_35, %swap3A_36] {strides = array<i32>} : memref<2x128xi32, #tpu.memory_space<vmem>>, vector<1x16xi32>,
    %swap3A_38 = vector.shape_cast %swap3A_37 : vector<1x16xi32> to vector<16xi32>
    %swap3A_39 = vector.shape_cast %and3A_33 : vector<16xi32> to vector<1x16xi32>
    tpu.vector_store %arg7[%swap3A_35, %swap3A_36], %swap3A_39 {strides = array<i32>} : memref<2x128xi32, #tpu.memory_space<vmem>>, vector<1x16xi32>,
    %shift_right_arithmetic3A_40 = arith.constant 14 : i32
    %shift_right_arithmetic3A_41 = vector.broadcast %shift_right_arithmetic3A_40 : i32 to vector<16xi32>
    %shift_right_arithmetic3A_42 = arith.shrsi %get3A_30, %shift_right_arithmetic3A_41 : vector<16xi32>
    %swap3A_43 = arith.constant 0 : i32
    %swap3A_44 = arith.index_cast %swap3A_43 : i32 to index
    %swap3A_45 = arith.constant 16 : index
    %swap3A_46 = tpu.vector_load %arg8[%swap3A_44, %swap3A_45] {strides = array<i32>} : memref<2x128xi32, #tpu.memory_space<vmem>>, vector<1x16xi32>,
    %swap3A_47 = vector.shape_cast %swap3A_46 : vector<1x16xi32> to vector<16xi32>
    %swap3A_48 = vector.shape_cast %shift_right_arithmetic3A_42 : vector<16xi32> to vector<1x16xi32>
    tpu.vector_store %arg8[%swap3A_44, %swap3A_45], %swap3A_48 {strides = array<i32>} : memref<2x128xi32, #tpu.memory_space<vmem>>, vector<1x16xi32>,
    %get3A_49 = arith.index_cast %sub3A_8 : i32 to index
    %get3A_50 = arith.constant 32 : index
    %get3A_51 = tpu.vector_load %arg6[%get3A_49, %get3A_50] {strides = array<i32>} : memref<80x128xi32, #tpu.memory_space<vmem>>, vector<1x16xi32>,
    %get3A_52 = vector.shape_cast %get3A_51 : vector<1x16xi32> to vector<16xi32>
    %and3A_53 = arith.constant 16383 : i32
    %and3A_54 = vector.broadcast %and3A_53 : i32 to vector<16xi32>
    %and3A_55 = arith.andi %get3A_52, %and3A_54 : vector<16xi32>
    %swap3A_56 = arith.constant 0 : i32
    %swap3A_57 = arith.index_cast %swap3A_56 : i32 to index
    %swap3A_58 = arith.constant 32 : index
    %swap3A_59 = tpu.vector_load %arg7[%swap3A_57, %swap3A_58] {strides = array<i32>} : memref<2x128xi32, #tpu.memory_space<vmem>>, vector<1x16xi32>,
    %swap3A_60 = vector.shape_cast %swap3A_59 : vector<1x16xi32> to vector<16xi32>
    %swap3A_61 = vector.shape_cast %and3A_55 : vector<16xi32> to vector<1x16xi32>
    tpu.vector_store %arg7[%swap3A_57, %swap3A_58], %swap3A_61 {strides = array<i32>} : memref<2x128xi32, #tpu.memory_space<vmem>>, vector<1x16xi32>,
    %shift_right_arithmetic3A_62 = arith.constant 14 : i32
    %shift_right_arithmetic3A_63 = vector.broadcast %shift_right_arithmetic3A_62 : i32 to vector<16xi32>
    %shift_right_arithmetic3A_64 = arith.shrsi %get3A_52, %shift_right_arithmetic3A_63 : vector<16xi32>
    %swap3A_65 = arith.constant 0 : i32
    %swap3A_66 = arith.index_cast %swap3A_65 : i32 to index
    %swap3A_67 = arith.constant 32 : index
    %swap3A_68 = tpu.vector_load %arg8[%swap3A_66, %swap3A_67] {strides = array<i32>} : memref<2x128xi32, #tpu.memory_space<vmem>>, vector<1x16xi32>,
    %swap3A_69 = vector.shape_cast %swap3A_68 : vector<1x16xi32> to vector<16xi32>
    %swap3A_70 = vector.shape_cast %shift_right_arithmetic3A_64 : vector<16xi32> to vector<1x16xi32>
    tpu.vector_store %arg8[%swap3A_66, %swap3A_67], %swap3A_70 {strides = array<i32>} : memref<2x128xi32, #tpu.memory_space<vmem>>, vector<1x16xi32>,
    %get3A_71 = arith.index_cast %sub3A_8 : i32 to index
    %get3A_72 = arith.constant 48 : index
    %get3A_73 = tpu.vector_load %arg6[%get3A_71, %get3A_72] {strides = array<i32>} : memref<80x128xi32, #tpu.memory_space<vmem>>, vector<1x16xi32>,
    %get3A_74 = vector.shape_cast %get3A_73 : vector<1x16xi32> to vector<16xi32>
    %and3A_75 = arith.constant 16383 : i32
    %and3A_76 = vector.broadcast %and3A_75 : i32 to vector<16xi32>
    %and3A_77 = arith.andi %get3A_74, %and3A_76 : vector<16xi32>
    %swap3A_78 = arith.constant 0 : i32
    %swap3A_79 = arith.index_cast %swap3A_78 : i32 to index
    %swap3A_80 = arith.constant 48 : index
    %swap3A_81 = tpu.vector_load %arg7[%swap3A_79, %swap3A_80] {strides = array<i32>} : memref<2x128xi32, #tpu.memory_space<vmem>>, vector<1x16xi32>,
    %swap3A_82 = vector.shape_cast %swap3A_81 : vector<1x16xi32> to vector<16xi32>
    %swap3A_83 = vector.shape_cast %and3A_77 : vector<16xi32> to vector<1x16xi32>
    tpu.vector_store %arg7[%swap3A_79, %swap3A_80], %swap3A_83 {strides = array<i32>} : memref<2x128xi32, #tpu.memory_space<vmem>>, vector<1x16xi32>,
    %shift_right_arithmetic3A_84 = arith.constant 14 : i32
    %shift_right_arithmetic3A_85 = vector.broadcast %shift_right_arithmetic3A_84 : i32 to vector<16xi32>
    %shift_right_arithmetic3A_86 = arith.shrsi %get3A_74, %shift_right_arithmetic3A_85 : vector<16xi32>
    %swap3A_87 = arith.constant 0 : i32
    %swap3A_88 = arith.index_cast %swap3A_87 : i32 to index
    %swap3A_89 = arith.constant 48 : index
    %swap3A_90 = tpu.vector_load %arg8[%swap3A_88, %swap3A_89] {strides = array<i32>} : memref<2x128xi32, #tpu.memory_space<vmem>>, vector<1x16xi32>,
    %swap3A_91 = vector.shape_cast %swap3A_90 : vector<1x16xi32> to vector<16xi32>
    %swap3A_92 = vector.shape_cast %shift_right_arithmetic3A_86 : vector<16xi32> to vector<1x16xi32>
    tpu.vector_store %arg8[%swap3A_88, %swap3A_89], %swap3A_92 {strides = array<i32>} : memref<2x128xi32, #tpu.memory_space<vmem>>, vector<1x16xi32>,
    %get3A_93 = arith.index_cast %sub3A_8 : i32 to index
    %get3A_94 = arith.constant 64 : index
    %get3A_95 = tpu.vector_load %arg6[%get3A_93, %get3A_94] {strides = array<i32>} : memref<80x128xi32, #tpu.memory_space<vmem>>, vector<1x16xi32>,
    %get3A_96 = vector.shape_cast %get3A_95 : vector<1x16xi32> to vector<16xi32>
    %and3A_97 = arith.constant 16383 : i32
    %and3A_98 = vector.broadcast %and3A_97 : i32 to vector<16xi32>
    %and3A_99 = arith.andi %get3A_96, %and3A_98 : vector<16xi32>
    %swap3A_100 = arith.constant 0 : i32
    %swap3A_101 = arith.index_cast %swap3A_100 : i32 to index
    %swap3A_102 = arith.constant 64 : index
    %swap3A_103 = tpu.vector_load %arg7[%swap3A_101, %swap3A_102] {strides = array<i32>} : memref<2x128xi32, #tpu.memory_space<vmem>>, vector<1x16xi32>,
    %swap3A_104 = vector.shape_cast %swap3A_103 : vector<1x16xi32> to vector<16xi32>
    %swap3A_105 = vector.shape_cast %and3A_99 : vector<16xi32> to vector<1x16xi32>
    tpu.vector_store %arg7[%swap3A_101, %swap3A_102], %swap3A_105 {strides = array<i32>} : memref<2x128xi32, #tpu.memory_space<vmem>>, vector<1x16xi32>,
    %shift_right_arithmetic3A_106 = arith.constant 14 : i32
    %shift_right_arithmetic3A_107 = vector.broadcast %shift_right_arithmetic3A_106 : i32 to vector<16xi32>
    %shift_right_arithmetic3A_108 = arith.shrsi %get3A_96, %shift_right_arithmetic3A_107 : vector<16xi32>
    %swap3A_109 = arith.constant 0 : i32
    %swap3A_110 = arith.index_cast %swap3A_109 : i32 to index
    %swap3A_111 = arith.constant 64 : index
    %swap3A_112 = tpu.vector_load %arg8[%swap3A_110, %swap3A_111] {strides = array<i32>} : memref<2x128xi32, #tpu.memory_space<vmem>>, vector<1x16xi32>,
    %swap3A_113 = vector.shape_cast %swap3A_112 : vector<1x16xi32> to vector<16xi32>
    %swap3A_114 = vector.shape_cast %shift_right_arithmetic3A_108 : vector<16xi32> to vector<1x16xi32>
    tpu.vector_store %arg8[%swap3A_110, %swap3A_111], %swap3A_114 {strides = array<i32>} : memref<2x128xi32, #tpu.memory_space<vmem>>, vector<1x16xi32>,
    %get3A_115 = arith.index_cast %sub3A_8 : i32 to index
    %get3A_116 = arith.constant 80 : index
    %get3A_117 = tpu.vector_load %arg6[%get3A_115, %get3A_116] {strides = array<i32>} : memref<80x128xi32, #tpu.memory_space<vmem>>, vector<1x16xi32>,
    %get3A_118 = vector.shape_cast %get3A_117 : vector<1x16xi32> to vector<16xi32>
    %and3A_119 = arith.constant 16383 : i32
    %and3A_120 = vector.broadcast %and3A_119 : i32 to vector<16xi32>
    %and3A_121 = arith.andi %get3A_118, %and3A_120 : vector<16xi32>
    %swap3A_122 = arith.constant 0 : i32
    %swap3A_123 = arith.index_cast %swap3A_122 : i32 to index
    %swap3A_124 = arith.constant 80 : index
    %swap3A_125 = tpu.vector_load %arg7[%swap3A_123, %swap3A_124] {strides = array<i32>} : memref<2x128xi32, #tpu.memory_space<vmem>>, vector<1x16xi32>,
    %swap3A_126 = vector.shape_cast %swap3A_125 : vector<1x16xi32> to vector<16xi32>
    %swap3A_127 = vector.shape_cast %and3A_121 : vector<16xi32> to vector<1x16xi32>
    tpu.vector_store %arg7[%swap3A_123, %swap3A_124], %swap3A_127 {strides = array<i32>} : memref<2x128xi32, #tpu.memory_space<vmem>>, vector<1x16xi32>,
    %shift_right_arithmetic3A_128 = arith.constant 14 : i32
    %shift_right_arithmetic3A_129 = vector.broadcast %shift_right_arithmetic3A_128 : i32 to vector<16xi32>
    %shift_right_arithmetic3A_130 = arith.shrsi %get3A_118, %shift_right_arithmetic3A_129 : vector<16xi32>
    %swap3A_131 = arith.constant 0 : i32
    %swap3A_132 = arith.index_cast %swap3A_131 : i32 to index
    %swap3A_133 = arith.constant 80 : index
    %swap3A_134 = tpu.vector_load %arg8[%swap3A_132, %swap3A_133] {strides = array<i32>} : memref<2x128xi32, #tpu.memory_space<vmem>>, vector<1x16xi32>,
    %swap3A_135 = vector.shape_cast %swap3A_134 : vector<1x16xi32> to vector<16xi32>
    %swap3A_136 = vector.shape_cast %shift_right_arithmetic3A_130 : vector<16xi32> to vector<1x16xi32>
    tpu.vector_store %arg8[%swap3A_132, %swap3A_133], %swap3A_136 {strides = array<i32>} : memref<2x128xi32, #tpu.memory_space<vmem>>, vector<1x16xi32>,
    %get3A_137 = arith.index_cast %sub3A_8 : i32 to index
    %get3A_138 = arith.constant 96 : index
    %get3A_139 = tpu.vector_load %arg6[%get3A_137, %get3A_138] {strides = array<i32>} : memref<80x128xi32, #tpu.memory_space<vmem>>, vector<1x16xi32>,
    %get3A_140 = vector.shape_cast %get3A_139 : vector<1x16xi32> to vector<16xi32>
    %and3A_141 = arith.constant 16383 : i32
    %and3A_142 = vector.broadcast %and3A_141 : i32 to vector<16xi32>
    %and3A_143 = arith.andi %get3A_140, %and3A_142 : vector<16xi32>
    %swap3A_144 = arith.constant 0 : i32
    %swap3A_145 = arith.index_cast %swap3A_144 : i32 to index
    %swap3A_146 = arith.constant 96 : index
    %swap3A_147 = tpu.vector_load %arg7[%swap3A_145, %swap3A_146] {strides = array<i32>} : memref<2x128xi32, #tpu.memory_space<vmem>>, vector<1x16xi32>,
    %swap3A_148 = vector.shape_cast %swap3A_147 : vector<1x16xi32> to vector<16xi32>
    %swap3A_149 = vector.shape_cast %and3A_143 : vector<16xi32> to vector<1x16xi32>
    tpu.vector_store %arg7[%swap3A_145, %swap3A_146], %swap3A_149 {strides = array<i32>} : memref<2x128xi32, #tpu.memory_space<vmem>>, vector<1x16xi32>,
    %shift_right_arithmetic3A_150 = arith.constant 14 : i32
    %shift_right_arithmetic3A_151 = vector.broadcast %shift_right_arithmetic3A_150 : i32 to vector<16xi32>
    %shift_right_arithmetic3A_152 = arith.shrsi %get3A_140, %shift_right_arithmetic3A_151 : vector<16xi32>
    %swap3A_153 = arith.constant 0 : i32
    %swap3A_154 = arith.index_cast %swap3A_153 : i32 to index
    %swap3A_155 = arith.constant 96 : index
    %swap3A_156 = tpu.vector_load %arg8[%swap3A_154, %swap3A_155] {strides = array<i32>} : memref<2x128xi32, #tpu.memory_space<vmem>>, vector<1x16xi32>,
    %swap3A_157 = vector.shape_cast %swap3A_156 : vector<1x16xi32> to vector<16xi32>
    %swap3A_158 = vector.shape_cast %shift_right_arithmetic3A_152 : vector<16xi32> to vector<1x16xi32>
    tpu.vector_store %arg8[%swap3A_154, %swap3A_155], %swap3A_158 {strides = array<i32>} : memref<2x128xi32, #tpu.memory_space<vmem>>, vector<1x16xi32>,
    %get3A_159 = arith.index_cast %sub3A_8 : i32 to index
    %get3A_160 = arith.constant 112 : index
    %get3A_161 = tpu.vector_load %arg6[%get3A_159, %get3A_160] {strides = array<i32>} : memref<80x128xi32, #tpu.memory_space<vmem>>, vector<1x16xi32>,
    %get3A_162 = vector.shape_cast %get3A_161 : vector<1x16xi32> to vector<16xi32>
    %and3A_163 = arith.constant 16383 : i32
    %and3A_164 = vector.broadcast %and3A_163 : i32 to vector<16xi32>
    %and3A_165 = arith.andi %get3A_162, %and3A_164 : vector<16xi32>
    %swap3A_166 = arith.constant 0 : i32
    %swap3A_167 = arith.index_cast %swap3A_166 : i32 to index
    %swap3A_168 = arith.constant 112 : index
    %swap3A_169 = tpu.vector_load %arg7[%swap3A_167, %swap3A_168] {strides = array<i32>} : memref<2x128xi32, #tpu.memory_space<vmem>>, vector<1x16xi32>,
    %swap3A_170 = vector.shape_cast %swap3A_169 : vector<1x16xi32> to vector<16xi32>
    %swap3A_171 = vector.shape_cast %and3A_165 : vector<16xi32> to vector<1x16xi32>
    tpu.vector_store %arg7[%swap3A_167, %swap3A_168], %swap3A_171 {strides = array<i32>} : memref<2x128xi32, #tpu.memory_space<vmem>>, vector<1x16xi32>,
    %shift_right_arithmetic3A_172 = arith.constant 14 : i32
    %shift_right_arithmetic3A_173 = vector.broadcast %shift_right_arithmetic3A_172 : i32 to vector<16xi32>
    %shift_right_arithmetic3A_174 = arith.shrsi %get3A_162, %shift_right_arithmetic3A_173 : vector<16xi32>
    %swap3A_175 = arith.constant 0 : i32
    %swap3A_176 = arith.index_cast %swap3A_175 : i32 to index
    %swap3A_177 = arith.constant 112 : index
    %swap3A_178 = tpu.vector_load %arg8[%swap3A_176, %swap3A_177] {strides = array<i32>} : memref<2x128xi32, #tpu.memory_space<vmem>>, vector<1x16xi32>,
    %swap3A_179 = vector.shape_cast %swap3A_178 : vector<1x16xi32> to vector<16xi32>
    %swap3A_180 = vector.shape_cast %shift_right_arithmetic3A_174 : vector<16xi32> to vector<1x16xi32>
    tpu.vector_store %arg8[%swap3A_176, %swap3A_177], %swap3A_180 {strides = array<i32>} : memref<2x128xi32, #tpu.memory_space<vmem>>, vector<1x16xi32>,
    %dma_start3A = arith.constant 0 : i32
    %dma_start3A_181 = arith.constant 0 : i32
    %dma_start3A_182 = arith.constant 0 : i32
    %dma_start3A_183 = arith.constant 0 : i32
    %dma_start3A_184 = tpu.memref_slice %arg9[%dma_start3A_181, %dma_start3A_182, %dma_start3A_183] : memref<2x128x128xf32, #tpu.memory_space<vmem>> -> memref<1x128x128xf32, #tpu.memory_space<vmem>>
    %dma_start3A_185 = tpu.memref_squeeze %dma_start3A_184 : memref<1x128x128xf32, #tpu.memory_space<vmem>> -> memref<128x128xf32, #tpu.memory_space<vmem>>
    %dma_start3A_186 = arith.constant 0 : i32
    %dma_start3A_187 = tpu.memref_slice %arg7[%dma_start3A, %dma_start3A_186] : memref<2x128xi32, #tpu.memory_space<vmem>> -> memref<1x128xi32, #tpu.memory_space<vmem>>
    %dma_start3A_188 = tpu.memref_squeeze %dma_start3A_187 : memref<1x128xi32, #tpu.memory_space<vmem>> -> memref<128xi32, #tpu.memory_space<vmem>>
    %dma_start3A_189 = arith.constant 0 : i32
    %dma_start3A_190 = arith.constant 0 : i32
    %dma_start3A_191 = tpu.memref_slice %arg2[%dma_start3A_189, %dma_start3A_190] : memref<10000x128xf32, #tpu.memory_space<hbm>> -> memref<10000x128xf32, #tpu.memory_space<hbm>>
    tpu.enqueue_indirect_dma source(%dma_start3A_191 : memref<10000x128xf32, #tpu.memory_space<hbm>>) target(%dma_start3A_185 : memref<128x128xf32, #tpu.memory_space<vmem>>) offsets(%dma_start3A_188 : memref<128xi32, #tpu.memory_space<vmem>>) semaphore(%arg10 : memref<!tpu.dma_semaphore, #tpu.memory_space<semaphore_mem>>)
    %scan3A = arith.constant 0 : i32
    %scan3A_192 = arith.constant 0 : i32
    %scan3A_193 = arith.constant 40 : i32
    %scan3A_194 = arith.addi %scan3A_192, %scan3A_193 : i32
    %scan3A_195 = arith.constant 1 : i32
    scf.for %scan3A_202 = %scan3A_192 to %scan3A_194 step %scan3A_195  : i32 {
      %mul3A_203 = arith.constant 2 : i32
      %mul3A_204 = arith.muli %mul3A_203, %scan3A_202 : i32
      %add3A_205 = arith.constant 1 : i32
      %add3A_206 = arith.addi %mul3A_204, %add3A_205 : i32
      %dma_wait3A = arith.constant 0 : i32
      %dma_wait3A_207 = arith.constant 0 : i32
      %dma_wait3A_208 = arith.constant 0 : i32
      %dma_wait3A_209 = arith.constant 0 : i32
      %dma_wait3A_210 = tpu.memref_slice %arg9[%dma_wait3A_207, %dma_wait3A_208, %dma_wait3A_209] : memref<2x128x128xf32, #tpu.memory_space<vmem>> -> memref<1x128x128xf32, #tpu.memory_space<vmem>>
      %dma_wait3A_211 = tpu.memref_squeeze %dma_wait3A_210 : memref<1x128x128xf32, #tpu.memory_space<vmem>> -> memref<128x128xf32, #tpu.memory_space<vmem>>
      %dma_wait3A_212 = arith.constant 0 : i32
      %dma_wait3A_213 = tpu.memref_slice %arg7[%dma_wait3A, %dma_wait3A_212] : memref<2x128xi32, #tpu.memory_space<vmem>> -> memref<1x128xi32, #tpu.memory_space<vmem>>
      %dma_wait3A_214 = tpu.memref_squeeze %dma_wait3A_213 : memref<1x128xi32, #tpu.memory_space<vmem>> -> memref<128xi32, #tpu.memory_space<vmem>>
      %dma_wait3A_215 = arith.constant 0 : i32
      %dma_wait3A_216 = arith.constant 0 : i32
      %dma_wait3A_217 = tpu.memref_slice %arg2[%dma_wait3A_215, %dma_wait3A_216] : memref<10000x128xf32, #tpu.memory_space<hbm>> -> memref<10000x128xf32, #tpu.memory_space<hbm>>
      tpu.wait_indirect_dma semaphore(%arg10 : memref<!tpu.dma_semaphore, #tpu.memory_space<semaphore_mem>>) src(%dma_wait3A_217 : memref<10000x128xf32, #tpu.memory_space<hbm>>) dst(%dma_wait3A_211 : memref<128x128xf32, #tpu.memory_space<vmem>>)
      %ge3A_218 = arith.constant 80 : i32
      %ge3A_219 = arith.cmpi sge, %add3A_206, %ge3A_218 : i32
      %jit3A_220 = arith.constant 80 : i32
      %jit3A_221 = arith.constant 0 : i32
      %select_n3A_222 = arith.select %ge3A_219, %jit3A_220, %jit3A_221 : i32
      %sub3A_223 = arith.subi %add3A_206, %select_n3A_222 : i32
      %get3A_224 = arith.index_cast %sub3A_223 : i32 to index
      %get3A_225 = arith.constant 0 : index
      %get3A_226 = tpu.vector_load %arg6[%get3A_224, %get3A_225] {strides = array<i32>} : memref<80x128xi32, #tpu.memory_space<vmem>>, vector<1x16xi32>,
      %get3A_227 = vector.shape_cast %get3A_226 : vector<1x16xi32> to vector<16xi32>
      %and3A_228 = arith.constant 16383 : i32
      %and3A_229 = vector.broadcast %and3A_228 : i32 to vector<16xi32>
      %and3A_230 = arith.andi %get3A_227, %and3A_229 : vector<16xi32>
      %swap3A_231 = arith.constant 1 : i32
      %swap3A_232 = arith.index_cast %swap3A_231 : i32 to index
      %swap3A_233 = arith.constant 0 : index
      %swap3A_234 = tpu.vector_load %arg7[%swap3A_232, %swap3A_233] {strides = array<i32>} : memref<2x128xi32, #tpu.memory_space<vmem>>, vector<1x16xi32>,
      %swap3A_235 = vector.shape_cast %swap3A_234 : vector<1x16xi32> to vector<16xi32>
      %swap3A_236 = vector.shape_cast %and3A_230 : vector<16xi32> to vector<1x16xi32>
      tpu.vector_store %arg7[%swap3A_232, %swap3A_233], %swap3A_236 {strides = array<i32>} : memref<2x128xi32, #tpu.memory_space<vmem>>, vector<1x16xi32>,
      %shift_right_arithmetic3A_237 = arith.constant 14 : i32
      %shift_right_arithmetic3A_238 = vector.broadcast %shift_right_arithmetic3A_237 : i32 to vector<16xi32>
      %shift_right_arithmetic3A_239 = arith.shrsi %get3A_227, %shift_right_arithmetic3A_238 : vector<16xi32>
      %swap3A_240 = arith.constant 1 : i32
      %swap3A_241 = arith.index_cast %swap3A_240 : i32 to index
      %swap3A_242 = arith.constant 0 : index
      %swap3A_243 = tpu.vector_load %arg8[%swap3A_241, %swap3A_242] {strides = array<i32>} : memref<2x128xi32, #tpu.memory_space<vmem>>, vector<1x16xi32>,
      %swap3A_244 = vector.shape_cast %swap3A_243 : vector<1x16xi32> to vector<16xi32>
      %swap3A_245 = vector.shape_cast %shift_right_arithmetic3A_239 : vector<16xi32> to vector<1x16xi32>
      tpu.vector_store %arg8[%swap3A_241, %swap3A_242], %swap3A_245 {strides = array<i32>} : memref<2x128xi32, #tpu.memory_space<vmem>>, vector<1x16xi32>,
      %get3A_246 = arith.index_cast %sub3A_223 : i32 to index
      %get3A_247 = arith.constant 16 : index
      %get3A_248 = tpu.vector_load %arg6[%get3A_246, %get3A_247] {strides = array<i32>} : memref<80x128xi32, #tpu.memory_space<vmem>>, vector<1x16xi32>,
      %get3A_249 = vector.shape_cast %get3A_248 : vector<1x16xi32> to vector<16xi32>
      %and3A_250 = arith.constant 16383 : i32
      %and3A_251 = vector.broadcast %and3A_250 : i32 to vector<16xi32>
      %and3A_252 = arith.andi %get3A_249, %and3A_251 : vector<16xi32>
      %swap3A_253 = arith.constant 1 : i32
      %swap3A_254 = arith.index_cast %swap3A_253 : i32 to index
      %swap3A_255 = arith.constant 16 : index
      %swap3A_256 = tpu.vector_load %arg7[%swap3A_254, %swap3A_255] {strides = array<i32>} : memref<2x128xi32, #tpu.memory_space<vmem>>, vector<1x16xi32>,
      %swap3A_257 = vector.shape_cast %swap3A_256 : vector<1x16xi32> to vector<16xi32>
      %swap3A_258 = vector.shape_cast %and3A_252 : vector<16xi32> to vector<1x16xi32>
      tpu.vector_store %arg7[%swap3A_254, %swap3A_255], %swap3A_258 {strides = array<i32>} : memref<2x128xi32, #tpu.memory_space<vmem>>, vector<1x16xi32>,
      %shift_right_arithmetic3A_259 = arith.constant 14 : i32
      %shift_right_arithmetic3A_260 = vector.broadcast %shift_right_arithmetic3A_259 : i32 to vector<16xi32>
      %shift_right_arithmetic3A_261 = arith.shrsi %get3A_249, %shift_right_arithmetic3A_260 : vector<16xi32>
      %swap3A_262 = arith.constant 1 : i32
      %swap3A_263 = arith.index_cast %swap3A_262 : i32 to index
      %swap3A_264 = arith.constant 16 : index
      %swap3A_265 = tpu.vector_load %arg8[%swap3A_263, %swap3A_264] {strides = array<i32>} : memref<2x128xi32, #tpu.memory_space<vmem>>, vector<1x16xi32>,
      %swap3A_266 = vector.shape_cast %swap3A_265 : vector<1x16xi32> to vector<16xi32>
      %swap3A_267 = vector.shape_cast %shift_right_arithmetic3A_261 : vector<16xi32> to vector<1x16xi32>
      tpu.vector_store %arg8[%swap3A_263, %swap3A_264], %swap3A_267 {strides = array<i32>} : memref<2x128xi32, #tpu.memory_space<vmem>>, vector<1x16xi32>,
      %get3A_268 = arith.index_cast %sub3A_223 : i32 to index
      %get3A_269 = arith.constant 32 : index
      %get3A_270 = tpu.vector_load %arg6[%get3A_268, %get3A_269] {strides = array<i32>} : memref<80x128xi32, #tpu.memory_space<vmem>>, vector<1x16xi32>,
      %get3A_271 = vector.shape_cast %get3A_270 : vector<1x16xi32> to vector<16xi32>
      %and3A_272 = arith.constant 16383 : i32
      %and3A_273 = vector.broadcast %and3A_272 : i32 to vector<16xi32>
      %and3A_274 = arith.andi %get3A_271, %and3A_273 : vector<16xi32>
      %swap3A_275 = arith.constant 1 : i32
      %swap3A_276 = arith.index_cast %swap3A_275 : i32 to index
      %swap3A_277 = arith.constant 32 : index
      %swap3A_278 = tpu.vector_load %arg7[%swap3A_276, %swap3A_277] {strides = array<i32>} : memref<2x128xi32, #tpu.memory_space<vmem>>, vector<1x16xi32>,
      %swap3A_279 = vector.shape_cast %swap3A_278 : vector<1x16xi32> to vector<16xi32>
      %swap3A_280 = vector.shape_cast %and3A_274 : vector<16xi32> to vector<1x16xi32>
      tpu.vector_store %arg7[%swap3A_276, %swap3A_277], %swap3A_280 {strides = array<i32>} : memref<2x128xi32, #tpu.memory_space<vmem>>, vector<1x16xi32>,
      %shift_right_arithmetic3A_281 = arith.constant 14 : i32
      %shift_right_arithmetic3A_282 = vector.broadcast %shift_right_arithmetic3A_281 : i32 to vector<16xi32>
      %shift_right_arithmetic3A_283 = arith.shrsi %get3A_271, %shift_right_arithmetic3A_282 : vector<16xi32>
      %swap3A_284 = arith.constant 1 : i32
      %swap3A_285 = arith.index_cast %swap3A_284 : i32 to index
      %swap3A_286 = arith.constant 32 : index
      %swap3A_287 = tpu.vector_load %arg8[%swap3A_285, %swap3A_286] {strides = array<i32>} : memref<2x128xi32, #tpu.memory_space<vmem>>, vector<1x16xi32>,
      %swap3A_288 = vector.shape_cast %swap3A_287 : vector<1x16xi32> to vector<16xi32>
      %swap3A_289 = vector.shape_cast %shift_right_arithmetic3A_283 : vector<16xi32> to vector<1x16xi32>
      tpu.vector_store %arg8[%swap3A_285, %swap3A_286], %swap3A_289 {strides = array<i32>} : memref<2x128xi32, #tpu.memory_space<vmem>>, vector<1x16xi32>,
      %get3A_290 = arith.index_cast %sub3A_223 : i32 to index
      %get3A_291 = arith.constant 48 : index
      %get3A_292 = tpu.vector_load %arg6[%get3A_290, %get3A_291] {strides = array<i32>} : memref<80x128xi32, #tpu.memory_space<vmem>>, vector<1x16xi32>,
      %get3A_293 = vector.shape_cast %get3A_292 : vector<1x16xi32> to vector<16xi32>
      %and3A_294 = arith.constant 16383 : i32
      %and3A_295 = vector.broadcast %and3A_294 : i32 to vector<16xi32>
      %and3A_296 = arith.andi %get3A_293, %and3A_295 : vector<16xi32>
      %swap3A_297 = arith.constant 1 : i32
      %swap3A_298 = arith.index_cast %swap3A_297 : i32 to index
      %swap3A_299 = arith.constant 48 : index
      %swap3A_300 = tpu.vector_load %arg7[%swap3A_298, %swap3A_299] {strides = array<i32>} : memref<2x128xi32, #tpu.memory_space<vmem>>, vector<1x16xi32>,
      %swap3A_301 = vector.shape_cast %swap3A_300 : vector<1x16xi32> to vector<16xi32>
      %swap3A_302 = vector.shape_cast %and3A_296 : vector<16xi32> to vector<1x16xi32>
      tpu.vector_store %arg7[%swap3A_298, %swap3A_299], %swap3A_302 {strides = array<i32>} : memref<2x128xi32, #tpu.memory_space<vmem>>, vector<1x16xi32>,
      %shift_right_arithmetic3A_303 = arith.constant 14 : i32
      %shift_right_arithmetic3A_304 = vector.broadcast %shift_right_arithmetic3A_303 : i32 to vector<16xi32>
      %shift_right_arithmetic3A_305 = arith.shrsi %get3A_293, %shift_right_arithmetic3A_304 : vector<16xi32>
      %swap3A_306 = arith.constant 1 : i32
      %swap3A_307 = arith.index_cast %swap3A_306 : i32 to index
      %swap3A_308 = arith.constant 48 : index
      %swap3A_309 = tpu.vector_load %arg8[%swap3A_307, %swap3A_308] {strides = array<i32>} : memref<2x128xi32, #tpu.memory_space<vmem>>, vector<1x16xi32>,
      %swap3A_310 = vector.shape_cast %swap3A_309 : vector<1x16xi32> to vector<16xi32>
      %swap3A_311 = vector.shape_cast %shift_right_arithmetic3A_305 : vector<16xi32> to vector<1x16xi32>
      tpu.vector_store %arg8[%swap3A_307, %swap3A_308], %swap3A_311 {strides = array<i32>} : memref<2x128xi32, #tpu.memory_space<vmem>>, vector<1x16xi32>,
      %get3A_312 = arith.index_cast %sub3A_223 : i32 to index
      %get3A_313 = arith.constant 64 : index
      %get3A_314 = tpu.vector_load %arg6[%get3A_312, %get3A_313] {strides = array<i32>} : memref<80x128xi32, #tpu.memory_space<vmem>>, vector<1x16xi32>,
      %get3A_315 = vector.shape_cast %get3A_314 : vector<1x16xi32> to vector<16xi32>
      %and3A_316 = arith.constant 16383 : i32
      %and3A_317 = vector.broadcast %and3A_316 : i32 to vector<16xi32>
      %and3A_318 = arith.andi %get3A_315, %and3A_317 : vector<16xi32>
      %swap3A_319 = arith.constant 1 : i32
      %swap3A_320 = arith.index_cast %swap3A_319 : i32 to index
      %swap3A_321 = arith.constant 64 : index
      %swap3A_322 = tpu.vector_load %arg7[%swap3A_320, %swap3A_321] {strides = array<i32>} : memref<2x128xi32, #tpu.memory_space<vmem>>, vector<1x16xi32>,
      %swap3A_323 = vector.shape_cast %swap3A_322 : vector<1x16xi32> to vector<16xi32>
      %swap3A_324 = vector.shape_cast %and3A_318 : vector<16xi32> to vector<1x16xi32>
      tpu.vector_store %arg7[%swap3A_320, %swap3A_321], %swap3A_324 {strides = array<i32>} : memref<2x128xi32, #tpu.memory_space<vmem>>, vector<1x16xi32>,
      %shift_right_arithmetic3A_325 = arith.constant 14 : i32
      %shift_right_arithmetic3A_326 = vector.broadcast %shift_right_arithmetic3A_325 : i32 to vector<16xi32>
      %shift_right_arithmetic3A_327 = arith.shrsi %get3A_315, %shift_right_arithmetic3A_326 : vector<16xi32>
      %swap3A_328 = arith.constant 1 : i32
      %swap3A_329 = arith.index_cast %swap3A_328 : i32 to index
      %swap3A_330 = arith.constant 64 : index
      %swap3A_331 = tpu.vector_load %arg8[%swap3A_329, %swap3A_330] {strides = array<i32>} : memref<2x128xi32, #tpu.memory_space<vmem>>, vector<1x16xi32>,
      %swap3A_332 = vector.shape_cast %swap3A_331 : vector<1x16xi32> to vector<16xi32>
      %swap3A_333 = vector.shape_cast %shift_right_arithmetic3A_327 : vector<16xi32> to vector<1x16xi32>
      tpu.vector_store %arg8[%swap3A_329, %swap3A_330], %swap3A_333 {strides = array<i32>} : memref<2x128xi32, #tpu.memory_space<vmem>>, vector<1x16xi32>,
      %get3A_334 = arith.index_cast %sub3A_223 : i32 to index
      %get3A_335 = arith.constant 80 : index
      %get3A_336 = tpu.vector_load %arg6[%get3A_334, %get3A_335] {strides = array<i32>} : memref<80x128xi32, #tpu.memory_space<vmem>>, vector<1x16xi32>,
      %get3A_337 = vector.shape_cast %get3A_336 : vector<1x16xi32> to vector<16xi32>
      %and3A_338 = arith.constant 16383 : i32
      %and3A_339 = vector.broadcast %and3A_338 : i32 to vector<16xi32>
      %and3A_340 = arith.andi %get3A_337, %and3A_339 : vector<16xi32>
      %swap3A_341 = arith.constant 1 : i32
      %swap3A_342 = arith.index_cast %swap3A_341 : i32 to index
      %swap3A_343 = arith.constant 80 : index
      %swap3A_344 = tpu.vector_load %arg7[%swap3A_342, %swap3A_343] {strides = array<i32>} : memref<2x128xi32, #tpu.memory_space<vmem>>, vector<1x16xi32>,
      %swap3A_345 = vector.shape_cast %swap3A_344 : vector<1x16xi32> to vector<16xi32>
      %swap3A_346 = vector.shape_cast %and3A_340 : vector<16xi32> to vector<1x16xi32>
      tpu.vector_store %arg7[%swap3A_342, %swap3A_343], %swap3A_346 {strides = array<i32>} : memref<2x128xi32, #tpu.memory_space<vmem>>, vector<1x16xi32>,
      %shift_right_arithmetic3A_347 = arith.constant 14 : i32
      %shift_right_arithmetic3A_348 = vector.broadcast %shift_right_arithmetic3A_347 : i32 to vector<16xi32>
      %shift_right_arithmetic3A_349 = arith.shrsi %get3A_337, %shift_right_arithmetic3A_348 : vector<16xi32>
      %swap3A_350 = arith.constant 1 : i32
      %swap3A_351 = arith.index_cast %swap3A_350 : i32 to index
      %swap3A_352 = arith.constant 80 : index
      %swap3A_353 = tpu.vector_load %arg8[%swap3A_351, %swap3A_352] {strides = array<i32>} : memref<2x128xi32, #tpu.memory_space<vmem>>, vector<1x16xi32>,
      %swap3A_354 = vector.shape_cast %swap3A_353 : vector<1x16xi32> to vector<16xi32>
      %swap3A_355 = vector.shape_cast %shift_right_arithmetic3A_349 : vector<16xi32> to vector<1x16xi32>
      tpu.vector_store %arg8[%swap3A_351, %swap3A_352], %swap3A_355 {strides = array<i32>} : memref<2x128xi32, #tpu.memory_space<vmem>>, vector<1x16xi32>,
      %get3A_356 = arith.index_cast %sub3A_223 : i32 to index
      %get3A_357 = arith.constant 96 : index
      %get3A_358 = tpu.vector_load %arg6[%get3A_356, %get3A_357] {strides = array<i32>} : memref<80x128xi32, #tpu.memory_space<vmem>>, vector<1x16xi32>,
      %get3A_359 = vector.shape_cast %get3A_358 : vector<1x16xi32> to vector<16xi32>
      %and3A_360 = arith.constant 16383 : i32
      %and3A_361 = vector.broadcast %and3A_360 : i32 to vector<16xi32>
      %and3A_362 = arith.andi %get3A_359, %and3A_361 : vector<16xi32>
      %swap3A_363 = arith.constant 1 : i32
      %swap3A_364 = arith.index_cast %swap3A_363 : i32 to index
      %swap3A_365 = arith.constant 96 : index
      %swap3A_366 = tpu.vector_load %arg7[%swap3A_364, %swap3A_365] {strides = array<i32>} : memref<2x128xi32, #tpu.memory_space<vmem>>, vector<1x16xi32>,
      %swap3A_367 = vector.shape_cast %swap3A_366 : vector<1x16xi32> to vector<16xi32>
      %swap3A_368 = vector.shape_cast %and3A_362 : vector<16xi32> to vector<1x16xi32>
      tpu.vector_store %arg7[%swap3A_364, %swap3A_365], %swap3A_368 {strides = array<i32>} : memref<2x128xi32, #tpu.memory_space<vmem>>, vector<1x16xi32>,
      %shift_right_arithmetic3A_369 = arith.constant 14 : i32
      %shift_right_arithmetic3A_370 = vector.broadcast %shift_right_arithmetic3A_369 : i32 to vector<16xi32>
      %shift_right_arithmetic3A_371 = arith.shrsi %get3A_359, %shift_right_arithmetic3A_370 : vector<16xi32>
      %swap3A_372 = arith.constant 1 : i32
      %swap3A_373 = arith.index_cast %swap3A_372 : i32 to index
      %swap3A_374 = arith.constant 96 : index
      %swap3A_375 = tpu.vector_load %arg8[%swap3A_373, %swap3A_374] {strides = array<i32>} : memref<2x128xi32, #tpu.memory_space<vmem>>, vector<1x16xi32>,
      %swap3A_376 = vector.shape_cast %swap3A_375 : vector<1x16xi32> to vector<16xi32>
      %swap3A_377 = vector.shape_cast %shift_right_arithmetic3A_371 : vector<16xi32> to vector<1x16xi32>
      tpu.vector_store %arg8[%swap3A_373, %swap3A_374], %swap3A_377 {strides = array<i32>} : memref<2x128xi32, #tpu.memory_space<vmem>>, vector<1x16xi32>,
      %get3A_378 = arith.index_cast %sub3A_223 : i32 to index
      %get3A_379 = arith.constant 112 : index
      %get3A_380 = tpu.vector_load %arg6[%get3A_378, %get3A_379] {strides = array<i32>} : memref<80x128xi32, #tpu.memory_space<vmem>>, vector<1x16xi32>,
      %get3A_381 = vector.shape_cast %get3A_380 : vector<1x16xi32> to vector<16xi32>
      %and3A_382 = arith.constant 16383 : i32
      %and3A_383 = vector.broadcast %and3A_382 : i32 to vector<16xi32>
      %and3A_384 = arith.andi %get3A_381, %and3A_383 : vector<16xi32>
      %swap3A_385 = arith.constant 1 : i32
      %swap3A_386 = arith.index_cast %swap3A_385 : i32 to index
      %swap3A_387 = arith.constant 112 : index
      %swap3A_388 = tpu.vector_load %arg7[%swap3A_386, %swap3A_387] {strides = array<i32>} : memref<2x128xi32, #tpu.memory_space<vmem>>, vector<1x16xi32>,
      %swap3A_389 = vector.shape_cast %swap3A_388 : vector<1x16xi32> to vector<16xi32>
      %swap3A_390 = vector.shape_cast %and3A_384 : vector<16xi32> to vector<1x16xi32>
      tpu.vector_store %arg7[%swap3A_386, %swap3A_387], %swap3A_390 {strides = array<i32>} : memref<2x128xi32, #tpu.memory_space<vmem>>, vector<1x16xi32>,
      %shift_right_arithmetic3A_391 = arith.constant 14 : i32
      %shift_right_arithmetic3A_392 = vector.broadcast %shift_right_arithmetic3A_391 : i32 to vector<16xi32>
      %shift_right_arithmetic3A_393 = arith.shrsi %get3A_381, %shift_right_arithmetic3A_392 : vector<16xi32>
      %swap3A_394 = arith.constant 1 : i32
      %swap3A_395 = arith.index_cast %swap3A_394 : i32 to index
      %swap3A_396 = arith.constant 112 : index
      %swap3A_397 = tpu.vector_load %arg8[%swap3A_395, %swap3A_396] {strides = array<i32>} : memref<2x128xi32, #tpu.memory_space<vmem>>, vector<1x16xi32>,
      %swap3A_398 = vector.shape_cast %swap3A_397 : vector<1x16xi32> to vector<16xi32>
      %swap3A_399 = vector.shape_cast %shift_right_arithmetic3A_393 : vector<16xi32> to vector<1x16xi32>
      tpu.vector_store %arg8[%swap3A_395, %swap3A_396], %swap3A_399 {strides = array<i32>} : memref<2x128xi32, #tpu.memory_space<vmem>>, vector<1x16xi32>,
      %dma_start3A_400 = arith.constant 1 : i32
      %dma_start3A_401 = arith.constant 1 : i32
      %dma_start3A_402 = arith.constant 0 : i32
      %dma_start3A_403 = arith.constant 0 : i32
      %dma_start3A_404 = tpu.memref_slice %arg9[%dma_start3A_401, %dma_start3A_402, %dma_start3A_403] : memref<2x128x128xf32, #tpu.memory_space<vmem>> -> memref<1x128x128xf32, #tpu.memory_space<vmem>>
      %dma_start3A_405 = tpu.memref_squeeze %dma_start3A_404 : memref<1x128x128xf32, #tpu.memory_space<vmem>> -> memref<128x128xf32, #tpu.memory_space<vmem>>
      %dma_start3A_406 = arith.constant 0 : i32
      %dma_start3A_407 = tpu.memref_slice %arg7[%dma_start3A_400, %dma_start3A_406] : memref<2x128xi32, #tpu.memory_space<vmem>> -> memref<1x128xi32, #tpu.memory_space<vmem>>
      %dma_start3A_408 = tpu.memref_squeeze %dma_start3A_407 : memref<1x128xi32, #tpu.memory_space<vmem>> -> memref<128xi32, #tpu.memory_space<vmem>>
      %dma_start3A_409 = arith.constant 0 : i32
      %dma_start3A_410 = arith.constant 0 : i32
      %dma_start3A_411 = tpu.memref_slice %arg2[%dma_start3A_409, %dma_start3A_410] : memref<10000x128xf32, #tpu.memory_space<hbm>> -> memref<10000x128xf32, #tpu.memory_space<hbm>>
      tpu.enqueue_indirect_dma source(%dma_start3A_411 : memref<10000x128xf32, #tpu.memory_space<hbm>>) target(%dma_start3A_405 : memref<128x128xf32, #tpu.memory_space<vmem>>) offsets(%dma_start3A_408 : memref<128xi32, #tpu.memory_space<vmem>>) semaphore(%arg11 : memref<!tpu.dma_semaphore, #tpu.memory_space<semaphore_mem>>)
      %run_scoped3A = arith.constant 0 : i32
      %run_scoped3A_412 = arith.constant 0 : i32
      "tpu.region"() ({
        %run_scoped3A_429 = tpu.sem_alloc : memref<!tpu.dma_semaphore, #tpu.memory_space<semaphore_mem>>
        %dma_start3A_430 = arith.constant 0 : i32
        %dma_start3A_431 = arith.constant 0 : i32
        %dma_start3A_432 = tpu.memref_slice %arg9[%run_scoped3A, %dma_start3A_430, %dma_start3A_431] : memref<2x128x128xf32, #tpu.memory_space<vmem>> -> memref<1x128x128xf32, #tpu.memory_space<vmem>>
        %dma_start3A_433 = tpu.memref_squeeze %dma_start3A_432 : memref<1x128x128xf32, #tpu.memory_space<vmem>> -> memref<128x128xf32, #tpu.memory_space<vmem>>
        %dma_start3A_434 = arith.constant 0 : i32
        %dma_start3A_435 = tpu.memref_slice %arg8[%run_scoped3A_412, %dma_start3A_434] : memref<2x128xi32, #tpu.memory_space<vmem>> -> memref<1x128xi32, #tpu.memory_space<vmem>>
        %dma_start3A_436 = tpu.memref_squeeze %dma_start3A_435 : memref<1x128xi32, #tpu.memory_space<vmem>> -> memref<128xi32, #tpu.memory_space<vmem>>
        %dma_start3A_437 = arith.constant 0 : i32
        %dma_start3A_438 = arith.constant 0 : i32
        %dma_start3A_439 = tpu.memref_slice %arg12[%dma_start3A_437, %dma_start3A_438] : memref<10240x128xf32, #tpu.memory_space<vmem_shared>> -> memref<10240x128xf32, #tpu.memory_space<vmem_shared>>
        tpu.enqueue_indirect_dma source(%dma_start3A_433 : memref<128x128xf32, #tpu.memory_space<vmem>>) target(%dma_start3A_439 : memref<10240x128xf32, #tpu.memory_space<vmem_shared>>) offsets(%dma_start3A_436 : memref<128xi32, #tpu.memory_space<vmem>>) semaphore(%run_scoped3A_429 : memref<!tpu.dma_semaphore, #tpu.memory_space<semaphore_mem>>) {add = true}
        %dma_wait3A_440 = arith.constant 0 : i32
        %dma_wait3A_441 = arith.constant 0 : i32
        %dma_wait3A_442 = tpu.memref_slice %arg9[%run_scoped3A, %dma_wait3A_440, %dma_wait3A_441] : memref<2x128x128xf32, #tpu.memory_space<vmem>> -> memref<1x128x128xf32, #tpu.memory_space<vmem>>
        %dma_wait3A_443 = tpu.memref_squeeze %dma_wait3A_442 : memref<1x128x128xf32, #tpu.memory_space<vmem>> -> memref<128x128xf32, #tpu.memory_space<vmem>>
        %dma_wait3A_444 = arith.constant 0 : i32
        %dma_wait3A_445 = tpu.memref_slice %arg8[%run_scoped3A_412, %dma_wait3A_444] : memref<2x128xi32, #tpu.memory_space<vmem>> -> memref<1x128xi32, #tpu.memory_space<vmem>>
        %dma_wait3A_446 = tpu.memref_squeeze %dma_wait3A_445 : memref<1x128xi32, #tpu.memory_space<vmem>> -> memref<128xi32, #tpu.memory_space<vmem>>
        %dma_wait3A_447 = arith.constant 0 : i32
        %dma_wait3A_448 = arith.constant 0 : i32
        %dma_wait3A_449 = tpu.memref_slice %arg12[%dma_wait3A_447, %dma_wait3A_448] : memref<10240x128xf32, #tpu.memory_space<vmem_shared>> -> memref<10240x128xf32, #tpu.memory_space<vmem_shared>>
        tpu.wait_indirect_dma semaphore(%run_scoped3A_429 : memref<!tpu.dma_semaphore, #tpu.memory_space<semaphore_mem>>) src(%dma_wait3A_443 : memref<128x128xf32, #tpu.memory_space<vmem>>) dst(%dma_wait3A_449 : memref<10240x128xf32, #tpu.memory_space<vmem_shared>>)
        tpu.yield
      }) : () -> ()
      %dma_wait3A_413 = arith.constant 1 : i32
      %dma_wait3A_414 = arith.constant 1 : i32
      %dma_wait3A_415 = arith.constant 0 : i32
      %dma_wait3A_416 = arith.constant 0 : i32
      %dma_wait3A_417 = tpu.memref_slice %arg9[%dma_wait3A_414, %dma_wait3A_415, %dma_wait3A_416] : memref<2x128x128xf32, #tpu.memory_space<vmem>> -> memref<1x128x128xf32, #tpu.memory_space<vmem>>
      %dma_wait3A_418 = tpu.memref_squeeze %dma_wait3A_417 : memref<1x128x128xf32, #tpu.memory_space<vmem>> -> memref<128x128xf32, #tpu.memory_space<vmem>>
      %dma_wait3A_419 = arith.constant 0 : i32
      %dma_wait3A_420 = tpu.memref_slice %arg7[%dma_wait3A_413, %dma_wait3A_419] : memref<2x128xi32, #tpu.memory_space<vmem>> -> memref<1x128xi32, #tpu.memory_space<vmem>>
      %dma_wait3A_421 = tpu.memref_squeeze %dma_wait3A_420 : memref<1x128xi32, #tpu.memory_space<vmem>> -> memref<128xi32, #tpu.memory_space<vmem>>
      %dma_wait3A_422 = arith.constant 0 : i32
      %dma_wait3A_423 = arith.constant 0 : i32
      %dma_wait3A_424 = tpu.memref_slice %arg2[%dma_wait3A_422, %dma_wait3A_423] : memref<10000x128xf32, #tpu.memory_space<hbm>> -> memref<10000x128xf32, #tpu.memory_space<hbm>>
      tpu.wait_indirect_dma semaphore(%arg11 : memref<!tpu.dma_semaphore, #tpu.memory_space<semaphore_mem>>) src(%dma_wait3A_424 : memref<10000x128xf32, #tpu.memory_space<hbm>>) dst(%dma_wait3A_418 : memref<128x128xf32, #tpu.memory_space<vmem>>)
      %ne3A = arith.constant 79 : i32
      %ne3A_425 = arith.cmpi ne, %add3A_206, %ne3A : i32
      %convert_element_type3A = arith.extui %ne3A_425 : i1 to i32
      %cond3A = arith.constant 0 : i32
      %cond3A_426 = arith.cmpi ne, %convert_element_type3A, %cond3A : i32
      scf.if %cond3A_426 {
        %add3A_429 = arith.constant 1 : i32
        %add3A_430 = arith.addi %add3A_206, %add3A_429 : i32
        %ge3A_431 = arith.constant 80 : i32
        %ge3A_432 = arith.cmpi sge, %add3A_430, %ge3A_431 : i32
        %jit3A_433 = arith.constant 80 : i32
        %jit3A_434 = arith.constant 0 : i32
        %select_n3A_435 = arith.select %ge3A_432, %jit3A_433, %jit3A_434 : i32
        %sub3A_436 = arith.subi %add3A_430, %select_n3A_435 : i32
        %get3A_437 = arith.index_cast %sub3A_436 : i32 to index
        %get3A_438 = arith.constant 0 : index
        %get3A_439 = tpu.vector_load %arg6[%get3A_437, %get3A_438] {strides = array<i32>} : memref<80x128xi32, #tpu.memory_space<vmem>>, vector<1x16xi32>,
        %get3A_440 = vector.shape_cast %get3A_439 : vector<1x16xi32> to vector<16xi32>
        %and3A_441 = arith.constant 16383 : i32
        %and3A_442 = vector.broadcast %and3A_441 : i32 to vector<16xi32>
        %and3A_443 = arith.andi %get3A_440, %and3A_442 : vector<16xi32>
        %swap3A_444 = arith.constant 0 : i32
        %swap3A_445 = arith.index_cast %swap3A_444 : i32 to index
        %swap3A_446 = arith.constant 0 : index
        %swap3A_447 = tpu.vector_load %arg7[%swap3A_445, %swap3A_446] {strides = array<i32>} : memref<2x128xi32, #tpu.memory_space<vmem>>, vector<1x16xi32>,
        %swap3A_448 = vector.shape_cast %swap3A_447 : vector<1x16xi32> to vector<16xi32>
        %swap3A_449 = vector.shape_cast %and3A_443 : vector<16xi32> to vector<1x16xi32>
        tpu.vector_store %arg7[%swap3A_445, %swap3A_446], %swap3A_449 {strides = array<i32>} : memref<2x128xi32, #tpu.memory_space<vmem>>, vector<1x16xi32>,
        %shift_right_arithmetic3A_450 = arith.constant 14 : i32
        %shift_right_arithmetic3A_451 = vector.broadcast %shift_right_arithmetic3A_450 : i32 to vector<16xi32>
        %shift_right_arithmetic3A_452 = arith.shrsi %get3A_440, %shift_right_arithmetic3A_451 : vector<16xi32>
        %swap3A_453 = arith.constant 0 : i32
        %swap3A_454 = arith.index_cast %swap3A_453 : i32 to index
        %swap3A_455 = arith.constant 0 : index
        %swap3A_456 = tpu.vector_load %arg8[%swap3A_454, %swap3A_455] {strides = array<i32>} : memref<2x128xi32, #tpu.memory_space<vmem>>, vector<1x16xi32>,
        %swap3A_457 = vector.shape_cast %swap3A_456 : vector<1x16xi32> to vector<16xi32>
        %swap3A_458 = vector.shape_cast %shift_right_arithmetic3A_452 : vector<16xi32> to vector<1x16xi32>
        tpu.vector_store %arg8[%swap3A_454, %swap3A_455], %swap3A_458 {strides = array<i32>} : memref<2x128xi32, #tpu.memory_space<vmem>>, vector<1x16xi32>,
        %get3A_459 = arith.index_cast %sub3A_436 : i32 to index
        %get3A_460 = arith.constant 16 : index
        %get3A_461 = tpu.vector_load %arg6[%get3A_459, %get3A_460] {strides = array<i32>} : memref<80x128xi32, #tpu.memory_space<vmem>>, vector<1x16xi32>,
        %get3A_462 = vector.shape_cast %get3A_461 : vector<1x16xi32> to vector<16xi32>
        %and3A_463 = arith.constant 16383 : i32
        %and3A_464 = vector.broadcast %and3A_463 : i32 to vector<16xi32>
        %and3A_465 = arith.andi %get3A_462, %and3A_464 : vector<16xi32>
        %swap3A_466 = arith.constant 0 : i32
        %swap3A_467 = arith.index_cast %swap3A_466 : i32 to index
        %swap3A_468 = arith.constant 16 : index
        %swap3A_469 = tpu.vector_load %arg7[%swap3A_467, %swap3A_468] {strides = array<i32>} : memref<2x128xi32, #tpu.memory_space<vmem>>, vector<1x16xi32>,
        %swap3A_470 = vector.shape_cast %swap3A_469 : vector<1x16xi32> to vector<16xi32>
        %swap3A_471 = vector.shape_cast %and3A_465 : vector<16xi32> to vector<1x16xi32>
        tpu.vector_store %arg7[%swap3A_467, %swap3A_468], %swap3A_471 {strides = array<i32>} : memref<2x128xi32, #tpu.memory_space<vmem>>, vector<1x16xi32>,
        %shift_right_arithmetic3A_472 = arith.constant 14 : i32
        %shift_right_arithmetic3A_473 = vector.broadcast %shift_right_arithmetic3A_472 : i32 to vector<16xi32>
        %shift_right_arithmetic3A_474 = arith.shrsi %get3A_462, %shift_right_arithmetic3A_473 : vector<16xi32>
        %swap3A_475 = arith.constant 0 : i32
        %swap3A_476 = arith.index_cast %swap3A_475 : i32 to index
        %swap3A_477 = arith.constant 16 : index
        %swap3A_478 = tpu.vector_load %arg8[%swap3A_476, %swap3A_477] {strides = array<i32>} : memref<2x128xi32, #tpu.memory_space<vmem>>, vector<1x16xi32>,
        %swap3A_479 = vector.shape_cast %swap3A_478 : vector<1x16xi32> to vector<16xi32>
        %swap3A_480 = vector.shape_cast %shift_right_arithmetic3A_474 : vector<16xi32> to vector<1x16xi32>
        tpu.vector_store %arg8[%swap3A_476, %swap3A_477], %swap3A_480 {strides = array<i32>} : memref<2x128xi32, #tpu.memory_space<vmem>>, vector<1x16xi32>,
        %get3A_481 = arith.index_cast %sub3A_436 : i32 to index
        %get3A_482 = arith.constant 32 : index
        %get3A_483 = tpu.vector_load %arg6[%get3A_481, %get3A_482] {strides = array<i32>} : memref<80x128xi32, #tpu.memory_space<vmem>>, vector<1x16xi32>,
        %get3A_484 = vector.shape_cast %get3A_483 : vector<1x16xi32> to vector<16xi32>
        %and3A_485 = arith.constant 16383 : i32
        %and3A_486 = vector.broadcast %and3A_485 : i32 to vector<16xi32>
        %and3A_487 = arith.andi %get3A_484, %and3A_486 : vector<16xi32>
        %swap3A_488 = arith.constant 0 : i32
        %swap3A_489 = arith.index_cast %swap3A_488 : i32 to index
        %swap3A_490 = arith.constant 32 : index
        %swap3A_491 = tpu.vector_load %arg7[%swap3A_489, %swap3A_490] {strides = array<i32>} : memref<2x128xi32, #tpu.memory_space<vmem>>, vector<1x16xi32>,
        %swap3A_492 = vector.shape_cast %swap3A_491 : vector<1x16xi32> to vector<16xi32>
        %swap3A_493 = vector.shape_cast %and3A_487 : vector<16xi32> to vector<1x16xi32>
        tpu.vector_store %arg7[%swap3A_489, %swap3A_490], %swap3A_493 {strides = array<i32>} : memref<2x128xi32, #tpu.memory_space<vmem>>, vector<1x16xi32>,
        %shift_right_arithmetic3A_494 = arith.constant 14 : i32
        %shift_right_arithmetic3A_495 = vector.broadcast %shift_right_arithmetic3A_494 : i32 to vector<16xi32>
        %shift_right_arithmetic3A_496 = arith.shrsi %get3A_484, %shift_right_arithmetic3A_495 : vector<16xi32>
        %swap3A_497 = arith.constant 0 : i32
        %swap3A_498 = arith.index_cast %swap3A_497 : i32 to index
        %swap3A_499 = arith.constant 32 : index
        %swap3A_500 = tpu.vector_load %arg8[%swap3A_498, %swap3A_499] {strides = array<i32>} : memref<2x128xi32, #tpu.memory_space<vmem>>, vector<1x16xi32>,
        %swap3A_501 = vector.shape_cast %swap3A_500 : vector<1x16xi32> to vector<16xi32>
        %swap3A_502 = vector.shape_cast %shift_right_arithmetic3A_496 : vector<16xi32> to vector<1x16xi32>
        tpu.vector_store %arg8[%swap3A_498, %swap3A_499], %swap3A_502 {strides = array<i32>} : memref<2x128xi32, #tpu.memory_space<vmem>>, vector<1x16xi32>,
        %get3A_503 = arith.index_cast %sub3A_436 : i32 to index
        %get3A_504 = arith.constant 48 : index
        %get3A_505 = tpu.vector_load %arg6[%get3A_503, %get3A_504] {strides = array<i32>} : memref<80x128xi32, #tpu.memory_space<vmem>>, vector<1x16xi32>,
        %get3A_506 = vector.shape_cast %get3A_505 : vector<1x16xi32> to vector<16xi32>
        %and3A_507 = arith.constant 16383 : i32
        %and3A_508 = vector.broadcast %and3A_507 : i32 to vector<16xi32>
        %and3A_509 = arith.andi %get3A_506, %and3A_508 : vector<16xi32>
        %swap3A_510 = arith.constant 0 : i32
        %swap3A_511 = arith.index_cast %swap3A_510 : i32 to index
        %swap3A_512 = arith.constant 48 : index
        %swap3A_513 = tpu.vector_load %arg7[%swap3A_511, %swap3A_512] {strides = array<i32>} : memref<2x128xi32, #tpu.memory_space<vmem>>, vector<1x16xi32>,
        %swap3A_514 = vector.shape_cast %swap3A_513 : vector<1x16xi32> to vector<16xi32>
        %swap3A_515 = vector.shape_cast %and3A_509 : vector<16xi32> to vector<1x16xi32>
        tpu.vector_store %arg7[%swap3A_511, %swap3A_512], %swap3A_515 {strides = array<i32>} : memref<2x128xi32, #tpu.memory_space<vmem>>, vector<1x16xi32>,
        %shift_right_arithmetic3A_516 = arith.constant 14 : i32
        %shift_right_arithmetic3A_517 = vector.broadcast %shift_right_arithmetic3A_516 : i32 to vector<16xi32>
        %shift_right_arithmetic3A_518 = arith.shrsi %get3A_506, %shift_right_arithmetic3A_517 : vector<16xi32>
        %swap3A_519 = arith.constant 0 : i32
        %swap3A_520 = arith.index_cast %swap3A_519 : i32 to index
        %swap3A_521 = arith.constant 48 : index
        %swap3A_522 = tpu.vector_load %arg8[%swap3A_520, %swap3A_521] {strides = array<i32>} : memref<2x128xi32, #tpu.memory_space<vmem>>, vector<1x16xi32>,
        %swap3A_523 = vector.shape_cast %swap3A_522 : vector<1x16xi32> to vector<16xi32>
        %swap3A_524 = vector.shape_cast %shift_right_arithmetic3A_518 : vector<16xi32> to vector<1x16xi32>
        tpu.vector_store %arg8[%swap3A_520, %swap3A_521], %swap3A_524 {strides = array<i32>} : memref<2x128xi32, #tpu.memory_space<vmem>>, vector<1x16xi32>,
        %get3A_525 = arith.index_cast %sub3A_436 : i32 to index
        %get3A_526 = arith.constant 64 : index
        %get3A_527 = tpu.vector_load %arg6[%get3A_525, %get3A_526] {strides = array<i32>} : memref<80x128xi32, #tpu.memory_space<vmem>>, vector<1x16xi32>,
        %get3A_528 = vector.shape_cast %get3A_527 : vector<1x16xi32> to vector<16xi32>
        %and3A_529 = arith.constant 16383 : i32
        %and3A_530 = vector.broadcast %and3A_529 : i32 to vector<16xi32>
        %and3A_531 = arith.andi %get3A_528, %and3A_530 : vector<16xi32>
        %swap3A_532 = arith.constant 0 : i32
        %swap3A_533 = arith.index_cast %swap3A_532 : i32 to index
        %swap3A_534 = arith.constant 64 : index
        %swap3A_535 = tpu.vector_load %arg7[%swap3A_533, %swap3A_534] {strides = array<i32>} : memref<2x128xi32, #tpu.memory_space<vmem>>, vector<1x16xi32>,
        %swap3A_536 = vector.shape_cast %swap3A_535 : vector<1x16xi32> to vector<16xi32>
        %swap3A_537 = vector.shape_cast %and3A_531 : vector<16xi32> to vector<1x16xi32>
        tpu.vector_store %arg7[%swap3A_533, %swap3A_534], %swap3A_537 {strides = array<i32>} : memref<2x128xi32, #tpu.memory_space<vmem>>, vector<1x16xi32>,
        %shift_right_arithmetic3A_538 = arith.constant 14 : i32
        %shift_right_arithmetic3A_539 = vector.broadcast %shift_right_arithmetic3A_538 : i32 to vector<16xi32>
        %shift_right_arithmetic3A_540 = arith.shrsi %get3A_528, %shift_right_arithmetic3A_539 : vector<16xi32>
        %swap3A_541 = arith.constant 0 : i32
        %swap3A_542 = arith.index_cast %swap3A_541 : i32 to index
        %swap3A_543 = arith.constant 64 : index
        %swap3A_544 = tpu.vector_load %arg8[%swap3A_542, %swap3A_543] {strides = array<i32>} : memref<2x128xi32, #tpu.memory_space<vmem>>, vector<1x16xi32>,
        %swap3A_545 = vector.shape_cast %swap3A_544 : vector<1x16xi32> to vector<16xi32>
        %swap3A_546 = vector.shape_cast %shift_right_arithmetic3A_540 : vector<16xi32> to vector<1x16xi32>
        tpu.vector_store %arg8[%swap3A_542, %swap3A_543], %swap3A_546 {strides = array<i32>} : memref<2x128xi32, #tpu.memory_space<vmem>>, vector<1x16xi32>,
        %get3A_547 = arith.index_cast %sub3A_436 : i32 to index
        %get3A_548 = arith.constant 80 : index
        %get3A_549 = tpu.vector_load %arg6[%get3A_547, %get3A_548] {strides = array<i32>} : memref<80x128xi32, #tpu.memory_space<vmem>>, vector<1x16xi32>,
        %get3A_550 = vector.shape_cast %get3A_549 : vector<1x16xi32> to vector<16xi32>
        %and3A_551 = arith.constant 16383 : i32
        %and3A_552 = vector.broadcast %and3A_551 : i32 to vector<16xi32>
        %and3A_553 = arith.andi %get3A_550, %and3A_552 : vector<16xi32>
        %swap3A_554 = arith.constant 0 : i32
        %swap3A_555 = arith.index_cast %swap3A_554 : i32 to index
        %swap3A_556 = arith.constant 80 : index
        %swap3A_557 = tpu.vector_load %arg7[%swap3A_555, %swap3A_556] {strides = array<i32>} : memref<2x128xi32, #tpu.memory_space<vmem>>, vector<1x16xi32>,
        %swap3A_558 = vector.shape_cast %swap3A_557 : vector<1x16xi32> to vector<16xi32>
        %swap3A_559 = vector.shape_cast %and3A_553 : vector<16xi32> to vector<1x16xi32>
        tpu.vector_store %arg7[%swap3A_555, %swap3A_556], %swap3A_559 {strides = array<i32>} : memref<2x128xi32, #tpu.memory_space<vmem>>, vector<1x16xi32>,
        %shift_right_arithmetic3A_560 = arith.constant 14 : i32
        %shift_right_arithmetic3A_561 = vector.broadcast %shift_right_arithmetic3A_560 : i32 to vector<16xi32>
        %shift_right_arithmetic3A_562 = arith.shrsi %get3A_550, %shift_right_arithmetic3A_561 : vector<16xi32>
        %swap3A_563 = arith.constant 0 : i32
        %swap3A_564 = arith.index_cast %swap3A_563 : i32 to index
        %swap3A_565 = arith.constant 80 : index
        %swap3A_566 = tpu.vector_load %arg8[%swap3A_564, %swap3A_565] {strides = array<i32>} : memref<2x128xi32, #tpu.memory_space<vmem>>, vector<1x16xi32>,
        %swap3A_567 = vector.shape_cast %swap3A_566 : vector<1x16xi32> to vector<16xi32>
        %swap3A_568 = vector.shape_cast %shift_right_arithmetic3A_562 : vector<16xi32> to vector<1x16xi32>
        tpu.vector_store %arg8[%swap3A_564, %swap3A_565], %swap3A_568 {strides = array<i32>} : memref<2x128xi32, #tpu.memory_space<vmem>>, vector<1x16xi32>,
        %get3A_569 = arith.index_cast %sub3A_436 : i32 to index
        %get3A_570 = arith.constant 96 : index
        %get3A_571 = tpu.vector_load %arg6[%get3A_569, %get3A_570] {strides = array<i32>} : memref<80x128xi32, #tpu.memory_space<vmem>>, vector<1x16xi32>,
        %get3A_572 = vector.shape_cast %get3A_571 : vector<1x16xi32> to vector<16xi32>
        %and3A_573 = arith.constant 16383 : i32
        %and3A_574 = vector.broadcast %and3A_573 : i32 to vector<16xi32>
        %and3A_575 = arith.andi %get3A_572, %and3A_574 : vector<16xi32>
        %swap3A_576 = arith.constant 0 : i32
        %swap3A_577 = arith.index_cast %swap3A_576 : i32 to index
        %swap3A_578 = arith.constant 96 : index
        %swap3A_579 = tpu.vector_load %arg7[%swap3A_577, %swap3A_578] {strides = array<i32>} : memref<2x128xi32, #tpu.memory_space<vmem>>, vector<1x16xi32>,
        %swap3A_580 = vector.shape_cast %swap3A_579 : vector<1x16xi32> to vector<16xi32>
        %swap3A_581 = vector.shape_cast %and3A_575 : vector<16xi32> to vector<1x16xi32>
        tpu.vector_store %arg7[%swap3A_577, %swap3A_578], %swap3A_581 {strides = array<i32>} : memref<2x128xi32, #tpu.memory_space<vmem>>, vector<1x16xi32>,
        %shift_right_arithmetic3A_582 = arith.constant 14 : i32
        %shift_right_arithmetic3A_583 = vector.broadcast %shift_right_arithmetic3A_582 : i32 to vector<16xi32>
        %shift_right_arithmetic3A_584 = arith.shrsi %get3A_572, %shift_right_arithmetic3A_583 : vector<16xi32>
        %swap3A_585 = arith.constant 0 : i32
        %swap3A_586 = arith.index_cast %swap3A_585 : i32 to index
        %swap3A_587 = arith.constant 96 : index
        %swap3A_588 = tpu.vector_load %arg8[%swap3A_586, %swap3A_587] {strides = array<i32>} : memref<2x128xi32, #tpu.memory_space<vmem>>, vector<1x16xi32>,
        %swap3A_589 = vector.shape_cast %swap3A_588 : vector<1x16xi32> to vector<16xi32>
        %swap3A_590 = vector.shape_cast %shift_right_arithmetic3A_584 : vector<16xi32> to vector<1x16xi32>
        tpu.vector_store %arg8[%swap3A_586, %swap3A_587], %swap3A_590 {strides = array<i32>} : memref<2x128xi32, #tpu.memory_space<vmem>>, vector<1x16xi32>,
        %get3A_591 = arith.index_cast %sub3A_436 : i32 to index
        %get3A_592 = arith.constant 112 : index
        %get3A_593 = tpu.vector_load %arg6[%get3A_591, %get3A_592] {strides = array<i32>} : memref<80x128xi32, #tpu.memory_space<vmem>>, vector<1x16xi32>,
        %get3A_594 = vector.shape_cast %get3A_593 : vector<1x16xi32> to vector<16xi32>
        %and3A_595 = arith.constant 16383 : i32
        %and3A_596 = vector.broadcast %and3A_595 : i32 to vector<16xi32>
        %and3A_597 = arith.andi %get3A_594, %and3A_596 : vector<16xi32>
        %swap3A_598 = arith.constant 0 : i32
        %swap3A_599 = arith.index_cast %swap3A_598 : i32 to index
        %swap3A_600 = arith.constant 112 : index
        %swap3A_601 = tpu.vector_load %arg7[%swap3A_599, %swap3A_600] {strides = array<i32>} : memref<2x128xi32, #tpu.memory_space<vmem>>, vector<1x16xi32>,
        %swap3A_602 = vector.shape_cast %swap3A_601 : vector<1x16xi32> to vector<16xi32>
        %swap3A_603 = vector.shape_cast %and3A_597 : vector<16xi32> to vector<1x16xi32>
        tpu.vector_store %arg7[%swap3A_599, %swap3A_600], %swap3A_603 {strides = array<i32>} : memref<2x128xi32, #tpu.memory_space<vmem>>, vector<1x16xi32>,
        %shift_right_arithmetic3A_604 = arith.constant 14 : i32
        %shift_right_arithmetic3A_605 = vector.broadcast %shift_right_arithmetic3A_604 : i32 to vector<16xi32>
        %shift_right_arithmetic3A_606 = arith.shrsi %get3A_594, %shift_right_arithmetic3A_605 : vector<16xi32>
        %swap3A_607 = arith.constant 0 : i32
        %swap3A_608 = arith.index_cast %swap3A_607 : i32 to index
        %swap3A_609 = arith.constant 112 : index
        %swap3A_610 = tpu.vector_load %arg8[%swap3A_608, %swap3A_609] {strides = array<i32>} : memref<2x128xi32, #tpu.memory_space<vmem>>, vector<1x16xi32>,
        %swap3A_611 = vector.shape_cast %swap3A_610 : vector<1x16xi32> to vector<16xi32>
        %swap3A_612 = vector.shape_cast %shift_right_arithmetic3A_606 : vector<16xi32> to vector<1x16xi32>
        tpu.vector_store %arg8[%swap3A_608, %swap3A_609], %swap3A_612 {strides = array<i32>} : memref<2x128xi32, #tpu.memory_space<vmem>>, vector<1x16xi32>,
        %dma_start3A_613 = arith.constant 0 : i32
        %dma_start3A_614 = arith.constant 0 : i32
        %dma_start3A_615 = arith.constant 0 : i32
        %dma_start3A_616 = arith.constant 0 : i32
        %dma_start3A_617 = tpu.memref_slice %arg9[%dma_start3A_614, %dma_start3A_615, %dma_start3A_616] : memref<2x128x128xf32, #tpu.memory_space<vmem>> -> memref<1x128x128xf32, #tpu.memory_space<vmem>>
        %dma_start3A_618 = tpu.memref_squeeze %dma_start3A_617 : memref<1x128x128xf32, #tpu.memory_space<vmem>> -> memref<128x128xf32, #tpu.memory_space<vmem>>
        %dma_start3A_619 = arith.constant 0 : i32
        %dma_start3A_620 = tpu.memref_slice %arg7[%dma_start3A_613, %dma_start3A_619] : memref<2x128xi32, #tpu.memory_space<vmem>> -> memref<1x128xi32, #tpu.memory_space<vmem>>
        %dma_start3A_621 = tpu.memref_squeeze %dma_start3A_620 : memref<1x128xi32, #tpu.memory_space<vmem>> -> memref<128xi32, #tpu.memory_space<vmem>>
        %dma_start3A_622 = arith.constant 0 : i32
        %dma_start3A_623 = arith.constant 0 : i32
        %dma_start3A_624 = tpu.memref_slice %arg2[%dma_start3A_622, %dma_start3A_623] : memref<10000x128xf32, #tpu.memory_space<hbm>> -> memref<10000x128xf32, #tpu.memory_space<hbm>>
        tpu.enqueue_indirect_dma source(%dma_start3A_624 : memref<10000x128xf32, #tpu.memory_space<hbm>>) target(%dma_start3A_618 : memref<128x128xf32, #tpu.memory_space<vmem>>) offsets(%dma_start3A_621 : memref<128xi32, #tpu.memory_space<vmem>>) semaphore(%arg10 : memref<!tpu.dma_semaphore, #tpu.memory_space<semaphore_mem>>)
      } else {
      }
      %run_scoped3A_427 = arith.constant 1 : i32
      %run_scoped3A_428 = arith.constant 1 : i32
      "tpu.region"() ({
        %run_scoped3A_429 = tpu.sem_alloc : memref<!tpu.dma_semaphore, #tpu.memory_space<semaphore_mem>>
        %dma_start3A_430 = arith.constant 0 : i32
        %dma_start3A_431 = arith.constant 0 : i32
        %dma_start3A_432 = tpu.memref_slice %arg9[%run_scoped3A_427, %dma_start3A_430, %dma_start3A_431] : memref<2x128x128xf32, #tpu.memory_space<vmem>> -> memref<1x128x128xf32, #tpu.memory_space<vmem>>
        %dma_start3A_433 = tpu.memref_squeeze %dma_start3A_432 : memref<1x128x128xf32, #tpu.memory_space<vmem>> -> memref<128x128xf32, #tpu.memory_space<vmem>>
        %dma_start3A_434 = arith.constant 0 : i32
        %dma_start3A_435 = tpu.memref_slice %arg8[%run_scoped3A_428, %dma_start3A_434] : memref<2x128xi32, #tpu.memory_space<vmem>> -> memref<1x128xi32, #tpu.memory_space<vmem>>
        %dma_start3A_436 = tpu.memref_squeeze %dma_start3A_435 : memref<1x128xi32, #tpu.memory_space<vmem>> -> memref<128xi32, #tpu.memory_space<vmem>>
        %dma_start3A_437 = arith.constant 0 : i32
        %dma_start3A_438 = arith.constant 0 : i32
        %dma_start3A_439 = tpu.memref_slice %arg12[%dma_start3A_437, %dma_start3A_438] : memref<10240x128xf32, #tpu.memory_space<vmem_shared>> -> memref<10240x128xf32, #tpu.memory_space<vmem_shared>>
        tpu.enqueue_indirect_dma source(%dma_start3A_433 : memref<128x128xf32, #tpu.memory_space<vmem>>) target(%dma_start3A_439 : memref<10240x128xf32, #tpu.memory_space<vmem_shared>>) offsets(%dma_start3A_436 : memref<128xi32, #tpu.memory_space<vmem>>) semaphore(%run_scoped3A_429 : memref<!tpu.dma_semaphore, #tpu.memory_space<semaphore_mem>>) {add = true}
        %dma_wait3A_440 = arith.constant 0 : i32
        %dma_wait3A_441 = arith.constant 0 : i32
        %dma_wait3A_442 = tpu.memref_slice %arg9[%run_scoped3A_427, %dma_wait3A_440, %dma_wait3A_441] : memref<2x128x128xf32, #tpu.memory_space<vmem>> -> memref<1x128x128xf32, #tpu.memory_space<vmem>>
        %dma_wait3A_443 = tpu.memref_squeeze %dma_wait3A_442 : memref<1x128x128xf32, #tpu.memory_space<vmem>> -> memref<128x128xf32, #tpu.memory_space<vmem>>
        %dma_wait3A_444 = arith.constant 0 : i32
        %dma_wait3A_445 = tpu.memref_slice %arg8[%run_scoped3A_428, %dma_wait3A_444] : memref<2x128xi32, #tpu.memory_space<vmem>> -> memref<1x128xi32, #tpu.memory_space<vmem>>
        %dma_wait3A_446 = tpu.memref_squeeze %dma_wait3A_445 : memref<1x128xi32, #tpu.memory_space<vmem>> -> memref<128xi32, #tpu.memory_space<vmem>>
        %dma_wait3A_447 = arith.constant 0 : i32
        %dma_wait3A_448 = arith.constant 0 : i32
        %dma_wait3A_449 = tpu.memref_slice %arg12[%dma_wait3A_447, %dma_wait3A_448] : memref<10240x128xf32, #tpu.memory_space<vmem_shared>> -> memref<10240x128xf32, #tpu.memory_space<vmem_shared>>
        tpu.wait_indirect_dma semaphore(%run_scoped3A_429 : memref<!tpu.dma_semaphore, #tpu.memory_space<semaphore_mem>>) src(%dma_wait3A_443 : memref<128x128xf32, #tpu.memory_space<vmem>>) dst(%dma_wait3A_449 : memref<10240x128xf32, #tpu.memory_space<vmem_shared>>)
        tpu.yield
      }) : () -> ()
    }
    %scan3A_196 = arith.constant 40 : i32
    %barrier3A_197 = arith.constant 0 : index
    tpu.barrier barrier_id(%barrier3A_197)
    %mul3A_198 = arith.constant 640 : i32
    %mul3A_199 = arith.muli %arg1, %mul3A_198 : i32
    %mul3A_200 = arith.constant 640 : i32
    %mul3A_201 = arith.muli %arg1, %mul3A_200 : i32
    "tpu.region"() ({
      %run_scoped3A = tpu.sem_alloc : memref<!tpu.dma_semaphore, #tpu.memory_space<semaphore_mem>>
      %dma_start3A_202 = arith.constant 0 : i32
      %dma_start3A_203 = tpu.memref_slice %arg5[%arg0, %mul3A_201, %dma_start3A_202] : memref<2x10240x128xf32, #tpu.memory_space<hbm>> -> memref<1x640x128xf32, #tpu.memory_space<hbm>>
      %dma_start3A_204 = tpu.memref_squeeze %dma_start3A_203 : memref<1x640x128xf32, #tpu.memory_space<hbm>> -> memref<640x128xf32, #tpu.memory_space<hbm>>
      %dma_start3A_205 = arith.constant 0 : i32
      %dma_start3A_206 = tpu.memref_slice %arg12[%mul3A_199, %dma_start3A_205] : memref<10240x128xf32, #tpu.memory_space<vmem_shared>> -> memref<640x128xf32, #tpu.memory_space<vmem_shared>>
      tpu.enqueue_dma source(%dma_start3A_206 : memref<640x128xf32, #tpu.memory_space<vmem_shared>>) target(%dma_start3A_204 : memref<640x128xf32, #tpu.memory_space<hbm>>) target_semaphore(%run_scoped3A : memref<!tpu.dma_semaphore, #tpu.memory_space<semaphore_mem>>)
      %dma_wait3A = arith.constant 0 : i32
      %dma_wait3A_207 = tpu.memref_slice %arg5[%arg0, %mul3A_201, %dma_wait3A] : memref<2x10240x128xf32, #tpu.memory_space<hbm>> -> memref<1x640x128xf32, #tpu.memory_space<hbm>>
      %dma_wait3A_208 = tpu.memref_squeeze %dma_wait3A_207 : memref<1x640x128xf32, #tpu.memory_space<hbm>> -> memref<640x128xf32, #tpu.memory_space<hbm>>
      %dma_wait3A_209 = arith.constant 0 : i32
      %dma_wait3A_210 = tpu.memref_slice %arg12[%mul3A_199, %dma_wait3A_209] : memref<10240x128xf32, #tpu.memory_space<vmem_shared>> -> memref<640x128xf32, #tpu.memory_space<vmem_shared>>
      tpu.wait_dma2 semaphore(%run_scoped3A : memref<!tpu.dma_semaphore, #tpu.memory_space<semaphore_mem>>) src(%dma_wait3A_210 : memref<640x128xf32, #tpu.memory_space<vmem_shared>>) dst(%dma_wait3A_208 : memref<640x128xf32, #tpu.memory_space<hbm>>)
      tpu.yield
    }) : () -> ()
    return
  }
}

module attributes {stable_mosaic.version = 14 : i64} {
  func.func @_ext_body(%arg0: memref<32x80x128xi32, #tpu.memory_space<vmem>>, %arg1: memref<32x80x128xi32, #tpu.memory_space<vmem>>, %arg2: memref<32x80x128xi32, #tpu.memory_space<vmem>>, %arg3: memref<32x80x128xi32, #tpu.memory_space<vmem>>) attributes {dimension_semantics = [], scalar_prefetch = 0 : i64, scratch_operands = 0 : i64, tpu.core_type = #tpu.core_type<tc>} {
    %get3A = arith.constant 0 : index
    %get3A_0 = arith.constant 0 : index
    %get3A_1 = arith.constant 0 : index
    %get3A_2 = vector.load %arg0[%get3A, %get3A_0, %get3A_1] : memref<32x80x128xi32, #tpu.memory_space<vmem>>, vector<32x80x128xi32>
    %get3A_3 = arith.constant 0 : index
    %get3A_4 = arith.constant 0 : index
    %get3A_5 = arith.constant 0 : index
    %get3A_6 = vector.load %arg1[%get3A_3, %get3A_4, %get3A_5] : memref<32x80x128xi32, #tpu.memory_space<vmem>>, vector<32x80x128xi32>
    %shift_left3A = arith.constant 14 : i32
    %shift_left3A_7 = vector.broadcast %shift_left3A : i32 to vector<32x80x128xi32>
    %shift_left3A_8 = arith.shli %get3A_6, %shift_left3A_7 : vector<32x80x128xi32>
    %or3A = arith.ori %get3A_2, %shift_left3A_8 : vector<32x80x128xi32>
    %swap3A = arith.constant 0 : index
    %swap3A_9 = arith.constant 0 : index
    %swap3A_10 = arith.constant 0 : index
    %swap3A_11 = vector.load %arg2[%swap3A, %swap3A_9, %swap3A_10] : memref<32x80x128xi32, #tpu.memory_space<vmem>>, vector<32x80x128xi32>
    tpu.vector_store %arg2[%swap3A, %swap3A_9, %swap3A_10], %or3A {strides = array<i32>} : memref<32x80x128xi32, #tpu.memory_space<vmem>>, vector<32x80x128xi32>,
    %and3A = arith.constant 1023 : i32
    %and3A_12 = vector.broadcast %and3A : i32 to vector<32x80x128xi32>
    %and3A_13 = arith.andi %get3A_6, %and3A_12 : vector<32x80x128xi32>
    %add3A = arith.constant 10000 : i32
    %add3A_14 = vector.broadcast %add3A : i32 to vector<32x80x128xi32>
    %add3A_15 = arith.addi %and3A_13, %add3A_14 : vector<32x80x128xi32>
    %shift_right_arithmetic3A = arith.constant 7 : i32
    %shift_right_arithmetic3A_16 = vector.broadcast %shift_right_arithmetic3A : i32 to vector<32x80x128xi32>
    %shift_right_arithmetic3A_17 = arith.shrsi %get3A_6, %shift_right_arithmetic3A_16 : vector<32x80x128xi32>
    %add3A_18 = arith.constant 10016 : i32
    %add3A_19 = vector.broadcast %add3A_18 : i32 to vector<32x80x128xi32>
    %add3A_20 = arith.addi %shift_right_arithmetic3A_17, %add3A_19 : vector<32x80x128xi32>
    %shift_left3A_21 = arith.constant 14 : i32
    %shift_left3A_22 = vector.broadcast %shift_left3A_21 : i32 to vector<32x80x128xi32>
    %shift_left3A_23 = arith.shli %add3A_20, %shift_left3A_22 : vector<32x80x128xi32>
    %or3A_24 = arith.ori %add3A_15, %shift_left3A_23 : vector<32x80x128xi32>
    %swap3A_25 = arith.constant 0 : index
    %swap3A_26 = arith.constant 0 : index
    %swap3A_27 = arith.constant 0 : index
    %swap3A_28 = vector.load %arg3[%swap3A_25, %swap3A_26, %swap3A_27] : memref<32x80x128xi32, #tpu.memory_space<vmem>>, vector<32x80x128xi32>
    tpu.vector_store %arg3[%swap3A_25, %swap3A_26, %swap3A_27], %or3A_24 {strides = array<i32>} : memref<32x80x128xi32, #tpu.memory_space<vmem>>, vector<32x80x128xi32>,
    return
  }
}

module attributes {stable_mosaic.version = 14 : i64} {
  func.func @_stage_a_body(%arg0: i32, %arg1: memref<400x128xf32, #tpu.memory_space<vmem>>, %arg2: memref<400x1xi32, #tpu.memory_space<vmem>>, %arg3: memref<4x128xf32, #tpu.memory_space<vmem>>, %arg4: memref<400x128xf32, #tpu.memory_space<vmem>>) attributes {dimension_semantics = [#tpu.dimension_semantics<arbitrary>], iteration_bounds = array<i64: 25>, scalar_prefetch = 0 : i64, scratch_operands = 0 : i64, tpu.core_type = #tpu.core_type<tc>, window_params = [{transform_indices = @transform_0, window_bounds = array<i64: 400, 128>}, {transform_indices = @transform_1, window_bounds = array<i64: 400, 1>}, {pipeline_mode = #tpu.pipeline_mode<synchronous>, transform_indices = @transform_2, window_bounds = array<i64: 4, 128>}, {transform_indices = @transform_3, window_bounds = array<i64: 400, 128>}]} {
    %get3A = arith.constant 0 : index
    %get3A_0 = arith.constant 0 : index
    %get3A_1 = vector.load %arg1[%get3A, %get3A_0] : memref<400x128xf32, #tpu.memory_space<vmem>>, vector<400x128xf32>
    %get3A_2 = arith.constant 0 : index
    %get3A_3 = arith.constant 0 : index
    %get3A_4 = vector.load %arg2[%get3A_2, %get3A_3] : memref<400x1xi32, #tpu.memory_space<vmem>>, vector<400x1xi32>
    %convert_element_type3A = arith.sitofp %get3A_4 : vector<400x1xi32> to vector<400x1xf32>
    %eq3A = arith.constant 0.000000e+00 : f32
    %eq3A_5 = vector.broadcast %eq3A : f32 to vector<400x1xf32>
    %eq3A_6 = arith.cmpf oeq, %convert_element_type3A, %eq3A_5 : vector<400x1xf32>
    %jit3A = arith.constant 1.000000e+00 : f32
    %jit3A_7 = arith.constant 0.000000e+00 : f32
    %broadcast_in_dim3A = vector.broadcast %jit3A : f32 to vector<400x1xf32>
    %broadcast_in_dim3A_8 = vector.broadcast %jit3A_7 : f32 to vector<400x1xf32>
    %select_n3A = arith.select %eq3A_6, %broadcast_in_dim3A, %broadcast_in_dim3A_8 : vector<400x1xi1>, vector<400x1xf32>
    %get3A_9 = arith.constant 0 : index
    %get3A_10 = arith.constant 0 : index
    %get3A_11 = vector.load %arg3[%get3A_9, %get3A_10] : memref<4x128xf32, #tpu.memory_space<vmem>>, vector<1x128xf32>
    %get3A_12 = vector.shape_cast %get3A_11 : vector<1x128xf32> to vector<128xf32>
    %broadcast_in_dim3A_13 = vector.shape_cast %get3A_12 : vector<128xf32> to vector<1x128xf32>
    %mul3A = vector.broadcast %select_n3A : vector<400x1xf32> to vector<400x128xf32>
    %mul3A_14 = vector.broadcast %broadcast_in_dim3A_13 : vector<1x128xf32> to vector<400x128xf32>
    %mul3A_15 = arith.mulf %mul3A, %mul3A_14 : vector<400x128xf32>
    %add3A = arith.addf %get3A_1, %mul3A_15 : vector<400x128xf32>
    %eq3A_16 = arith.constant 1.000000e+00 : f32
    %eq3A_17 = vector.broadcast %eq3A_16 : f32 to vector<400x1xf32>
    %eq3A_18 = arith.cmpf oeq, %convert_element_type3A, %eq3A_17 : vector<400x1xf32>
    %jit3A_19 = arith.constant 1.000000e+00 : f32
    %jit3A_20 = arith.constant 0.000000e+00 : f32
    %broadcast_in_dim3A_21 = vector.broadcast %jit3A_19 : f32 to vector<400x1xf32>
    %broadcast_in_dim3A_22 = vector.broadcast %jit3A_20 : f32 to vector<400x1xf32>
    %select_n3A_23 = arith.select %eq3A_18, %broadcast_in_dim3A_21, %broadcast_in_dim3A_22 : vector<400x1xi1>, vector<400x1xf32>
    %get3A_24 = arith.constant 1 : index
    %get3A_25 = arith.constant 0 : index
    %get3A_26 = vector.load %arg3[%get3A_24, %get3A_25] : memref<4x128xf32, #tpu.memory_space<vmem>>, vector<1x128xf32>
    %get3A_27 = vector.shape_cast %get3A_26 : vector<1x128xf32> to vector<128xf32>
    %broadcast_in_dim3A_28 = vector.shape_cast %get3A_27 : vector<128xf32> to vector<1x128xf32>
    %mul3A_29 = vector.broadcast %select_n3A_23 : vector<400x1xf32> to vector<400x128xf32>
    %mul3A_30 = vector.broadcast %broadcast_in_dim3A_28 : vector<1x128xf32> to vector<400x128xf32>
    %mul3A_31 = arith.mulf %mul3A_29, %mul3A_30 : vector<400x128xf32>
    %add3A_32 = arith.addf %add3A, %mul3A_31 : vector<400x128xf32>
    %eq3A_33 = arith.constant 2.000000e+00 : f32
    %eq3A_34 = vector.broadcast %eq3A_33 : f32 to vector<400x1xf32>
    %eq3A_35 = arith.cmpf oeq, %convert_element_type3A, %eq3A_34 : vector<400x1xf32>
    %jit3A_36 = arith.constant 1.000000e+00 : f32
    %jit3A_37 = arith.constant 0.000000e+00 : f32
    %broadcast_in_dim3A_38 = vector.broadcast %jit3A_36 : f32 to vector<400x1xf32>
    %broadcast_in_dim3A_39 = vector.broadcast %jit3A_37 : f32 to vector<400x1xf32>
    %select_n3A_40 = arith.select %eq3A_35, %broadcast_in_dim3A_38, %broadcast_in_dim3A_39 : vector<400x1xi1>, vector<400x1xf32>
    %get3A_41 = arith.constant 2 : index
    %get3A_42 = arith.constant 0 : index
    %get3A_43 = vector.load %arg3[%get3A_41, %get3A_42] : memref<4x128xf32, #tpu.memory_space<vmem>>, vector<1x128xf32>
    %get3A_44 = vector.shape_cast %get3A_43 : vector<1x128xf32> to vector<128xf32>
    %broadcast_in_dim3A_45 = vector.shape_cast %get3A_44 : vector<128xf32> to vector<1x128xf32>
    %mul3A_46 = vector.broadcast %select_n3A_40 : vector<400x1xf32> to vector<400x128xf32>
    %mul3A_47 = vector.broadcast %broadcast_in_dim3A_45 : vector<1x128xf32> to vector<400x128xf32>
    %mul3A_48 = arith.mulf %mul3A_46, %mul3A_47 : vector<400x128xf32>
    %add3A_49 = arith.addf %add3A_32, %mul3A_48 : vector<400x128xf32>
    %eq3A_50 = arith.constant 3.000000e+00 : f32
    %eq3A_51 = vector.broadcast %eq3A_50 : f32 to vector<400x1xf32>
    %eq3A_52 = arith.cmpf oeq, %convert_element_type3A, %eq3A_51 : vector<400x1xf32>
    %jit3A_53 = arith.constant 1.000000e+00 : f32
    %jit3A_54 = arith.constant 0.000000e+00 : f32
    %broadcast_in_dim3A_55 = vector.broadcast %jit3A_53 : f32 to vector<400x1xf32>
    %broadcast_in_dim3A_56 = vector.broadcast %jit3A_54 : f32 to vector<400x1xf32>
    %select_n3A_57 = arith.select %eq3A_52, %broadcast_in_dim3A_55, %broadcast_in_dim3A_56 : vector<400x1xi1>, vector<400x1xf32>
    %get3A_58 = arith.constant 3 : index
    %get3A_59 = arith.constant 0 : index
    %get3A_60 = vector.load %arg3[%get3A_58, %get3A_59] : memref<4x128xf32, #tpu.memory_space<vmem>>, vector<1x128xf32>
    %get3A_61 = vector.shape_cast %get3A_60 : vector<1x128xf32> to vector<128xf32>
    %broadcast_in_dim3A_62 = vector.shape_cast %get3A_61 : vector<128xf32> to vector<1x128xf32>
    %mul3A_63 = vector.broadcast %select_n3A_57 : vector<400x1xf32> to vector<400x128xf32>
    %mul3A_64 = vector.broadcast %broadcast_in_dim3A_62 : vector<1x128xf32> to vector<400x128xf32>
    %mul3A_65 = arith.mulf %mul3A_63, %mul3A_64 : vector<400x128xf32>
    %add3A_66 = arith.addf %add3A_49, %mul3A_65 : vector<400x128xf32>
    %swap3A = arith.constant 0 : index
    %swap3A_67 = arith.constant 0 : index
    %swap3A_68 = vector.load %arg4[%swap3A, %swap3A_67] : memref<400x128xf32, #tpu.memory_space<vmem>>, vector<400x128xf32>
    tpu.vector_store %arg4[%swap3A, %swap3A_67], %add3A_66 {strides = array<i32>} : memref<400x128xf32, #tpu.memory_space<vmem>>, vector<400x128xf32>,
    return
  }
  func.func @transform_0(%arg0: i32) -> (i32, i32) {
    %c0_i32 = arith.constant 0 : i32
    %c0_i32_0 = arith.constant 0 : i32
    return %arg0, %c0_i32 : i32, i32
  }
  func.func @transform_1(%arg0: i32) -> (i32, i32) {
    %c0_i32 = arith.constant 0 : i32
    %c0_i32_0 = arith.constant 0 : i32
    return %arg0, %c0_i32 : i32, i32
  }
  func.func @transform_2(%arg0: i32) -> (i32, i32) {
    %c0_i32 = arith.constant 0 : i32
    %c0_i32_0 = arith.constant 0 : i32
    %c0_i32_1 = arith.constant 0 : i32
    return %c0_i32, %c0_i32_0 : i32, i32
  }
  func.func @transform_3(%arg0: i32) -> (i32, i32) {
    %c0_i32 = arith.constant 0 : i32
    %c0_i32_0 = arith.constant 0 : i32
    return %arg0, %c0_i32 : i32, i32
  }
}

module attributes {stable_mosaic.version = 14 : i64} {
  func.func @_deg_body(%arg0: i32, %arg1: memref<2x1280xf32, #tpu.memory_space<vmem>>, %arg2: memref<1280x1xf32, #tpu.memory_space<vmem>>) attributes {dimension_semantics = [#tpu.dimension_semantics<arbitrary>], iteration_bounds = array<i64: 8>, scalar_prefetch = 0 : i64, scratch_operands = 0 : i64, tpu.core_type = #tpu.core_type<tc>, window_params = [{transform_indices = @transform_0, window_bounds = array<i64: 2, 1280>}, {transform_indices = @transform_1, window_bounds = array<i64: 1280, 1>}]} {
    %get3A = arith.constant 0 : index
    %get3A_0 = arith.constant 0 : index
    %get3A_1 = vector.load %arg1[%get3A, %get3A_0] : memref<2x1280xf32, #tpu.memory_space<vmem>>, vector<2x1280xf32>
    %reduce_sum3A = arith.constant dense<0.000000e+00> : vector<1280xf32>
    %reduce_sum3A_2 = vector.multi_reduction <add>, %get3A_1, %reduce_sum3A [0] : vector<2x1280xf32> to vector<1280xf32>
    %max3A = arith.constant 1.000000e+00 : f32
    %max3A_3 = vector.broadcast %max3A : f32 to vector<1280xf32>
    %max3A_4 = arith.maximumf %reduce_sum3A_2, %max3A_3 : vector<1280xf32>
    %broadcast_in_dim3A = vector.shape_cast %max3A_4 : vector<1280xf32> to vector<1280x1xf32>
    %swap3A = arith.constant 0 : index
    %swap3A_5 = arith.constant 0 : index
    %swap3A_6 = vector.load %arg2[%swap3A, %swap3A_5] : memref<1280x1xf32, #tpu.memory_space<vmem>>, vector<1280x1xf32>
    tpu.vector_store %arg2[%swap3A, %swap3A_5], %broadcast_in_dim3A {strides = array<i32>} : memref<1280x1xf32, #tpu.memory_space<vmem>>, vector<1280x1xf32>,
    return
  }
  func.func @transform_0(%arg0: i32) -> (i32, i32) {
    %c0_i32 = arith.constant 0 : i32
    %c0_i32_0 = arith.constant 0 : i32
    return %c0_i32, %arg0 : i32, i32
  }
  func.func @transform_1(%arg0: i32) -> (i32, i32) {
    %c0_i32 = arith.constant 0 : i32
    %c0_i32_0 = arith.constant 0 : i32
    return %arg0, %c0_i32 : i32, i32
  }
}

module attributes {stable_mosaic.version = 14 : i64} {
  func.func @_stage_b_body(%arg0: i32, %arg1: memref<400x128xf32, #tpu.memory_space<vmem>>, %arg2: memref<400x128xf32, #tpu.memory_space<vmem>>, %arg3: memref<400x128xf32, #tpu.memory_space<vmem>>, %arg4: memref<400x1xf32, #tpu.memory_space<vmem>>, %arg5: memref<128x256xf32, #tpu.memory_space<vmem>>, %arg6: memref<128x256xf32, #tpu.memory_space<vmem>>, %arg7: memref<1x256xf32, #tpu.memory_space<vmem>>, %arg8: memref<256x128xf32, #tpu.memory_space<vmem>>, %arg9: memref<256x128xf32, #tpu.memory_space<vmem>>, %arg10: memref<400x128xf32, #tpu.memory_space<vmem>>, %arg11: memref<400x128xf32, #tpu.memory_space<vmem>>) attributes {dimension_semantics = [#tpu.dimension_semantics<arbitrary>], iteration_bounds = array<i64: 25>, scalar_prefetch = 0 : i64, scratch_operands = 0 : i64, tpu.core_type = #tpu.core_type<tc>, window_params = [{transform_indices = @transform_0, window_bounds = array<i64: 400, 128>}, {transform_indices = @transform_1, window_bounds = array<i64: 400, 128>}, {transform_indices = @transform_2, window_bounds = array<i64: 400, 128>}, {transform_indices = @transform_3, window_bounds = array<i64: 400, 1>}, {pipeline_mode = #tpu.pipeline_mode<synchronous>, transform_indices = @transform_4, window_bounds = array<i64: 128, 256>}, {pipeline_mode = #tpu.pipeline_mode<synchronous>, transform_indices = @transform_5, window_bounds = array<i64: 128, 256>}, {pipeline_mode = #tpu.pipeline_mode<synchronous>, transform_indices = @transform_6, window_bounds = array<i64: 1, 256>}, {pipeline_mode = #tpu.pipeline_mode<synchronous>, transform_indices = @transform_7, window_bounds = array<i64: 256, 128>}, {pipeline_mode = #tpu.pipeline_mode<synchronous>, transform_indices = @transform_8, window_bounds = array<i64: 256, 128>}, {transform_indices = @transform_9, window_bounds = array<i64: 400, 128>}, {transform_indices = @transform_10, window_bounds = array<i64: 400, 128>}]} {
    %get3A = arith.constant 0 : index
    %get3A_0 = arith.constant 0 : index
    %get3A_1 = vector.load %arg4[%get3A, %get3A_0] : memref<400x1xf32, #tpu.memory_space<vmem>>, vector<400x1xf32>
    %get3A_2 = arith.constant 0 : index
    %get3A_3 = arith.constant 0 : index
    %get3A_4 = vector.load %arg2[%get3A_2, %get3A_3] : memref<400x128xf32, #tpu.memory_space<vmem>>, vector<400x128xf32>
    %get3A_5 = arith.constant 0 : index
    %get3A_6 = arith.constant 0 : index
    %get3A_7 = vector.load %arg3[%get3A_5, %get3A_6] : memref<400x128xf32, #tpu.memory_space<vmem>>, vector<400x128xf32>
    %add3A = arith.addf %get3A_4, %get3A_7 : vector<400x128xf32>
    %div3A = vector.broadcast %get3A_1 : vector<400x1xf32> to vector<400x128xf32>
    %div3A_8 = arith.divf %add3A, %div3A : vector<400x128xf32>
    %get3A_9 = arith.constant 0 : index
    %get3A_10 = arith.constant 0 : index
    %get3A_11 = vector.load %arg1[%get3A_9, %get3A_10] : memref<400x128xf32, #tpu.memory_space<vmem>>, vector<400x128xf32>
    %get3A_12 = arith.constant 0 : index
    %get3A_13 = arith.constant 0 : index
    %get3A_14 = vector.load %arg5[%get3A_12, %get3A_13] : memref<128x256xf32, #tpu.memory_space<vmem>>, vector<128x256xf32>
    %dot_general3A = arith.constant dense<0.000000e+00> : vector<400x256xf32>
    %dot_general3A_15 = tpu.matmul %get3A_11, %get3A_14, %dot_general3A {dimension_numbers = #tpu.dot_dimension_numbers<[1], [0], [0], [1], [0, 0, 1, 1], [], []>, precision = #tpu.contract_precision<fp32>, transpose_lhs_hint = false} : vector<400x128xf32>, vector<128x256xf32>, vector<400x256xf32> -> vector<400x256xf32>
    %get3A_16 = arith.constant 0 : index
    %get3A_17 = arith.constant 0 : index
    %get3A_18 = vector.load %arg6[%get3A_16, %get3A_17] : memref<128x256xf32, #tpu.memory_space<vmem>>, vector<128x256xf32>
    %dot_general3A_19 = arith.constant dense<0.000000e+00> : vector<400x256xf32>
    %dot_general3A_20 = tpu.matmul %div3A_8, %get3A_18, %dot_general3A_19 {dimension_numbers = #tpu.dot_dimension_numbers<[1], [0], [0], [1], [0, 0, 1, 1], [], []>, precision = #tpu.contract_precision<fp32>, transpose_lhs_hint = false} : vector<400x128xf32>, vector<128x256xf32>, vector<400x256xf32> -> vector<400x256xf32>
    %add3A_21 = arith.addf %dot_general3A_15, %dot_general3A_20 : vector<400x256xf32>
    %get3A_22 = arith.constant 0 : index
    %get3A_23 = arith.constant 0 : index
    %get3A_24 = vector.load %arg7[%get3A_22, %get3A_23] : memref<1x256xf32, #tpu.memory_space<vmem>>, vector<1x256xf32>
    %add3A_25 = vector.broadcast %get3A_24 : vector<1x256xf32> to vector<400x256xf32>
    %add3A_26 = arith.addf %add3A_21, %add3A_25 : vector<400x256xf32>
    %max3A = arith.constant 0.000000e+00 : f32
    %max3A_27 = vector.broadcast %max3A : f32 to vector<400x256xf32>
    %max3A_28 = arith.maximumf %add3A_26, %max3A_27 : vector<400x256xf32>
    %get3A_29 = arith.constant 0 : index
    %get3A_30 = arith.constant 0 : index
    %get3A_31 = vector.load %arg9[%get3A_29, %get3A_30] : memref<256x128xf32, #tpu.memory_space<vmem>>, vector<256x128xf32>
    %dot_general3A_32 = arith.constant dense<0.000000e+00> : vector<400x128xf32>
    %dot_general3A_33 = tpu.matmul %max3A_28, %get3A_31, %dot_general3A_32 {dimension_numbers = #tpu.dot_dimension_numbers<[1], [0], [0], [1], [0, 0, 1, 1], [], []>, precision = #tpu.contract_precision<fp32>, transpose_lhs_hint = false} : vector<400x256xf32>, vector<256x128xf32>, vector<400x128xf32> -> vector<400x128xf32>
    %swap3A = arith.constant 0 : index
    %swap3A_34 = arith.constant 0 : index
    %swap3A_35 = vector.load %arg10[%swap3A, %swap3A_34] : memref<400x128xf32, #tpu.memory_space<vmem>>, vector<400x128xf32>
    tpu.vector_store %arg10[%swap3A, %swap3A_34], %dot_general3A_33 {strides = array<i32>} : memref<400x128xf32, #tpu.memory_space<vmem>>, vector<400x128xf32>,
    %get3A_36 = arith.constant 0 : index
    %get3A_37 = arith.constant 0 : index
    %get3A_38 = vector.load %arg8[%get3A_36, %get3A_37] : memref<256x128xf32, #tpu.memory_space<vmem>>, vector<256x128xf32>
    %dot_general3A_39 = arith.constant dense<0.000000e+00> : vector<400x128xf32>
    %dot_general3A_40 = tpu.matmul %max3A_28, %get3A_38, %dot_general3A_39 {dimension_numbers = #tpu.dot_dimension_numbers<[1], [0], [0], [1], [0, 0, 1, 1], [], []>, precision = #tpu.contract_precision<fp32>, transpose_lhs_hint = false} : vector<400x256xf32>, vector<256x128xf32>, vector<400x128xf32> -> vector<400x128xf32>
    %swap3A_41 = arith.constant 0 : index
    %swap3A_42 = arith.constant 0 : index
    %swap3A_43 = vector.load %arg11[%swap3A_41, %swap3A_42] : memref<400x128xf32, #tpu.memory_space<vmem>>, vector<400x128xf32>
    tpu.vector_store %arg11[%swap3A_41, %swap3A_42], %dot_general3A_40 {strides = array<i32>} : memref<400x128xf32, #tpu.memory_space<vmem>>, vector<400x128xf32>,
    return
  }
  func.func @transform_0(%arg0: i32) -> (i32, i32) {
    %c0_i32 = arith.constant 0 : i32
    %c0_i32_0 = arith.constant 0 : i32
    return %arg0, %c0_i32 : i32, i32
  }
  func.func @transform_1(%arg0: i32) -> (i32, i32) {
    %c0_i32 = arith.constant 0 : i32
    %c0_i32_0 = arith.constant 0 : i32
    return %arg0, %c0_i32 : i32, i32
  }
  func.func @transform_2(%arg0: i32) -> (i32, i32) {
    %c0_i32 = arith.constant 0 : i32
    %c0_i32_0 = arith.constant 0 : i32
    return %arg0, %c0_i32 : i32, i32
  }
  func.func @transform_3(%arg0: i32) -> (i32, i32) {
    %c0_i32 = arith.constant 0 : i32
    %c0_i32_0 = arith.constant 0 : i32
    return %arg0, %c0_i32 : i32, i32
  }
  func.func @transform_4(%arg0: i32) -> (i32, i32) {
    %c0_i32 = arith.constant 0 : i32
    %c0_i32_0 = arith.constant 0 : i32
    %c0_i32_1 = arith.constant 0 : i32
    return %c0_i32, %c0_i32_0 : i32, i32
  }
  func.func @transform_5(%arg0: i32) -> (i32, i32) {
    %c0_i32 = arith.constant 0 : i32
    %c0_i32_0 = arith.constant 0 : i32
    %c0_i32_1 = arith.constant 0 : i32
    return %c0_i32, %c0_i32_0 : i32, i32
  }
  func.func @transform_6(%arg0: i32) -> (i32, i32) {
    %c0_i32 = arith.constant 0 : i32
    %c0_i32_0 = arith.constant 0 : i32
    %c0_i32_1 = arith.constant 0 : i32
    return %c0_i32, %c0_i32_0 : i32, i32
  }
  func.func @transform_7(%arg0: i32) -> (i32, i32) {
    %c0_i32 = arith.constant 0 : i32
    %c0_i32_0 = arith.constant 0 : i32
    %c0_i32_1 = arith.constant 0 : i32
    return %c0_i32, %c0_i32_0 : i32, i32
  }
  func.func @transform_8(%arg0: i32) -> (i32, i32) {
    %c0_i32 = arith.constant 0 : i32
    %c0_i32_0 = arith.constant 0 : i32
    %c0_i32_1 = arith.constant 0 : i32
    return %c0_i32, %c0_i32_0 : i32, i32
  }
  func.func @transform_9(%arg0: i32) -> (i32, i32) {
    %c0_i32 = arith.constant 0 : i32
    %c0_i32_0 = arith.constant 0 : i32
    return %arg0, %c0_i32 : i32, i32
  }
  func.func @transform_10(%arg0: i32) -> (i32, i32) {
    %c0_i32 = arith.constant 0 : i32
    %c0_i32_0 = arith.constant 0 : i32
    return %arg0, %c0_i32 : i32, i32
  }
}

module attributes {stable_mosaic.version = 14 : i64} {
  func.func @_stage_c_body(%arg0: i32, %arg1: memref<400x128xf32, #tpu.memory_space<vmem>>, %arg2: memref<400x128xf32, #tpu.memory_space<vmem>>, %arg3: memref<400x128xf32, #tpu.memory_space<vmem>>, %arg4: memref<400x1xf32, #tpu.memory_space<vmem>>, %arg5: memref<1x128xf32, #tpu.memory_space<vmem>>, %arg6: memref<128x512xf32, #tpu.memory_space<vmem>>, %arg7: memref<1x512xf32, #tpu.memory_space<vmem>>, %arg8: memref<512x128xf32, #tpu.memory_space<vmem>>, %arg9: memref<1x128xf32, #tpu.memory_space<vmem>>, %arg10: memref<400x128xf32, #tpu.memory_space<vmem>>) attributes {dimension_semantics = [#tpu.dimension_semantics<arbitrary>], iteration_bounds = array<i64: 25>, scalar_prefetch = 0 : i64, scratch_operands = 0 : i64, tpu.core_type = #tpu.core_type<tc>, window_params = [{transform_indices = @transform_0, window_bounds = array<i64: 400, 128>}, {transform_indices = @transform_1, window_bounds = array<i64: 400, 128>}, {transform_indices = @transform_2, window_bounds = array<i64: 400, 128>}, {transform_indices = @transform_3, window_bounds = array<i64: 400, 1>}, {pipeline_mode = #tpu.pipeline_mode<synchronous>, transform_indices = @transform_4, window_bounds = array<i64: 1, 128>}, {pipeline_mode = #tpu.pipeline_mode<synchronous>, transform_indices = @transform_5, window_bounds = array<i64: 128, 512>}, {pipeline_mode = #tpu.pipeline_mode<synchronous>, transform_indices = @transform_6, window_bounds = array<i64: 1, 512>}, {pipeline_mode = #tpu.pipeline_mode<synchronous>, transform_indices = @transform_7, window_bounds = array<i64: 512, 128>}, {pipeline_mode = #tpu.pipeline_mode<synchronous>, transform_indices = @transform_8, window_bounds = array<i64: 1, 128>}, {transform_indices = @transform_9, window_bounds = array<i64: 400, 128>}]} {
    %get3A = arith.constant 0 : index
    %get3A_0 = arith.constant 0 : index
    %get3A_1 = vector.load %arg4[%get3A, %get3A_0] : memref<400x1xf32, #tpu.memory_space<vmem>>, vector<400x1xf32>
    %get3A_2 = arith.constant 0 : index
    %get3A_3 = arith.constant 0 : index
    %get3A_4 = vector.load %arg2[%get3A_2, %get3A_3] : memref<400x128xf32, #tpu.memory_space<vmem>>, vector<400x128xf32>
    %get3A_5 = arith.constant 0 : index
    %get3A_6 = arith.constant 0 : index
    %get3A_7 = vector.load %arg3[%get3A_5, %get3A_6] : memref<400x128xf32, #tpu.memory_space<vmem>>, vector<400x128xf32>
    %add3A = arith.addf %get3A_4, %get3A_7 : vector<400x128xf32>
    %div3A = vector.broadcast %get3A_1 : vector<400x1xf32> to vector<400x128xf32>
    %div3A_8 = arith.divf %add3A, %div3A : vector<400x128xf32>
    %get3A_9 = arith.constant 0 : index
    %get3A_10 = arith.constant 0 : index
    %get3A_11 = vector.load %arg1[%get3A_9, %get3A_10] : memref<400x128xf32, #tpu.memory_space<vmem>>, vector<400x128xf32>
    %add3A_12 = arith.addf %get3A_11, %div3A_8 : vector<400x128xf32>
    %get3A_13 = arith.constant 0 : index
    %get3A_14 = arith.constant 0 : index
    %get3A_15 = vector.load %arg5[%get3A_13, %get3A_14] : memref<1x128xf32, #tpu.memory_space<vmem>>, vector<1x128xf32>
    %add3A_16 = vector.broadcast %get3A_15 : vector<1x128xf32> to vector<400x128xf32>
    %add3A_17 = arith.addf %add3A_12, %add3A_16 : vector<400x128xf32>
    %get3A_18 = arith.constant 0 : index
    %get3A_19 = arith.constant 0 : index
    %get3A_20 = vector.load %arg6[%get3A_18, %get3A_19] : memref<128x512xf32, #tpu.memory_space<vmem>>, vector<128x512xf32>
    %dot_general3A = arith.constant dense<0.000000e+00> : vector<400x512xf32>
    %dot_general3A_21 = tpu.matmul %add3A_17, %get3A_20, %dot_general3A {dimension_numbers = #tpu.dot_dimension_numbers<[1], [0], [0], [1], [0, 0, 1, 1], [], []>, precision = #tpu.contract_precision<fp32>, transpose_lhs_hint = false} : vector<400x128xf32>, vector<128x512xf32>, vector<400x512xf32> -> vector<400x512xf32>
    %get3A_22 = arith.constant 0 : index
    %get3A_23 = arith.constant 0 : index
    %get3A_24 = vector.load %arg7[%get3A_22, %get3A_23] : memref<1x512xf32, #tpu.memory_space<vmem>>, vector<1x512xf32>
    %add3A_25 = vector.broadcast %get3A_24 : vector<1x512xf32> to vector<400x512xf32>
    %add3A_26 = arith.addf %dot_general3A_21, %add3A_25 : vector<400x512xf32>
    %max3A = arith.constant 0.000000e+00 : f32
    %max3A_27 = vector.broadcast %max3A : f32 to vector<400x512xf32>
    %max3A_28 = arith.maximumf %add3A_26, %max3A_27 : vector<400x512xf32>
    %get3A_29 = arith.constant 0 : index
    %get3A_30 = arith.constant 0 : index
    %get3A_31 = vector.load %arg8[%get3A_29, %get3A_30] : memref<512x128xf32, #tpu.memory_space<vmem>>, vector<512x128xf32>
    %dot_general3A_32 = arith.constant dense<0.000000e+00> : vector<400x128xf32>
    %dot_general3A_33 = tpu.matmul %max3A_28, %get3A_31, %dot_general3A_32 {dimension_numbers = #tpu.dot_dimension_numbers<[1], [0], [0], [1], [0, 0, 1, 1], [], []>, precision = #tpu.contract_precision<fp32>, transpose_lhs_hint = false} : vector<400x512xf32>, vector<512x128xf32>, vector<400x128xf32> -> vector<400x128xf32>
    %get3A_34 = arith.constant 0 : index
    %get3A_35 = arith.constant 0 : index
    %get3A_36 = vector.load %arg9[%get3A_34, %get3A_35] : memref<1x128xf32, #tpu.memory_space<vmem>>, vector<1x128xf32>
    %add3A_37 = vector.broadcast %get3A_36 : vector<1x128xf32> to vector<400x128xf32>
    %add3A_38 = arith.addf %dot_general3A_33, %add3A_37 : vector<400x128xf32>
    %swap3A = arith.constant 0 : index
    %swap3A_39 = arith.constant 0 : index
    %swap3A_40 = vector.load %arg10[%swap3A, %swap3A_39] : memref<400x128xf32, #tpu.memory_space<vmem>>, vector<400x128xf32>
    tpu.vector_store %arg10[%swap3A, %swap3A_39], %add3A_38 {strides = array<i32>} : memref<400x128xf32, #tpu.memory_space<vmem>>, vector<400x128xf32>,
    return
  }
  func.func @transform_0(%arg0: i32) -> (i32, i32) {
    %c0_i32 = arith.constant 0 : i32
    %c0_i32_0 = arith.constant 0 : i32
    return %arg0, %c0_i32 : i32, i32
  }
  func.func @transform_1(%arg0: i32) -> (i32, i32) {
    %c0_i32 = arith.constant 0 : i32
    %c0_i32_0 = arith.constant 0 : i32
    return %arg0, %c0_i32 : i32, i32
  }
  func.func @transform_2(%arg0: i32) -> (i32, i32) {
    %c0_i32 = arith.constant 0 : i32
    %c0_i32_0 = arith.constant 0 : i32
    return %arg0, %c0_i32 : i32, i32
  }
  func.func @transform_3(%arg0: i32) -> (i32, i32) {
    %c0_i32 = arith.constant 0 : i32
    %c0_i32_0 = arith.constant 0 : i32
    return %arg0, %c0_i32 : i32, i32
  }
  func.func @transform_4(%arg0: i32) -> (i32, i32) {
    %c0_i32 = arith.constant 0 : i32
    %c0_i32_0 = arith.constant 0 : i32
    %c0_i32_1 = arith.constant 0 : i32
    return %c0_i32, %c0_i32_0 : i32, i32
  }
  func.func @transform_5(%arg0: i32) -> (i32, i32) {
    %c0_i32 = arith.constant 0 : i32
    %c0_i32_0 = arith.constant 0 : i32
    %c0_i32_1 = arith.constant 0 : i32
    return %c0_i32, %c0_i32_0 : i32, i32
  }
  func.func @transform_6(%arg0: i32) -> (i32, i32) {
    %c0_i32 = arith.constant 0 : i32
    %c0_i32_0 = arith.constant 0 : i32
    %c0_i32_1 = arith.constant 0 : i32
    return %c0_i32, %c0_i32_0 : i32, i32
  }
  func.func @transform_7(%arg0: i32) -> (i32, i32) {
    %c0_i32 = arith.constant 0 : i32
    %c0_i32_0 = arith.constant 0 : i32
    %c0_i32_1 = arith.constant 0 : i32
    return %c0_i32, %c0_i32_0 : i32, i32
  }
  func.func @transform_8(%arg0: i32) -> (i32, i32) {
    %c0_i32 = arith.constant 0 : i32
    %c0_i32_0 = arith.constant 0 : i32
    %c0_i32_1 = arith.constant 0 : i32
    return %c0_i32, %c0_i32_0 : i32, i32
  }
  func.func @transform_9(%arg0: i32) -> (i32, i32) {
    %c0_i32 = arith.constant 0 : i32
    %c0_i32_0 = arith.constant 0 : i32
    return %arg0, %c0_i32 : i32, i32
  }
}

</mosaic_0001>

<sc_bundles>
// kernel: kernel.12.cloned.1.call-start
scs
__scs_entry_jumppad:
0x0: {  	(pc) =	sbr.rel $0x88, $3  }
0x1: {  	(tag) =	ssettag $0x0;
	lr =	simm.s32 $0x1  }
0x2: {  	[smem:$0x3F93] =	sst lr;
	_ =	strace $0xD0000000  }
0x3: {  	_ = 	snop  }
0x4: {  	_ = 	snop  }
0x5: {  	_ = 	snop  }
0x6: {  	_ = 	snop  }
0x7: {  	_ = 	snop  }
__scs_overlays_trampoline_lowered:
0x8: {  	[smem:$0x3FA2] =	sst s0  }
0x9: {  	[smem:$0x3FA3] =	sst s1  }
0xa: {  	[smem:$0x3FA4] =	sst s2  }
0xb: {  	[smem:$0x3FA5] =	sst s3  }
0xc: {  	[smem:$0x3FA6] =	sst s4  }
0xd: {  	[smem:$0x3FA7] =	sst s5  }
0xe: {  	[smem:$0x3FA8] =	sst s6  }
0xf: {  	[smem:$0x3FA9] =	sst s7  }
0x10: {  	[smem:$0x3FAA] =	sst s8  }
0x11: {  	[smem:$0x3FAB] =	sst s9;
	s0 =	simm.s32 @!p0 $0x0  }
0x12: {  	s1 =	sld [smem:$0x3F91];
	s0 =	simm.s32 @p0 $0x1  }
0x13: {  	[smem:$0x3FAC] =	sst s0;
	s0 =	simm.s32 @!p1 $0x0  }
0x14: {  	s2 =	sld [smem:$0x3F90];
	s0 =	simm.s32 @p1 $0x1  }
0x15: {  	[smem:$0x3FAD] =	sst s0;
	s0 =	simm.s32 @!p2 $0x0  }
0x16: {  	s3 =	sld [smem:$0x3FDB];
	s0 =	simm.s32 @p2 $0x1  }
0x17: {  	s4 =	simm.s32 $0x1BF5;
	[smem:$0x3FAF] =	sst s0  }
0x18: {  	s0 =	sld [smem:$0x3F92];
	_ =	swait.ge [sflag:s4], $0x0  }
0x19: {  	s7 =	sld [smem:$0x3F93]  }
0x1a: {  	s8 =	sadd.s32 $0xFFFFE003, lr  }
0x1b: {  	s9 =	sadd.s32 $0xFFFFFEF7, lr;
	s5 =	simm.s32 $0xFFFFFFFF;
	p2 =	slt.u32 s8, $0xFFFFF086  }
0x1c: {  	p1 =	slt.u32 s9, $0xF7A;
	s5 =	simm.s32 @!p2 $0x0  }
0x1d: {  	s5 =	simm.s32 @p1 $0x1;
	p0 =	seq.s32 s7, s2  }
0x1e: {  	s7 =	smul.u32 @!p0 $0xF7A, s2;
	p2 =	seq.s32 @!p0 s5, $0x0  }
0x1f: {  	s9 =	smul.u32 $0xF7A, s1;
	s8 =	simm.s32 @!p0 $0x1BF5;
	p2 =	por !p2, p0  }
0x20: {  	[sflag:s8] =	ssyncset.s32 @!p0 $0xFFFFF086;
	s6 =	sadd.s32 @!p0 s3, s7;
	s7 =	simm.s32 @!p0 $0x108  }
0x21: {  	s3 =	sadd.s32 s3, s9;
	s6 =	sadd.s32 @!p0 $0x88, s6;
	s7 =	simm.s32 @p2 $0x1082  }
0x22: {  	[simem:s7], [sflag:s8] =	dma.local @!p0 [hbm:s6], $0xF7A  }
0x23: {  	s9 =	sor.u32 $0xD0000000, s2;
	s6 =	simm.s32 $0x108;
	_ =	swait.ge @!p0 [sflag:s8], $0x0  }
0x24: {  	s3 =	sadd.s32 $0x88, s3;
	s6 =	simm.s32 @!p1 $0x1082;
	[sflag:s4] =	ssyncset.s32 $0xFFFFF086  }
0x25: {  	[simem:s6], [sflag:s4] =	dma.local [hbm:s3], $0xF7A  }
0x26: {  	[smem:$0x3F93] =	sst s1;
	(tag) =	ssettag s2;
	_ =	strace s9  }
0x27: {  	s1 =	sld [smem:$0x3FA3]  }
0x28: {  	s2 =	sld [smem:$0x3FA4]  }
0x29: {  	s4 =	sld [smem:$0x3FA6]  }
0x2a: {  	p0 =	seq.s32 s5, $0x0;
	s5 =	sld [smem:$0x3FA7]  }
0x2b: {  	s6 =	sld [smem:$0x3FA8]  }
0x2c: {  	s7 =	sld [smem:$0x3FA9]  }
0x2d: {  	s3 =	simm.s32 $0x108;
	s8 =	sld [smem:$0x3FAA]  }
0x2e: {  	s3 =	simm.s32 @!p0 $0x1082;
	s9 =	sld [smem:$0x3FAB]  }
0x2f: {  	lr =	sadd.s32 s0, s3;
	s0 =	sld [smem:$0x3FA2]  }
0x30: {  	s3 =	sld [smem:$0x3FA5]  }
0x31: {  	[smem:$0x3FAE] =	sst s10  }
0x32: {  	s10 =	sld [smem:$0x3FAC];
	_ =	sdelay $0x3  }
0x33: {  	p0 =	seq.s32 s10, $0x1;
	s10 =	sld [smem:$0x3FAE];
	_ =	sdelay $0x3  }
0x34: {  	[smem:$0x3FAE] =	sst s10  }
0x35: {  	s10 =	sld [smem:$0x3FAD];
	_ =	sdelay $0x3  }
0x36: {  	p1 =	seq.s32 s10, $0x1;
	s10 =	sld [smem:$0x3FAE];
	_ =	sdelay $0x3  }
0x37: {  	[smem:$0x3FAE] =	sst s10  }
0x38: {  	s10 =	sld [smem:$0x3FAF]  }
0x39: {  	_ = 	snop;
	(pc) =	sbr.ind lr, $3  }
0x3a: {  	_ = 	snop  }
0x3b: {  	_ = 	snop  }
0x3c: {  	p2 =	seq.s32 s10, $0x1;
	s10 =	sld [smem:$0x3FAE]  }
0x3d: {  	_ =	shalt  }
0x3e: {  	_ =	shalt  }
0x3f: {  	_ =	shalt  }
0x40: {  	_ =	shalt  }
0x41: {  	_ =	shalt  }
0x42: {  	_ =	shalt  }
0x43: {  	_ =	shalt  }
0x44: {  	_ =	shalt  }
0x45: {  	_ =	shalt  }
0x46: {  	_ =	shalt  }
0x47: {  	_ =	shalt  }
0x48: {  	_ =	shalt  }
0x49: {  	_ =	shalt  }
0x4a: {  	_ =	shalt  }
0x4b: {  	_ =	shalt  }
0x4c: {  	_ =	shalt  }
0x4d: {  	_ =	shalt  }
0x4e: {  	_ =	shalt  }
0x4f: {  	_ =	shalt  }
0x50: {  	_ =	shalt  }
0x51: {  	_ =	shalt  }
0x52: {  	_ =	shalt  }
0x53: {  	_ =	shalt  }
0x54: {  	_ =	shalt  }
0x55: {  	_ =	shalt  }
0x56: {  	_ =	shalt  }
0x57: {  	_ =	shalt  }
0x58: {  	_ =	shalt  }
0x59: {  	_ =	shalt  }
0x5a: {  	_ =	shalt  }
0x5b: {  	_ =	shalt  }
0x5c: {  	_ =	shalt  }
0x5d: {  	_ =	shalt  }
0x5e: {  	_ =	shalt  }
0x5f: {  	_ =	shalt  }
0x60: {  	_ =	shalt  }
0x61: {  	_ =	shalt  }
0x62: {  	_ =	shalt  }
0x63: {  	_ =	shalt  }
0x64: {  	_ =	shalt  }
0x65: {  	_ =	shalt  }
0x66: {  	_ =	shalt  }
0x67: {  	_ =	shalt  }
0x68: {  	_ =	shalt  }
0x69: {  	_ =	shalt  }
0x6a: {  	_ =	shalt  }
0x6b: {  	_ =	shalt  }
0x6c: {  	_ =	shalt  }
0x6d: {  	_ =	shalt  }
0x6e: {  	_ =	shalt  }
0x6f: {  	_ =	shalt  }
0x70: {  	_ =	shalt  }
0x71: {  	_ =	shalt  }
0x72: {  	_ =	shalt  }
0x73: {  	_ =	shalt  }
0x74: {  	_ =	shalt  }
0x75: {  	_ =	shalt  }
0x76: {  	_ =	shalt  }
0x77: {  	_ =	shalt  }
0x78: {  	_ =	shalt  }
0x79: {  	_ =	shalt  }
0x7a: {  	_ =	shalt  }
0x7b: {  	_ =	shalt  }
0x7c: {  	_ =	shalt  }
0x7d: {  	_ =	shalt  }
0x7e: {  	_ =	shalt  }
0x7f: {  	_ =	shalt  }
0x80: {  	_ =	shalt  }
0x81: {  	_ =	shalt  }
0x82: {  	_ =	shalt  }
0x83: {  	_ =	shalt  }
0x84: {  	_ =	shalt  }
0x85: {  	_ =	shalt  }
0x86: {  	_ =	shalt  }
0x87: {  	_ =	shalt  }
.Lfunc_end0:
.L_simem_size_0:
called_computation.1_lowered:
.L_overlay_start_0:
0x88: {  	s2 =	sld [smem:$0x3FD9]  }
0x89: {  	s3 =	sld [smem:$0x3FFE];
	_ =	sdelay $0x1  }
0x8a: {  	s1 =	srdreg.scid  }
0x8b: {  	s0 =	sand.u32 $0x1, s1  }
0x8c: {  	s16 =	sshll.u32 s0, $0xA;
	s2 =	sadd.s32 s3, s2  }
0x8d: {  	s2 =	sadd.s32 s2, s16  }
0x8e: {  	[smem:$0x3FBA] =	sst s2  }
0x8f: {  	_ = 	snop  }
0x90: {  	(tm) =	ssettm $0x1  }
0x91: {  	s17 =	sld [smem:$0x3FFB];
	_ =	sdelay $0x3  }
0x92: {  	_ =	strace s17  }
0x93: {  	s2 =	sld [smem:$0x3FFC];
	_ =	sdelay $0x3  }
0x94: {  	_ =	strace s2  }
0x95: {  	s2 =	sld [smem:$0x3FFD];
	_ =	sdelay $0x3  }
0x96: {  	_ =	strace s2  }
0x97: {  	_ =	strace $0x8FFFFFFF  }
0x98: {  	s18 =	sld [smem:$0x3FDB];
	_ =	sdelay $0x1  }
0x99: {  	s19 =	simm.s32 $_scs_section_size  }
0x9a: {  	s4 =	simm.s32 $_size__tile_overlayer_lowered;
	s5 =	simm.s32 $_tile_overlayer_lowered  }
0x9b: {  	s22 =	simm.s32 $0x1BFF;
	s21 =	sshll.u32 s5, $0x1;
	s2 =	sadd.s32 s19, s18  }
0x9c: {  	s6 =	simm.s32 $0x0;
	s20 =	sshll.u32 s4, $0x1;
	s4 =	sadd.s32 s21, s2  }
0x9d: {  	[timem:s6], [sflag:s22] =	dma.local [hbm:s4], s20  }
0x9e: {  	_ =	swait.ge [sflag:s22], s20  }
0x9f: {  	s3 =	ssub.s32 $0x0, s20;
	[sflag:s22] =	ssyncset.done $0x0  }
0xa0: {  	[sflag:s22] =	ssyncadd.s32 s3;
	_ =	sdelay $0x1  }
0xa1: {  	s23 =	simm.s32 $0x1B8B  }
0xa2: {  	_ =	swait.ge [sflag:s23], $0x1  }
0xa3: {  	[sflag:s23] =	ssyncset.done $0x0  }
0xa4: {  	s25 =	simm.s32 $0x1B8E;
	s24 =	sld [smem:$0x3FFE];
	[sflag:s23] =	ssyncadd.s32 $0xFFFFFFFF  }
0xa5: {  	s26 =	simm.s32 $execute0_lowered;
	[smem:$0x3FD2] =	sst s25  }
0xa6: {  	s4 =	sshll.u32 s26, $0x1;
	_ =	strace $0x80000049;
	[dreg:$0x1] =	wrdreg $0xFFFFFFFF  }
0xa7: {  	s28 =	simm.s32 $_size_execute0_lowered;
	s2 =	sadd.s32 s2, s4;
	[dreg:$0x0] =	wrdreg $0x0  }
0xa8: {  	s4 =	sshll.u32 s28, $0x1;
	[dreg:$0x2] =	wrdreg s2  }
0xa9: {  	[dreg:$0x3] =	wrdreg s4  }
0xaa: {  	[dreg:$0x4] =	wrdreg $0xC0  }
0xab: {  	_ =	task [dreg:s6], $0x5FFFF  }
0xac: {  	[dreg:$0x1] =	wrdreg $0xFFFFFFFF  }
0xad: {  	[dreg:$0x0] =	wrdreg $0x60  }
0xae: {  	[dreg:$0x2] =	wrdreg s24  }
0xaf: {  	[dreg:$0x3] =	wrdreg $0xAA000  }
0xb0: {  	[dreg:$0x4] =	wrdreg $0x9  }
0xb1: {  	_ =	task.clear_ibuf [dreg:s6], $0x5FFFF;
	_ =	strace $0x90000049  }
0xb2: {  	s29 =	simm.s32 $0x9;
	_ =	strace $0x8000004B  }
0xb3: {  	_ =	swait.ge [sflag:s29], $0x1  }
0xb4: {  	[sflag:s29] =	ssyncadd.s32 $0xFFFFFFFF  }
0xb5: {  	_ =	strace $0x9000004B  }
0xb6: {  	_ =	sfence  }
0xb7: {  	s30 =	sld [smem:$0x0];
	_ =	sdelay $0x2  }
0xb8: {  	s31 =	sshll.u32 s1, $0xD;
	s1 =	sshrl.u32 s1, $0x2  }
0xb9: {  	s3 =	sand.u32 $0x4000, s31;
	s1 =	sadd.s32 s1, s30  }
0xba: {  	s0 =	sor.u32 s3, s0;
	s1 =	sshll.u32 s1, $0x11  }
0xbb: {  	s0 =	sor.u32 s1, s0  }
0xbc: {  	s0 =	sadd.s32 $0x8F2B, s0  }
0xbd: {  	[sflag:s0] =	ssyncadd.remote.s32 $0x1  }
0xbe: {  	_ =	sfence.sel $0xFFFF  }
0xbf: {  	[dreg:$0x0] =	wrdreg $0xFFFFFFFF;
	(pc) =	sbr.abs _section_cstart, $3  }
0xc0: {  	[dreg:$0x1] =	wrdreg $0xFFFFFFFF  }
0xc1: {  	_ =	task.clear_ibuf [dreg:s6], $0x2FFFF;
	_ =	strace $0x9FFFFFFF  }
0xc2: {  	(tm) =	ssettm $0x7FFFFFFF  }
0xc3: {  	_ =	shalt  }
tec
execute0_lowered:
.L_overlay_start_1:
0x0: {  	(tag) =	ssettag $0x1  }
0x1: {  	s6 =	rddreg [dreg:$0x0]  }
0x2: {  	s0 =	srdreg.scid;
	s2 =	rddreg [dreg:$0x1]  }
0x3: {  	s3 =	simm.s32 $0x0;
	s13 =	simm.s32 $0x2800;
	s14 =	simm.s32 $0x2A00  }
0x4: {  	s15 =	simm.s32 $0x1;
	s16 =	simm.s32 $0x2880;
	s17 =	simm.s32 $0x6A00  }
0x5: {  	s18 =	simm.s32 $0x2900;
	s19 =	simm.s32 $0x2;
	s20 =	simm.s32 $0x2980  }
0x6: {  	s21 =	simm.s32 $0x0;
	s5 =	sand.u32 $0x1, s0;
	s0 =	stileid.u32  }
0x7: {  	[smem:$0x7FF] =	sst s3;
	s4 =	sadd.s32 $0x60C00, s6;
	s8 =	smul.u32 $0x14000, s0  }
0x8: {  	s1 =	sshll.u32 s5, $0x4;
	s9 =	smul.u32 $0x140000, s5;
	s5 =	ssub.s32 $0x2, s5  }
0x9: {  	s28 =	smul.u32 $0x50000, s0;
	s31 =	sshll.u32 s0, $0x6;
	s1 =	sor.u32 s0, s1  }
0xa: {  	s29 =	sshrl.u32 s5, $0x1;
	s7 =	smul.u32 $0x500, s1;
	s1 =	rddreg [dreg:$0x2]  }
0xb: {  	_ =	strace $0x8000004A;
	s10 =	sshrl.u32 s8, $0x3;
	s8 =	sadd.s32 s8, s9  }
0xc: {  	s11 =	ssub.s32 s5, s29;
	s30 =	sshrl.u32 s28, $0x2;
	s8 =	sshrl.u32 s8, $0x3  }
0xd: {  	s10 =	sadd.s32 s10, s6;
	s12 =	sadd.s32 s30, s2;
	s9 =	smax.u32 s11, $0x1  }
0xe: {  	s11 =	simm.s32 $0x3;
	s7 =	sadd.s32 s7, s6;
	s8 =	sadd.s32 s8, s6  }
0xf: {  	s5 =	sadd.s32 $0x38C00, s10;
	s6 =	sor.u32 $0x1C03, s31;
	s10 =	sshrl.u32 s12, $0x3  }
0x10: {  	s12 =	simm.s32 $0x80;
	s7 =	sadd.s32 $0x3A00, s7;
	s8 =	sadd.s32 $0x87E00, s8  }
.LBB2_1:
0x11: {  	[spmem:s10], [sflag:s6] =	dma.local [hbm:s5], $0x2800  }
0x12: {  	_ =	swait.ge [sflag:s11], $0x2800  }
0x13: {  	[sflag:s11] =	ssyncset.done $0x0  }
0x14: {  	[sflag:s11] =	ssyncadd.s32 $0xFFFFD800  }
0x15: {  	[tilespmem:s3], [sflag:$0x3] =	stream.linear.gather [hbm4b:s7+s3], $0x2800, $0x38;
	[tilespmem:$0x1EA00] =	vst v63  }
0x16: {  	_ =	swait.ge [sflag:s11], $0x2800  }
0x17: {  	[sflag:s11] =	ssyncset.done $0x0  }
0x18: {  	[sflag:s11] =	ssyncadd.s32 $0xFFFFD800  }
0x19: {  	[bflag:$0x0] =	sbarrier.arrive $0xFFFF  }
0x1a: {  	v0 =	vld [tilespmem:$0x0];
	_ =	sdelay $0x1  }
0x1b: {  	v1 =	vld [tilespmem:$0x10];
	_ =	sdelay $0x1  }
0x1c: {  	v2 =	vld [tilespmem:$0x20]  }
0x1d: {  	v3 =	vand.u32 $0x3FFF, v0  }
0x1e: {  	v0 =	vshra.s32 v0, $0xE;
	[tilespmem:$0x2800] =	vst v3;
	v3 =	vld [tilespmem:$0x30]  }
0x1f: {  	[tilespmem:$0x2900] =	vst v0;
	v0 =	vand.u32 $0x3FFF, v1  }
0x20: {  	[tilespmem:$0x2810] =	vst v0;
	v0 =	vshra.s32 v1, $0xE;
	v1 =	vld [tilespmem:$0x40]  }
0x21: {  	[tilespmem:$0x2910] =	vst v0;
	v0 =	vand.u32 $0x3FFF, v2  }
0x22: {  	[tilespmem:$0x2820] =	vst v0;
	v0 =	vshra.s32 v2, $0xE;
	v2 =	vld [tilespmem:$0x50]  }
0x23: {  	[tilespmem:$0x2920] =	vst v0;
	v0 =	vand.u32 $0x3FFF, v3  }
0x24: {  	[tilespmem:$0x2830] =	vst v0;
	v0 =	vshra.s32 v3, $0xE;
	v3 =	vld [tilespmem:$0x60]  }
0x25: {  	[tilespmem:$0x2930] =	vst v0;
	v0 =	vand.u32 $0x3FFF, v1  }
0x26: {  	[tilespmem:$0x2840] =	vst v0;
	v0 =	vshra.s32 v1, $0xE;
	v1 =	vld [tilespmem:$0x70]  }
0x27: {  	[tilespmem:$0x2940] =	vst v0;
	v0 =	vand.u32 $0x3FFF, v2  }
0x28: {  	[tilespmem:$0x2850] =	vst v0;
	v0 =	vshra.s32 v2, $0xE  }
0x29: {  	[tilespmem:$0x2950] =	vst v0;
	v0 =	vand.u32 $0x3FFF, v3  }
0x2a: {  	[tilespmem:$0x2860] =	vst v0;
	v0 =	vshra.s32 v3, $0xE  }
0x2b: {  	[tilespmem:$0x2960] =	vst v0;
	v0 =	vand.u32 $0x3FFF, v1  }
0x2c: {  	[tilespmem:$0x2870] =	vst v0;
	v0 =	vshra.s32 v1, $0xE  }
0x2d: {  	[tilespmem:$0x2970] =	vst v0  }
0x2e: {  	[tilespmem:s14], [sflag:$0x1] =	stream.indirect.gather [hbm4b:s4+s12], $0x80, s13, s12, $0xb8;
	[tilespmem:$0x1EA00] =	vst v63  }
0x2f: {  	_ =	swait.ge [sflag:s15], $0x4000  }
0x30: {  	[sflag:s15] =	ssyncset.done $0x0  }
0x31: {  	s22 =	simm.s32 $0x0;
	[sflag:s15] =	ssyncadd.s32 $0xFFFFC000  }
0x32: {  	v0 =	vld [tilespmem:s22+$0x80];
	_ =	sdelay $0x4  }
0x33: {  	v1 =	vand.u32 $0x3FFF, v0  }
0x34: {  	v0 =	vshra.s32 v0, $0xE;
	[tilespmem:$0x2880] =	vst v1  }
0x35: {  	[tilespmem:$0x2980] =	vst v0  }
0x36: {  	v0 =	vld [tilespmem:s22+$0x90];
	_ =	sdelay $0x4  }
0x37: {  	v1 =	vand.u32 $0x3FFF, v0  }
0x38: {  	v0 =	vshra.s32 v0, $0xE;
	[tilespmem:$0x2890] =	vst v1  }
0x39: {  	[tilespmem:$0x2990] =	vst v0  }
0x3a: {  	v0 =	vld [tilespmem:s22+$0xA0];
	_ =	sdelay $0x4  }
0x3b: {  	v1 =	vand.u32 $0x3FFF, v0  }
0x3c: {  	v0 =	vshra.s32 v0, $0xE;
	[tilespmem:$0x28A0] =	vst v1  }
0x3d: {  	[tilespmem:$0x29A0] =	vst v0  }
0x3e: {  	v0 =	vld [tilespmem:s22+$0xB0];
	_ =	sdelay $0x4  }
0x3f: {  	v1 =	vand.u32 $0x3FFF, v0  }
0x40: {  	v0 =	vshra.s32 v0, $0xE;
	[tilespmem:$0x28B0] =	vst v1  }
0x41: {  	[tilespmem:$0x29B0] =	vst v0  }
0x42: {  	v0 =	vld [tilespmem:s22+$0xC0];
	_ =	sdelay $0x4  }
0x43: {  	v1 =	vand.u32 $0x3FFF, v0  }
0x44: {  	v0 =	vshra.s32 v0, $0xE;
	[tilespmem:$0x28C0] =	vst v1  }
0x45: {  	[tilespmem:$0x29C0] =	vst v0  }
0x46: {  	v0 =	vld [tilespmem:s22+$0xD0];
	_ =	sdelay $0x4  }
0x47: {  	v1 =	vand.u32 $0x3FFF, v0  }
0x48: {  	v0 =	vshra.s32 v0, $0xE;
	[tilespmem:$0x28D0] =	vst v1  }
0x49: {  	[tilespmem:$0x29D0] =	vst v0  }
0x4a: {  	v0 =	vld [tilespmem:s22+$0xE0];
	_ =	sdelay $0x4  }
0x4b: {  	v1 =	vand.u32 $0x3FFF, v0  }
0x4c: {  	v0 =	vshra.s32 v0, $0xE;
	[tilespmem:$0x28E0] =	vst v1  }
0x4d: {  	[tilespmem:$0x29E0] =	vst v0  }
0x4e: {  	v0 =	vld [tilespmem:s22+$0xF0];
	_ =	sdelay $0x4  }
0x4f: {  	v1 =	vand.u32 $0x3FFF, v0  }
0x50: {  	v0 =	vshra.s32 v0, $0xE;
	[tilespmem:$0x28F0] =	vst v1  }
0x51: {  	[tilespmem:$0x29F0] =	vst v0  }
0x52: {  	[tilespmem:s17], [sflag:$0x2] =	stream.indirect.gather [hbm4b:s4+s12], $0x80, s16, s12, $0xb8;
	[tilespmem:$0x1EA00] =	vst v63  }
0x53: {  	_ = 	snop  }
0x54: {  	[spmem:s2] =	stream.indirect.scatter.add.f32 [tilespmem:s14], [sflag:$0x3], $0x80, s18, s12, $0xb8;
	[tilespmem:$0x1EA00] =	vst v63  }
0x55: {  	_ =	swait.ge [sflag:s11], $0x4000  }
0x56: {  	[sflag:s11] =	ssyncset.done $0x0  }
0x57: {  	[sflag:s11] =	ssyncadd.s32 $0xFFFFC000  }
0x58: {  	_ =	swait.ge [sflag:s19], $0x4000  }
0x59: {  	p1 =	por $0x0, $0x0;
	[sflag:s19] =	ssyncset.done $0x0  }
0x5a: {  	s23 =	simm.s32 @!p1 $0x0;
	[sflag:s19] =	ssyncadd.s32 $0xFFFFC000  }
0x5b: {  	v0 =	vld @!p1 [tilespmem:s23+$0x100];
	_ =	sdelay $0x4  }
0x5c: {  	v1 =	vand.u32 @!p1 $0x3FFF, v0  }
0x5d: {  	v0 =	vshra.s32 @!p1 v0, $0xE;
	[tilespmem:$0x2800] =	vst @!p1 v1  }
0x5e: {  	[tilespmem:$0x2900] =	vst @!p1 v0  }
0x5f: {  	v0 =	vld @!p1 [tilespmem:s23+$0x110];
	_ =	sdelay $0x4  }
0x60: {  	v1 =	vand.u32 @!p1 $0x3FFF, v0  }
0x61: {  	v0 =	vshra.s32 @!p1 v0, $0xE;
	[tilespmem:$0x2810] =	vst @!p1 v1  }
0x62: {  	[tilespmem:$0x2910] =	vst @!p1 v0  }
0x63: {  	v0 =	vld @!p1 [tilespmem:s23+$0x120];
	_ =	sdelay $0x4  }
0x64: {  	v1 =	vand.u32 @!p1 $0x3FFF, v0  }
0x65: {  	v0 =	vshra.s32 @!p1 v0, $0xE;
	[tilespmem:$0x2820] =	vst @!p1 v1  }
0x66: {  	[tilespmem:$0x2920] =	vst @!p1 v0  }
0x67: {  	v0 =	vld @!p1 [tilespmem:s23+$0x130];
	_ =	sdelay $0x4  }
0x68: {  	v1 =	vand.u32 @!p1 $0x3FFF, v0  }
0x69: {  	v0 =	vshra.s32 @!p1 v0, $0xE;
	[tilespmem:$0x2830] =	vst @!p1 v1  }
0x6a: {  	[tilespmem:$0x2930] =	vst @!p1 v0  }
0x6b: {  	v0 =	vld @!p1 [tilespmem:s23+$0x140];
	_ =	sdelay $0x4  }
0x6c: {  	v1 =	vand.u32 @!p1 $0x3FFF, v0  }
0x6d: {  	v0 =	vshra.s32 @!p1 v0, $0xE;
	[tilespmem:$0x2840] =	vst @!p1 v1  }
0x6e: {  	[tilespmem:$0x2940] =	vst @!p1 v0  }
0x6f: {  	v0 =	vld @!p1 [tilespmem:s23+$0x150];
	_ =	sdelay $0x4  }
0x70: {  	v1 =	vand.u32 @!p1 $0x3FFF, v0  }
0x71: {  	v0 =	vshra.s32 @!p1 v0, $0xE;
	[tilespmem:$0x2850] =	vst @!p1 v1  }
0x72: {  	s25 =	simm.s32 @!p1 $0x80;
	[tilespmem:$0x2950] =	vst @!p1 v0  }
0x73: {  	s26 =	simm.s32 @!p1 $0x2800;
	s28 =	simm.s32 @!p1 $0x2A00;
	s22 =	simm.s32 $0x400;
	v0 =	vld @!p1 [tilespmem:s23+$0x160]  }
.LBB2_2:
0x74: {  	_ =	sdelay $0x3  }
0x75: {  	s24 =	smov.u32 s22;
	s22 =	sadd.s32 $0x400, s22;
	v1 =	vand.u32 @!p1 $0x3FFF, v0;
	v0 =	vshra.s32 @!p1 v0, $0xE  }
0x76: {  	p0 =	sne.s32 s22, $0xA000;
	[tilespmem:$0x2860] =	vst @!p1 v1  }
0x77: {  	[tilespmem:$0x2960] =	vst @!p1 v0  }
0x78: {  	v0 =	vld @!p1 [tilespmem:s23+$0x170];
	_ =	sdelay $0x4  }
0x79: {  	v1 =	vand.u32 @!p1 $0x3FFF, v0;
	v0 =	vshra.s32 @!p1 v0, $0xE  }
0x7a: {  	[tilespmem:$0x2870] =	vst @!p1 v1  }
0x7b: {  	[tilespmem:$0x2970] =	vst @!p1 v0  }
0x7c: {  	[tilespmem:s28], [sflag:$0x1] =	stream.indirect.gather @!p1 [hbm4b:s4+s25], $0x80, s26, s25, $0xb8;
	[tilespmem:$0x1EA00] =	vst v63  }
0x7d: {  	_ = 	snop  }
0x7e: {  	[spmem:s2] =	stream.indirect.scatter.add.f32 [tilespmem:s17], [sflag:$0x3], $0x80, s20, s12, $0xb8;
	[tilespmem:$0x1EA00] =	vst v63  }
0x7f: {  	_ =	swait.ge [sflag:s11], $0x4000  }
0x80: {  	[sflag:s11] =	ssyncset.done $0x0  }
0x81: {  	[sflag:s11] =	ssyncadd.s32 $0xFFFFC000  }
0x82: {  	_ =	swait.ge [sflag:s15], $0x4000  }
0x83: {  	[sflag:s15] =	ssyncset.done $0x0  }
0x84: {  	s23 =	sshra.s32 s24, $0x2;
	[sflag:s15] =	ssyncadd.s32 $0xFFFFC000  }
0x85: {  	v0 =	vld [tilespmem:s23+$0x80];
	_ =	sdelay $0x4  }
0x86: {  	v1 =	vand.u32 $0x3FFF, v0;
	v0 =	vshra.s32 v0, $0xE  }
0x87: {  	[tilespmem:$0x2880] =	vst v1  }
0x88: {  	[tilespmem:$0x2980] =	vst v0  }
0x89: {  	v0 =	vld [tilespmem:s23+$0x90];
	_ =	sdelay $0x4  }
0x8a: {  	v1 =	vand.u32 $0x3FFF, v0;
	v0 =	vshra.s32 v0, $0xE  }
0x8b: {  	[tilespmem:$0x2890] =	vst v1  }
0x8c: {  	[tilespmem:$0x2990] =	vst v0  }
0x8d: {  	v0 =	vld [tilespmem:s23+$0xA0];
	_ =	sdelay $0x4  }
0x8e: {  	v1 =	vand.u32 $0x3FFF, v0;
	v0 =	vshra.s32 v0, $0xE  }
0x8f: {  	[tilespmem:$0x28A0] =	vst v1  }
0x90: {  	[tilespmem:$0x29A0] =	vst v0  }
0x91: {  	v0 =	vld [tilespmem:s23+$0xB0];
	_ =	sdelay $0x4  }
0x92: {  	v1 =	vand.u32 $0x3FFF, v0;
	v0 =	vshra.s32 v0, $0xE  }
0x93: {  	[tilespmem:$0x28B0] =	vst v1  }
0x94: {  	[tilespmem:$0x29B0] =	vst v0  }
0x95: {  	v0 =	vld [tilespmem:s23+$0xC0];
	_ =	sdelay $0x4  }
0x96: {  	v1 =	vand.u32 $0x3FFF, v0;
	v0 =	vshra.s32 v0, $0xE  }
0x97: {  	[tilespmem:$0x28C0] =	vst v1  }
0x98: {  	[tilespmem:$0x29C0] =	vst v0  }
0x99: {  	v0 =	vld [tilespmem:s23+$0xD0];
	_ =	sdelay $0x4  }
0x9a: {  	v1 =	vand.u32 $0x3FFF, v0;
	v0 =	vshra.s32 v0, $0xE  }
0x9b: {  	[tilespmem:$0x28D0] =	vst v1  }
0x9c: {  	[tilespmem:$0x29D0] =	vst v0  }
0x9d: {  	v0 =	vld [tilespmem:s23+$0xE0];
	_ =	sdelay $0x4  }
0x9e: {  	v1 =	vand.u32 $0x3FFF, v0;
	v0 =	vshra.s32 v0, $0xE  }
0x9f: {  	[tilespmem:$0x28E0] =	vst v1  }
0xa0: {  	[tilespmem:$0x29E0] =	vst v0  }
0xa1: {  	v0 =	vld [tilespmem:s23+$0xF0];
	_ =	sdelay $0x4  }
0xa2: {  	v1 =	vand.u32 $0x3FFF, v0;
	v0 =	vshra.s32 v0, $0xE  }
0xa3: {  	p1 =	seq.s32 s24, $0x9C00;
	[tilespmem:$0x28F0] =	vst v1  }
0xa4: {  	s23 =	sshra.s32 @!p1 s24, $0x2;
	[tilespmem:$0x29F0] =	vst v0  }
0xa5: {  	[tilespmem:s17], [sflag:$0x2] =	stream.indirect.gather [hbm4b:s4+s12], $0x80, s16, s12, $0xb8;
	[tilespmem:$0x1EA00] =	vst v63  }
0xa6: {  	_ = 	snop  }
0xa7: {  	[spmem:s2] =	stream.indirect.scatter.add.f32 [tilespmem:s14], [sflag:$0x3], $0x80, s18, s12, $0xb8;
	[tilespmem:$0x1EA00] =	vst v63  }
0xa8: {  	_ =	swait.ge [sflag:s11], $0x4000  }
0xa9: {  	[sflag:s11] =	ssyncset.done $0x0  }
0xaa: {  	[sflag:s11] =	ssyncadd.s32 $0xFFFFC000  }
0xab: {  	_ =	swait.ge [sflag:s19], $0x4000  }
0xac: {  	[sflag:s19] =	ssyncset.done $0x0  }
0xad: {  	[sflag:s19] =	ssyncadd.s32 $0xFFFFC000  }
0xae: {  	v0 =	vld @!p1 [tilespmem:s23+$0x100];
	_ =	sdelay $0x4  }
0xaf: {  	v1 =	vand.u32 @!p1 $0x3FFF, v0;
	v0 =	vshra.s32 @!p1 v0, $0xE  }
0xb0: {  	[tilespmem:$0x2800] =	vst @!p1 v1  }
0xb1: {  	[tilespmem:$0x2900] =	vst @!p1 v0  }
0xb2: {  	v0 =	vld @!p1 [tilespmem:s23+$0x110];
	_ =	sdelay $0x4  }
0xb3: {  	v1 =	vand.u32 @!p1 $0x3FFF, v0;
	v0 =	vshra.s32 @!p1 v0, $0xE  }
0xb4: {  	[tilespmem:$0x2810] =	vst @!p1 v1  }
0xb5: {  	[tilespmem:$0x2910] =	vst @!p1 v0  }
0xb6: {  	v0 =	vld @!p1 [tilespmem:s23+$0x120];
	_ =	sdelay $0x4  }
0xb7: {  	v1 =	vand.u32 @!p1 $0x3FFF, v0;
	v0 =	vshra.s32 @!p1 v0, $0xE  }
0xb8: {  	[tilespmem:$0x2820] =	vst @!p1 v1  }
0xb9: {  	[tilespmem:$0x2920] =	vst @!p1 v0  }
0xba: {  	v0 =	vld @!p1 [tilespmem:s23+$0x130];
	_ =	sdelay $0x4  }
0xbb: {  	v1 =	vand.u32 @!p1 $0x3FFF, v0;
	v0 =	vshra.s32 @!p1 v0, $0xE  }
0xbc: {  	[tilespmem:$0x2830] =	vst @!p1 v1  }
0xbd: {  	[tilespmem:$0x2930] =	vst @!p1 v0  }
0xbe: {  	v0 =	vld @!p1 [tilespmem:s23+$0x140];
	_ =	sdelay $0x4  }
0xbf: {  	v1 =	vand.u32 @!p1 $0x3FFF, v0;
	v0 =	vshra.s32 @!p1 v0, $0xE  }
0xc0: {  	[tilespmem:$0x2840] =	vst @!p1 v1  }
0xc1: {  	[tilespmem:$0x2940] =	vst @!p1 v0  }
0xc2: {  	v0 =	vld @!p1 [tilespmem:s23+$0x150];
	_ =	sdelay $0x3  }
.Ltmp0:
0xc3: {  	(pc) =	sbr.rel @p0 .LBB2_2-.Ltmp0, $4  }
0xc4: {  	v1 =	vand.u32 @!p1 $0x3FFF, v0;
	v0 =	vshra.s32 @!p1 v0, $0xE  }
0xc5: {  	[tilespmem:$0x2850] =	vst @!p1 v1  }
0xc6: {  	s25 =	simm.s32 @!p1 $0x80;
	s26 =	simm.s32 @!p1 $0x2800;
	s28 =	simm.s32 @!p1 $0x2A00;
	[tilespmem:$0x2950] =	vst @!p1 v0  }
0xc7: {  	v0 =	vld @!p1 [tilespmem:s23+$0x160]  }
0xc8: {  	_ =	sdelay $0x3  }
0xc9: {  	v1 =	vand.u32 @!p1 $0x3FFF, v0  }
0xca: {  	v0 =	vshra.s32 @!p1 v0, $0xE;
	[tilespmem:$0x2860] =	vst @!p1 v1  }
0xcb: {  	[tilespmem:$0x2960] =	vst @!p1 v0  }
0xcc: {  	v0 =	vld @!p1 [tilespmem:s23+$0x170];
	_ =	sdelay $0x4  }
0xcd: {  	v1 =	vand.u32 @!p1 $0x3FFF, v0  }
0xce: {  	v0 =	vshra.s32 @!p1 v0, $0xE;
	[tilespmem:$0x2870] =	vst @!p1 v1  }
0xcf: {  	[tilespmem:$0x2970] =	vst @!p1 v0  }
0xd0: {  	[tilespmem:s28], [sflag:$0x1] =	stream.indirect.gather @!p1 [hbm4b:s4+s25], $0x80, s26, s25, $0xb8;
	[tilespmem:$0x1EA00] =	vst v63  }
0xd1: {  	_ = 	snop  }
0xd2: {  	[spmem:s2] =	stream.indirect.scatter.add.f32 [tilespmem:s17], [sflag:$0x3], $0x80, s20, s12, $0xb8;
	[tilespmem:$0x1EA00] =	vst v63  }
0xd3: {  	_ =	swait.ge [sflag:s11], $0x4000  }
0xd4: {  	s21 =	sadd.s32 $0x1, s21;
	[sflag:s11] =	ssyncset.done $0x0  }
0xd5: {  	p0 =	sne.s32 s21, s9;
	[sflag:s11] =	ssyncadd.s32 $0xFFFFC000  }
.Ltmp1:
0xd6: {  	[bflag:$0x0] =	sbarrier.arrive $0xFFFF;
	(pc) =	sbr.rel @p0 .LBB2_1-.Ltmp1, $4  }
0xd7: {  	[hbm:s8], [sflag:s6] =	dma.local [spmem:s10], $0x2800  }
0xd8: {  	_ =	swait.ge [sflag:s11], $0x2800  }
0xd9: {  	[sflag:s11] =	ssyncset.done $0x0  }
0xda: {  	[sflag:s11] =	ssyncadd.s32 $0xFFFFD800  }
0xdb: {  	_ =	sfence.sel $0x180000  }
0xdc: {  	[bflag:$0x0] =	sbarrier.arrive $0xFFFF  }
0xdd: {  	p0 =	sne.s32 s0, $0x0;
	_ =	strace $0x9000004A  }
0xde: {  	s0 =	sadd.s32 @!p0 $0x100000, s1;
	[bflag:$0x2] =	sbarrier.arrive $0xFFFF  }
0xdf: {  	[sflag:s0] =	ssyncadd.tile.s32 @!p0 $0x1;
	_ =	shalt  }
.Lfunc_end2:
_tile_overlayer_lowered:
.L_overlay_start_2:
0xe0: {  	(tag) =	ssettag $0x2  }
0xe1: {  	s0 =	rddreg [dreg:$0x0];
	s2 =	stileid.u32  }
0xe2: {  	s1 =	rddreg [dreg:$0x1];
	p0 =	sne.s32 s2, $0x0  }
0xe3: {  	s3 =	rddreg [dreg:$0x2];
	[bflag:$0x3] =	sbarrier.arrive $0xFFFF;
	s2 =	simm.s32 @!p0 $0x1C03  }
0xe4: {  	[timem:s3], [sflag:s2] =	dma.local @!p0 [hbm:s0], s1  }
0xe5: {  	s0 =	simm.s32 @!p0 $0x3  }
0xe6: {  	_ =	swait.ge @!p0 [sflag:s0], s1  }
0xe7: {  	s1 =	ssub.s32 @!p0 $0x0, s1;
	[sflag:s0] =	ssyncset.done @!p0 $0x0  }
0xe8: {  	[sflag:s0] =	ssyncadd.s32 @!p0 s1  }
0xe9: {  	[bflag:$0x3] =	sbarrier.arrive $0xFFFF  }
0xea: {  	_ =	shalt  }

// kernel: kernel.9.cloned.1.call-start
scs
__scs_entry_jumppad:
0x0: {  	(pc) =	sbr.rel $0x88, $3  }
0x1: {  	(tag) =	ssettag $0x0;
	lr =	simm.s32 $0x1  }
0x2: {  	[smem:$0x3F93] =	sst lr;
	_ =	strace $0xD0000000  }
0x3: {  	_ = 	snop  }
0x4: {  	_ = 	snop  }
0x5: {  	_ = 	snop  }
0x6: {  	_ = 	snop  }
0x7: {  	_ = 	snop  }
__scs_overlays_trampoline_lowered:
0x8: {  	[smem:$0x3FA2] =	sst s0  }
0x9: {  	[smem:$0x3FA3] =	sst s1  }
0xa: {  	[smem:$0x3FA4] =	sst s2  }
0xb: {  	[smem:$0x3FA5] =	sst s3  }
0xc: {  	[smem:$0x3FA6] =	sst s4  }
0xd: {  	[smem:$0x3FA7] =	sst s5  }
0xe: {  	[smem:$0x3FA8] =	sst s6  }
0xf: {  	[smem:$0x3FA9] =	sst s7  }
0x10: {  	[smem:$0x3FAA] =	sst s8  }
0x11: {  	[smem:$0x3FAB] =	sst s9;
	s0 =	simm.s32 @!p0 $0x0  }
0x12: {  	s1 =	sld [smem:$0x3F91];
	s0 =	simm.s32 @p0 $0x1  }
0x13: {  	[smem:$0x3FAC] =	sst s0;
	s0 =	simm.s32 @!p1 $0x0  }
0x14: {  	s2 =	sld [smem:$0x3F90];
	s0 =	simm.s32 @p1 $0x1  }
0x15: {  	[smem:$0x3FAD] =	sst s0;
	s0 =	simm.s32 @!p2 $0x0  }
0x16: {  	s3 =	sld [smem:$0x3FDB];
	s0 =	simm.s32 @p2 $0x1  }
0x17: {  	s4 =	simm.s32 $0x1BF5;
	[smem:$0x3FAF] =	sst s0  }
0x18: {  	s0 =	sld [smem:$0x3F92];
	_ =	swait.ge [sflag:s4], $0x0  }
0x19: {  	s7 =	sld [smem:$0x3F93]  }
0x1a: {  	s8 =	sadd.s32 $0xFFFFE003, lr  }
0x1b: {  	s9 =	sadd.s32 $0xFFFFFEF7, lr;
	s5 =	simm.s32 $0xFFFFFFFF;
	p2 =	slt.u32 s8, $0xFFFFF086  }
0x1c: {  	p1 =	slt.u32 s9, $0xF7A;
	s5 =	simm.s32 @!p2 $0x0  }
0x1d: {  	s5 =	simm.s32 @p1 $0x1;
	p0 =	seq.s32 s7, s2  }
0x1e: {  	s7 =	smul.u32 @!p0 $0xF7A, s2;
	p2 =	seq.s32 @!p0 s5, $0x0  }
0x1f: {  	s9 =	smul.u32 $0xF7A, s1;
	s8 =	simm.s32 @!p0 $0x1BF5;
	p2 =	por !p2, p0  }
0x20: {  	[sflag:s8] =	ssyncset.s32 @!p0 $0xFFFFF086;
	s6 =	sadd.s32 @!p0 s3, s7;
	s7 =	simm.s32 @!p0 $0x108  }
0x21: {  	s3 =	sadd.s32 s3, s9;
	s6 =	sadd.s32 @!p0 $0x88, s6;
	s7 =	simm.s32 @p2 $0x1082  }
0x22: {  	[simem:s7], [sflag:s8] =	dma.local @!p0 [hbm:s6], $0xF7A  }
0x23: {  	s9 =	sor.u32 $0xD0000000, s2;
	s6 =	simm.s32 $0x108;
	_ =	swait.ge @!p0 [sflag:s8], $0x0  }
0x24: {  	s3 =	sadd.s32 $0x88, s3;
	s6 =	simm.s32 @!p1 $0x1082;
	[sflag:s4] =	ssyncset.s32 $0xFFFFF086  }
0x25: {  	[simem:s6], [sflag:s4] =	dma.local [hbm:s3], $0xF7A  }
0x26: {  	[smem:$0x3F93] =	sst s1;
	(tag) =	ssettag s2;
	_ =	strace s9  }
0x27: {  	s1 =	sld [smem:$0x3FA3]  }
0x28: {  	s2 =	sld [smem:$0x3FA4]  }
0x29: {  	s4 =	sld [smem:$0x3FA6]  }
0x2a: {  	p0 =	seq.s32 s5, $0x0;
	s5 =	sld [smem:$0x3FA7]  }
0x2b: {  	s6 =	sld [smem:$0x3FA8]  }
0x2c: {  	s7 =	sld [smem:$0x3FA9]  }
0x2d: {  	s3 =	simm.s32 $0x108;
	s8 =	sld [smem:$0x3FAA]  }
0x2e: {  	s3 =	simm.s32 @!p0 $0x1082;
	s9 =	sld [smem:$0x3FAB]  }
0x2f: {  	lr =	sadd.s32 s0, s3;
	s0 =	sld [smem:$0x3FA2]  }
0x30: {  	s3 =	sld [smem:$0x3FA5]  }
0x31: {  	[smem:$0x3FAE] =	sst s10  }
0x32: {  	s10 =	sld [smem:$0x3FAC];
	_ =	sdelay $0x3  }
0x33: {  	p0 =	seq.s32 s10, $0x1;
	s10 =	sld [smem:$0x3FAE];
	_ =	sdelay $0x3  }
0x34: {  	[smem:$0x3FAE] =	sst s10  }
0x35: {  	s10 =	sld [smem:$0x3FAD];
	_ =	sdelay $0x3  }
0x36: {  	p1 =	seq.s32 s10, $0x1;
	s10 =	sld [smem:$0x3FAE];
	_ =	sdelay $0x3  }
0x37: {  	[smem:$0x3FAE] =	sst s10  }
0x38: {  	s10 =	sld [smem:$0x3FAF]  }
0x39: {  	_ = 	snop;
	(pc) =	sbr.ind lr, $3  }
0x3a: {  	_ = 	snop  }
0x3b: {  	_ = 	snop  }
0x3c: {  	p2 =	seq.s32 s10, $0x1;
	s10 =	sld [smem:$0x3FAE]  }
0x3d: {  	_ =	shalt  }
0x3e: {  	_ =	shalt  }
0x3f: {  	_ =	shalt  }
0x40: {  	_ =	shalt  }
0x41: {  	_ =	shalt  }
0x42: {  	_ =	shalt  }
0x43: {  	_ =	shalt  }
0x44: {  	_ =	shalt  }
0x45: {  	_ =	shalt  }
0x46: {  	_ =	shalt  }
0x47: {  	_ =	shalt  }
0x48: {  	_ =	shalt  }
0x49: {  	_ =	shalt  }
0x4a: {  	_ =	shalt  }
0x4b: {  	_ =	shalt  }
0x4c: {  	_ =	shalt  }
0x4d: {  	_ =	shalt  }
0x4e: {  	_ =	shalt  }
0x4f: {  	_ =	shalt  }
0x50: {  	_ =	shalt  }
0x51: {  	_ =	shalt  }
0x52: {  	_ =	shalt  }
0x53: {  	_ =	shalt  }
0x54: {  	_ =	shalt  }
0x55: {  	_ =	shalt  }
0x56: {  	_ =	shalt  }
0x57: {  	_ =	shalt  }
0x58: {  	_ =	shalt  }
0x59: {  	_ =	shalt  }
0x5a: {  	_ =	shalt  }
0x5b: {  	_ =	shalt  }
0x5c: {  	_ =	shalt  }
0x5d: {  	_ =	shalt  }
0x5e: {  	_ =	shalt  }
0x5f: {  	_ =	shalt  }
0x60: {  	_ =	shalt  }
0x61: {  	_ =	shalt  }
0x62: {  	_ =	shalt  }
0x63: {  	_ =	shalt  }
0x64: {  	_ =	shalt  }
0x65: {  	_ =	shalt  }
0x66: {  	_ =	shalt  }
0x67: {  	_ =	shalt  }
0x68: {  	_ =	shalt  }
0x69: {  	_ =	shalt  }
0x6a: {  	_ =	shalt  }
0x6b: {  	_ =	shalt  }
0x6c: {  	_ =	shalt  }
0x6d: {  	_ =	shalt  }
0x6e: {  	_ =	shalt  }
0x6f: {  	_ =	shalt  }
0x70: {  	_ =	shalt  }
0x71: {  	_ =	shalt  }
0x72: {  	_ =	shalt  }
0x73: {  	_ =	shalt  }
0x74: {  	_ =	shalt  }
0x75: {  	_ =	shalt  }
0x76: {  	_ =	shalt  }
0x77: {  	_ =	shalt  }
0x78: {  	_ =	shalt  }
0x79: {  	_ =	shalt  }
0x7a: {  	_ =	shalt  }
0x7b: {  	_ =	shalt  }
0x7c: {  	_ =	shalt  }
0x7d: {  	_ =	shalt  }
0x7e: {  	_ =	shalt  }
0x7f: {  	_ =	shalt  }
0x80: {  	_ =	shalt  }
0x81: {  	_ =	shalt  }
0x82: {  	_ =	shalt  }
0x83: {  	_ =	shalt  }
0x84: {  	_ =	shalt  }
0x85: {  	_ =	shalt  }
0x86: {  	_ =	shalt  }
0x87: {  	_ =	shalt  }
.Lfunc_end0:
.L_simem_size_0:
called_computation_lowered:
.L_overlay_start_0:
0x88: {  	s2 =	sld [smem:$0x3FD9]  }
0x89: {  	s3 =	sld [smem:$0x3FFE];
	_ =	sdelay $0x1  }
0x8a: {  	s1 =	srdreg.scid  }
0x8b: {  	s0 =	sand.u32 $0x1, s1  }
0x8c: {  	s17 =	sshll.u32 s0, $0xA;
	s2 =	sadd.s32 s3, s2  }
0x8d: {  	s2 =	sadd.s32 s2, s17  }
0x8e: {  	[smem:$0x3FBA] =	sst s2  }
0x8f: {  	_ = 	snop  }
0x90: {  	s2 =	sld [smem:$0x3FD0];
	(tm) =	ssettm $0x1  }
0x91: {  	s18 =	sld [smem:$0x3FFB];
	_ =	sdelay $0x3  }
0x92: {  	_ =	strace s18  }
0x93: {  	s3 =	sld [smem:$0x3FFC];
	_ =	sdelay $0x3  }
0x94: {  	_ =	strace s3  }
0x95: {  	s3 =	sld [smem:$0x3FFD];
	_ =	sdelay $0x3  }
0x96: {  	_ =	strace s3  }
0x97: {  	_ =	strace $0x8FFFFFFF  }
0x98: {  	s19 =	sld [smem:$0x3FDB];
	_ =	sdelay $0x1  }
0x99: {  	s4 =	simm.s32 $_scs_section_size  }
0x9a: {  	s5 =	simm.s32 $_size__tile_overlayer_lowered;
	s6 =	simm.s32 $_tile_overlayer_lowered  }
0x9b: {  	s22 =	simm.s32 $0x1BFF;
	s21 =	sshll.u32 s6, $0x1;
	s3 =	sadd.s32 s4, s19  }
0x9c: {  	s7 =	simm.s32 $0x0;
	s20 =	sshll.u32 s5, $0x1;
	s5 =	sadd.s32 s21, s3  }
0x9d: {  	[timem:s7], [sflag:s22] =	dma.local [hbm:s5], s20  }
0x9e: {  	_ =	swait.ge [sflag:s22], s20  }
0x9f: {  	s4 =	ssub.s32 $0x0, s20;
	[sflag:s22] =	ssyncset.done $0x0  }
0xa0: {  	[sflag:s22] =	ssyncadd.s32 s4;
	_ =	sdelay $0x1  }
0xa1: {  	s23 =	simm.s32 $0x1B8B  }
0xa2: {  	_ =	swait.ge [sflag:s23], $0x1  }
0xa3: {  	[sflag:s23] =	ssyncset.done $0x0  }
0xa4: {  	s25 =	simm.s32 $0x1B8E;
	s24 =	sld [smem:$0x3FFE];
	[sflag:s23] =	ssyncadd.s32 $0xFFFFFFFF  }
0xa5: {  	s26 =	simm.s32 $execute0_lowered;
	[smem:$0x3FD2] =	sst s25  }
0xa6: {  	s5 =	sshll.u32 s26, $0x1;
	_ =	strace $0x80000046;
	[dreg:$0x1] =	wrdreg $0xFFFFFFFF  }
0xa7: {  	s28 =	simm.s32 $_size_execute0_lowered;
	s3 =	sadd.s32 s3, s5;
	[dreg:$0x0] =	wrdreg $0x0  }
0xa8: {  	s5 =	sshll.u32 s28, $0x1;
	[dreg:$0x2] =	wrdreg s3  }
0xa9: {  	[dreg:$0x3] =	wrdreg s5  }
0xaa: {  	[dreg:$0x4] =	wrdreg $0xC0  }
0xab: {  	_ =	task [dreg:s7], $0x5FFFF  }
0xac: {  	[dreg:$0x1] =	wrdreg $0xFFFFFFFF  }
0xad: {  	[dreg:$0x0] =	wrdreg $0x60  }
0xae: {  	[dreg:$0x2] =	wrdreg s24  }
0xaf: {  	[dreg:$0x3] =	wrdreg s2  }
0xb0: {  	[dreg:$0x4] =	wrdreg $0xAA000  }
0xb1: {  	[dreg:$0x5] =	wrdreg $0x9  }
0xb2: {  	_ =	task.clear_ibuf [dreg:s7], $0x6FFFF;
	_ =	strace $0x90000046  }
0xb3: {  	s29 =	simm.s32 $0x9;
	_ =	strace $0x80000048  }
0xb4: {  	_ =	swait.ge [sflag:s29], $0x1  }
0xb5: {  	[sflag:s29] =	ssyncadd.s32 $0xFFFFFFFF  }
0xb6: {  	_ =	strace $0x90000048  }
0xb7: {  	_ =	sfence  }
0xb8: {  	s30 =	sld [smem:$0x0];
	_ =	sdelay $0x2  }
0xb9: {  	s31 =	sshll.u32 s1, $0xD;
	s1 =	sshrl.u32 s1, $0x2  }
0xba: {  	s3 =	sand.u32 $0x4000, s31;
	s1 =	sadd.s32 s1, s30  }
0xbb: {  	s0 =	sor.u32 s3, s0;
	s1 =	sshll.u32 s1, $0x11  }
0xbc: {  	s0 =	sor.u32 s1, s0  }
0xbd: {  	s0 =	sadd.s32 $0x8F2B, s0  }
0xbe: {  	[sflag:s0] =	ssyncadd.remote.s32 $0x1  }
0xbf: {  	_ =	sfence.sel $0xFFFF  }
0xc0: {  	[dreg:$0x0] =	wrdreg $0xFFFFFFFF;
	(pc) =	sbr.abs _section_cstart, $3  }
0xc1: {  	[dreg:$0x1] =	wrdreg $0xFFFFFFFF  }
0xc2: {  	_ =	task.clear_ibuf [dreg:s7], $0x2FFFF;
	_ =	strace $0x9FFFFFFF  }
0xc3: {  	(tm) =	ssettm $0x7FFFFFFF  }
tec
execute0_lowered:
.L_overlay_start_1:
0x0: {  	(tag) =	ssettag $0x1  }
0x1: {  	s5 =	rddreg [dreg:$0x0]  }
0x2: {  	s7 =	rddreg [dreg:$0x1]  }
0x3: {  	s2 =	rddreg [dreg:$0x2]  }
0x4: {  	s0 =	rddreg [dreg:$0x3];
	s1 =	stileid.u32  }
0x5: {  	s4 =	srdreg.scid;
	s3 =	simm.s32 $0x0;
	s14 =	simm.s32 $0x2800  }
0x6: {  	s15 =	simm.s32 $0x2A00;
	s16 =	simm.s32 $0x1;
	s17 =	simm.s32 $0x2880  }
0x7: {  	s18 =	simm.s32 $0x6A00;
	s19 =	simm.s32 $0x2900;
	s20 =	simm.s32 $0x2  }
0x8: {  	s21 =	simm.s32 $0x2980;
	s22 =	simm.s32 $0x0;
	s6 =	smul.u32 $0x14000, s1  }
0x9: {  	s8 =	sand.u32 $0x1, s4;
	[smem:$0x7FF] =	sst s3;
	s11 =	smul.u32 $0x50000, s1  }
0xa: {  	s4 =	sadd.s32 $0xDA00, s5;
	s30 =	sshll.u32 s1, $0x6;
	s9 =	smul.u32 $0x140000, s8  }
0xb: {  	_ =	strace $0x80000047;
	s28 =	sshll.u32 s8, $0x4;
	s8 =	ssub.s32 $0x2, s8  }
0xc: {  	s10 =	sshrl.u32 s6, $0x3;
	s12 =	sshrl.u32 s8, $0x1;
	s29 =	sshrl.u32 s11, $0x2  }
0xd: {  	s10 =	sadd.s32 s10, s5;
	s6 =	sadd.s32 s6, s9;
	s9 =	sor.u32 s1, s28  }
0xe: {  	s11 =	sadd.s32 s29, s2;
	s6 =	sshrl.u32 s6, $0x3;
	s9 =	smul.u32 $0x5000, s9  }
0xf: {  	s12 =	ssub.s32 s8, s12;
	s11 =	sshrl.u32 s11, $0x3;
	s13 =	sadd.s32 s6, s5  }
0x10: {  	s5 =	sadd.s32 $0x38C00, s10;
	s6 =	sor.u32 $0x1C03, s30;
	s31 =	sshrl.u32 s9, $0x3  }
0x11: {  	s10 =	smax.u32 s12, $0x1;
	s12 =	simm.s32 $0x3;
	s7 =	sadd.s32 s7, s31  }
0x12: {  	s9 =	sadd.s32 $0x60C00, s13;
	s13 =	simm.s32 $0x80;
	s8 =	sadd.s32 $0x500, s7  }
.LBB2_1:
0x13: {  	[spmem:s11], [sflag:s6] =	dma.local [hbm:s5], $0x2800  }
0x14: {  	_ =	swait.ge [sflag:s12], $0x2800  }
0x15: {  	[sflag:s12] =	ssyncset.done $0x0  }
0x16: {  	[sflag:s12] =	ssyncadd.s32 $0xFFFFD800  }
0x17: {  	[tilespmem:s3], [sflag:$0x3] =	stream.linear.gather [hbm4b:s7+s3], $0x2800, $0x38;
	[tilespmem:$0x1EA00] =	vst v63  }
0x18: {  	_ =	swait.ge [sflag:s12], $0x2800  }
0x19: {  	[sflag:s12] =	ssyncset.done $0x0  }
0x1a: {  	[sflag:s12] =	ssyncadd.s32 $0xFFFFD800  }
0x1b: {  	[bflag:$0x0] =	sbarrier.arrive $0xFFFF  }
0x1c: {  	v0 =	vld [tilespmem:$0x0];
	_ =	sdelay $0x1  }
0x1d: {  	v1 =	vld [tilespmem:$0x10];
	_ =	sdelay $0x1  }
0x1e: {  	v2 =	vld [tilespmem:$0x20]  }
0x1f: {  	v3 =	vand.u32 $0x3FFF, v0  }
0x20: {  	v0 =	vshra.s32 v0, $0xE;
	[tilespmem:$0x2800] =	vst v3;
	v3 =	vld [tilespmem:$0x30]  }
0x21: {  	[tilespmem:$0x2900] =	vst v0;
	v0 =	vand.u32 $0x3FFF, v1  }
0x22: {  	[tilespmem:$0x2810] =	vst v0;
	v0 =	vshra.s32 v1, $0xE;
	v1 =	vld [tilespmem:$0x40]  }
0x23: {  	[tilespmem:$0x2910] =	vst v0;
	v0 =	vand.u32 $0x3FFF, v2  }
0x24: {  	[tilespmem:$0x2820] =	vst v0;
	v0 =	vshra.s32 v2, $0xE;
	v2 =	vld [tilespmem:$0x50]  }
0x25: {  	[tilespmem:$0x2920] =	vst v0;
	v0 =	vand.u32 $0x3FFF, v3  }
0x26: {  	[tilespmem:$0x2830] =	vst v0;
	v0 =	vshra.s32 v3, $0xE;
	v3 =	vld [tilespmem:$0x60]  }
0x27: {  	[tilespmem:$0x2930] =	vst v0;
	v0 =	vand.u32 $0x3FFF, v1  }
0x28: {  	[tilespmem:$0x2840] =	vst v0;
	v0 =	vshra.s32 v1, $0xE;
	v1 =	vld [tilespmem:$0x70]  }
0x29: {  	[tilespmem:$0x2940] =	vst v0;
	v0 =	vand.u32 $0x3FFF, v2  }
0x2a: {  	[tilespmem:$0x2850] =	vst v0;
	v0 =	vshra.s32 v2, $0xE  }
0x2b: {  	[tilespmem:$0x2950] =	vst v0;
	v0 =	vand.u32 $0x3FFF, v3  }
0x2c: {  	[tilespmem:$0x2860] =	vst v0;
	v0 =	vshra.s32 v3, $0xE  }
0x2d: {  	p0 =	por $0x0, $0x0;
	s23 =	simm.s32 $0x7FFFB0;
	[tilespmem:$0x2960] =	vst v0;
	v0 =	vand.u32 $0x3FFF, v1  }
0x2e: {  	s23 =	simm.s32 @!p0 $0x0;
	[tilespmem:$0x2870] =	vst v0;
	v0 =	vshra.s32 v1, $0xE  }
0x2f: {  	s23 =	sadd.s32 $0x2, s23;
	[tilespmem:$0x2970] =	vst v0  }
0x30: {  	[tilespmem:s15], [sflag:$0x1] =	stream.indirect.gather [hbm4b:s4+s13], $0x80, s14, s13, $0xb8;
	[tilespmem:$0x1EA00] =	vst v63  }
0x31: {  	s23 =	sshll.u32 s23, $0x9;
	_ =	swait.ge [sflag:s16], $0x4000  }
0x32: {  	s23 =	sadd.s32 $0xFFFFFE00, s23;
	[sflag:s16] =	ssyncset.done $0x0  }
0x33: {  	s23 =	sshra.s32 s23, $0x2;
	[sflag:s16] =	ssyncadd.s32 $0xFFFFC000  }
0x34: {  	v0 =	vld [tilespmem:s23+$0x0];
	_ =	sdelay $0x4  }
0x35: {  	v1 =	vand.u32 $0x3FFF, v0  }
0x36: {  	v0 =	vshra.s32 v0, $0xE;
	[tilespmem:$0x2880] =	vst v1  }
0x37: {  	[tilespmem:$0x2980] =	vst v0  }
0x38: {  	v0 =	vld [tilespmem:s23+$0x10];
	_ =	sdelay $0x4  }
0x39: {  	v1 =	vand.u32 $0x3FFF, v0  }
0x3a: {  	v0 =	vshra.s32 v0, $0xE;
	[tilespmem:$0x2890] =	vst v1  }
0x3b: {  	[tilespmem:$0x2990] =	vst v0  }
0x3c: {  	v0 =	vld [tilespmem:s23+$0x20];
	_ =	sdelay $0x4  }
0x3d: {  	v1 =	vand.u32 $0x3FFF, v0  }
0x3e: {  	v0 =	vshra.s32 v0, $0xE;
	[tilespmem:$0x28A0] =	vst v1  }
0x3f: {  	[tilespmem:$0x29A0] =	vst v0  }
0x40: {  	v0 =	vld [tilespmem:s23+$0x30];
	_ =	sdelay $0x4  }
0x41: {  	v1 =	vand.u32 $0x3FFF, v0  }
0x42: {  	v0 =	vshra.s32 v0, $0xE;
	[tilespmem:$0x28B0] =	vst v1  }
0x43: {  	[tilespmem:$0x29B0] =	vst v0  }
0x44: {  	v0 =	vld [tilespmem:s23+$0x40];
	_ =	sdelay $0x4  }
0x45: {  	v1 =	vand.u32 $0x3FFF, v0  }
0x46: {  	v0 =	vshra.s32 v0, $0xE;
	[tilespmem:$0x28C0] =	vst v1  }
0x47: {  	[tilespmem:$0x29C0] =	vst v0  }
0x48: {  	v0 =	vld [tilespmem:s23+$0x50];
	_ =	sdelay $0x4  }
0x49: {  	v1 =	vand.u32 $0x3FFF, v0  }
0x4a: {  	v0 =	vshra.s32 v0, $0xE;
	[tilespmem:$0x28D0] =	vst v1  }
0x4b: {  	[tilespmem:$0x29D0] =	vst v0  }
0x4c: {  	v0 =	vld [tilespmem:s23+$0x60];
	_ =	sdelay $0x4  }
0x4d: {  	v1 =	vand.u32 $0x3FFF, v0  }
0x4e: {  	v0 =	vshra.s32 v0, $0xE;
	[tilespmem:$0x28E0] =	vst v1  }
0x4f: {  	[tilespmem:$0x29E0] =	vst v0  }
0x50: {  	v0 =	vld [tilespmem:s23+$0x70];
	_ =	sdelay $0x4  }
0x51: {  	v1 =	vand.u32 $0x3FFF, v0  }
0x52: {  	v0 =	vshra.s32 v0, $0xE;
	[tilespmem:$0x28F0] =	vst v1  }
0x53: {  	[tilespmem:$0x29F0] =	vst v0  }
0x54: {  	[tilespmem:s18], [sflag:$0x2] =	stream.indirect.gather [hbm4b:s4+s13], $0x80, s17, s13, $0xb8;
	[tilespmem:$0x1EA00] =	vst v63  }
0x55: {  	_ = 	snop  }
0x56: {  	[spmem:s2] =	stream.indirect.scatter.add.f32 [tilespmem:s15], [sflag:$0x3], $0x80, s19, s13, $0xb8;
	[tilespmem:$0x1EA00] =	vst v63  }
0x57: {  	p1 =	por $0x0, $0x0;
	_ =	swait.ge [sflag:s12], $0x4000  }
0x58: {  	p2 =	por @!p1 $0x1, $0x1;
	p0 =	por @!p1 $0x1, $0x1;
	[sflag:s12] =	ssyncset.done $0x0  }
0x59: {  	p3 =	por !p0, p1;
	p0 =	por p1, p1;
	[sflag:s12] =	ssyncadd.s32 $0xFFFFC000  }
0x5a: {  	p2 =	por p2, p0;
	_ =	swait.ge [sflag:s20], $0x4000  }
0x5b: {  	s24 =	simm.s32 @!p2 $0x3;
	s23 =	simm.s32 @!p1 $0x0;
	[sflag:s20] =	ssyncset.done $0x0  }
0x5c: {  	s25 =	simm.s32 @!p2 $0x0;
	s23 =	simm.s32 @p3 $0x7FFFB0;
	[sflag:s20] =	ssyncadd.s32 $0xFFFFC000  }
0x5d: {  	[tilespmem:s25], [sflag:$0x3] =	stream.linear.gather @!p2 [hbm4b:s8+s25], $0x2800, $0x38;
	[tilespmem:$0x1EA00] =	vst v63  }
0x5e: {  	s23 =	sadd.s32 @!p1 $0x2, s23;
	_ =	swait.ge @!p2 [sflag:s24], $0x2800  }
0x5f: {  	s23 =	sshll.u32 @!p1 s23, $0x9;
	[sflag:s24] =	ssyncset.done @!p2 $0x0  }
0x60: {  	s25 =	sshra.s32 @!p0 s23, $0x2;
	[sflag:s24] =	ssyncadd.s32 @!p2 $0xFFFFD800  }
0x61: {  	v0 =	vld @!p0 [tilespmem:s25+$0x0];
	_ =	sdelay $0x4  }
0x62: {  	v1 =	vand.u32 @!p0 $0x3FFF, v0  }
0x63: {  	v0 =	vshra.s32 @!p0 v0, $0xE;
	[tilespmem:$0x2800] =	vst @!p0 v1  }
0x64: {  	[tilespmem:$0x2900] =	vst @!p0 v0  }
0x65: {  	v0 =	vld @!p0 [tilespmem:s25+$0x10];
	_ =	sdelay $0x4  }
0x66: {  	v1 =	vand.u32 @!p0 $0x3FFF, v0  }
0x67: {  	v0 =	vshra.s32 @!p0 v0, $0xE;
	[tilespmem:$0x2810] =	vst @!p0 v1  }
0x68: {  	[tilespmem:$0x2910] =	vst @!p0 v0  }
0x69: {  	v0 =	vld @!p0 [tilespmem:s25+$0x20];
	_ =	sdelay $0x4  }
0x6a: {  	v1 =	vand.u32 @!p0 $0x3FFF, v0  }
0x6b: {  	v0 =	vshra.s32 @!p0 v0, $0xE;
	[tilespmem:$0x2820] =	vst @!p0 v1  }
0x6c: {  	[tilespmem:$0x2920] =	vst @!p0 v0  }
0x6d: {  	v0 =	vld @!p0 [tilespmem:s25+$0x30];
	_ =	sdelay $0x4  }
0x6e: {  	v1 =	vand.u32 @!p0 $0x3FFF, v0  }
0x6f: {  	v0 =	vshra.s32 @!p0 v0, $0xE;
	[tilespmem:$0x2830] =	vst @!p0 v1  }
0x70: {  	[tilespmem:$0x2930] =	vst @!p0 v0  }
0x71: {  	v0 =	vld @!p0 [tilespmem:s25+$0x40];
	_ =	sdelay $0x4  }
0x72: {  	v1 =	vand.u32 @!p0 $0x3FFF, v0  }
0x73: {  	v0 =	vshra.s32 @!p0 v0, $0xE;
	[tilespmem:$0x2840] =	vst @!p0 v1  }
0x74: {  	[tilespmem:$0x2940] =	vst @!p0 v0  }
0x75: {  	v0 =	vld @!p0 [tilespmem:s25+$0x50];
	_ =	sdelay $0x4  }
0x76: {  	v1 =	vand.u32 @!p0 $0x3FFF, v0  }
0x77: {  	v0 =	vshra.s32 @!p0 v0, $0xE;
	[tilespmem:$0x2850] =	vst @!p0 v1  }
0x78: {  	s26 =	simm.s32 @!p0 $0x80;
	s28 =	simm.s32 @!p0 $0x2800;
	[tilespmem:$0x2950] =	vst @!p0 v0  }
0x79: {  	s29 =	simm.s32 @!p0 $0x2A00;
	s23 =	simm.s32 $0x4;
	s24 =	simm.s32 $0x0;
	v0 =	vld @!p0 [tilespmem:s25+$0x60]  }
.LBB2_2:
0x7a: {  	_ =	sdelay $0x2  }
0x7b: {  	s30 =	sadd.s32 $0xFFFFFFFF, s23  }
0x7c: {  	s24 =	sadd.s32 $0x1, s24;
	s31 =	smov.u32 s23;
	s23 =	sadd.s32 $0x2, s23;
	v1 =	vand.u32 @!p0 $0x3FFF, v0;
	v0 =	vshra.s32 @!p0 v0, $0xE  }
0x7d: {  	p3 =	seq.s32 s30, $0x9F;
	p1 =	sne.s32 s23, $0xA2;
	[tilespmem:$0x2860] =	vst @!p0 v1  }
0x7e: {  	p2 =	sne.s32 @!p3 s30, $0x4F;
	p4 =	slt.u32 @!p3 s24, $0x27;
	[tilespmem:$0x2960] =	vst @!p0 v0  }
0x7f: {  	s30 =	simm.s32 @!p3 $0x0;
	p4 =	por !p4, p3;
	v0 =	vld @!p0 [tilespmem:s25+$0x70]  }
0x80: {  	s30 =	simm.s32 @p4 $0x7FFFB0  }
0x81: {  	s25 =	sadd.s32 @!p3 s31, s30  }
0x82: {  	s25 =	sshll.u32 @!p3 s25, $0x9;
	_ =	sdelay $0x1  }
0x83: {  	v1 =	vand.u32 @!p0 $0x3FFF, v0;
	v0 =	vshra.s32 @!p0 v0, $0xE  }
0x84: {  	[tilespmem:$0x2870] =	vst @!p0 v1  }
0x85: {  	[tilespmem:$0x2970] =	vst @!p0 v0  }
0x86: {  	[tilespmem:s29], [sflag:$0x1] =	stream.indirect.gather @!p0 [hbm4b:s4+s26], $0x80, s28, s26, $0xb8;
	[tilespmem:$0x1EA00] =	vst v63  }
0x87: {  	p0 =	por p3, p3  }
0x88: {  	[spmem:s2] =	stream.indirect.scatter.add.f32 [tilespmem:s18], [sflag:$0x3], $0x80, s21, s13, $0xb8;
	[tilespmem:$0x1EA00] =	vst v63  }
0x89: {  	p3 =	sgt.u32 s24, $0x27;
	s26 =	simm.s32 $0x7FFFB0;
	_ =	swait.ge [sflag:s12], $0x4000  }
0x8a: {  	s26 =	simm.s32 @!p3 $0x0;
	[sflag:s12] =	ssyncset.done $0x0  }
0x8b: {  	s26 =	sadd.s32 s31, s26;
	[sflag:s12] =	ssyncadd.s32 $0xFFFFC000  }
0x8c: {  	s26 =	sshll.u32 s26, $0x9;
	_ =	swait.ge [sflag:s16], $0x4000  }
0x8d: {  	s26 =	sadd.s32 $0xFFFFFE00, s26;
	[sflag:s16] =	ssyncset.done $0x0  }
0x8e: {  	s26 =	sshra.s32 s26, $0x2;
	[sflag:s16] =	ssyncadd.s32 $0xFFFFC000  }
0x8f: {  	v0 =	vld [tilespmem:s26+$0x0];
	_ =	sdelay $0x4  }
0x90: {  	v1 =	vand.u32 $0x3FFF, v0;
	v0 =	vshra.s32 v0, $0xE  }
0x91: {  	[tilespmem:$0x2880] =	vst v1  }
0x92: {  	[tilespmem:$0x2980] =	vst v0  }
0x93: {  	v0 =	vld [tilespmem:s26+$0x10];
	_ =	sdelay $0x4  }
0x94: {  	v1 =	vand.u32 $0x3FFF, v0;
	v0 =	vshra.s32 v0, $0xE  }
0x95: {  	[tilespmem:$0x2890] =	vst v1  }
0x96: {  	[tilespmem:$0x2990] =	vst v0  }
0x97: {  	v0 =	vld [tilespmem:s26+$0x20];
	_ =	sdelay $0x4  }
0x98: {  	v1 =	vand.u32 $0x3FFF, v0;
	v0 =	vshra.s32 v0, $0xE  }
0x99: {  	[tilespmem:$0x28A0] =	vst v1  }
0x9a: {  	[tilespmem:$0x29A0] =	vst v0  }
0x9b: {  	v0 =	vld [tilespmem:s26+$0x30];
	_ =	sdelay $0x4  }
0x9c: {  	v1 =	vand.u32 $0x3FFF, v0;
	v0 =	vshra.s32 v0, $0xE  }
0x9d: {  	[tilespmem:$0x28B0] =	vst v1  }
0x9e: {  	[tilespmem:$0x29B0] =	vst v0  }
0x9f: {  	v0 =	vld [tilespmem:s26+$0x40];
	_ =	sdelay $0x4  }
0xa0: {  	v1 =	vand.u32 $0x3FFF, v0;
	v0 =	vshra.s32 v0, $0xE  }
0xa1: {  	[tilespmem:$0x28C0] =	vst v1  }
0xa2: {  	[tilespmem:$0x29C0] =	vst v0  }
0xa3: {  	v0 =	vld [tilespmem:s26+$0x50];
	_ =	sdelay $0x4  }
0xa4: {  	v1 =	vand.u32 $0x3FFF, v0;
	v0 =	vshra.s32 v0, $0xE  }
0xa5: {  	[tilespmem:$0x28D0] =	vst v1  }
0xa6: {  	[tilespmem:$0x29D0] =	vst v0  }
0xa7: {  	v0 =	vld [tilespmem:s26+$0x60];
	_ =	sdelay $0x4  }
0xa8: {  	v1 =	vand.u32 $0x3FFF, v0;
	v0 =	vshra.s32 v0, $0xE  }
0xa9: {  	[tilespmem:$0x28E0] =	vst v1  }
0xaa: {  	[tilespmem:$0x29E0] =	vst v0  }
0xab: {  	v0 =	vld [tilespmem:s26+$0x70];
	_ =	sdelay $0x4  }
0xac: {  	v1 =	vand.u32 $0x3FFF, v0;
	v0 =	vshra.s32 v0, $0xE  }
0xad: {  	[tilespmem:$0x28F0] =	vst v1  }
0xae: {  	p2 =	por p2, p0;
	[tilespmem:$0x29F0] =	vst v0  }
0xaf: {  	[tilespmem:s18], [sflag:$0x2] =	stream.indirect.gather [hbm4b:s4+s13], $0x80, s17, s13, $0xb8;
	[tilespmem:$0x1EA00] =	vst v63  }
0xb0: {  	s26 =	simm.s32 @!p2 $0x3  }
0xb1: {  	[spmem:s2] =	stream.indirect.scatter.add.f32 [tilespmem:s15], [sflag:$0x3], $0x80, s19, s13, $0xb8;
	[tilespmem:$0x1EA00] =	vst v63  }
0xb2: {  	_ =	swait.ge [sflag:s12], $0x4000  }
0xb3: {  	s25 =	sshra.s32 @!p0 s25, $0x2;
	[sflag:s12] =	ssyncset.done $0x0  }
0xb4: {  	[sflag:s12] =	ssyncadd.s32 $0xFFFFC000  }
0xb5: {  	_ =	swait.ge [sflag:s20], $0x4000  }
0xb6: {  	[sflag:s20] =	ssyncset.done $0x0  }
0xb7: {  	s28 =	simm.s32 @!p2 $0x0;
	[sflag:s20] =	ssyncadd.s32 $0xFFFFC000  }
0xb8: {  	[tilespmem:s28], [sflag:$0x3] =	stream.linear.gather @!p2 [hbm4b:s8+s28], $0x2800, $0x38;
	[tilespmem:$0x1EA00] =	vst v63  }
0xb9: {  	_ =	swait.ge @!p2 [sflag:s26], $0x2800  }
0xba: {  	[sflag:s26] =	ssyncset.done @!p2 $0x0  }
0xbb: {  	[sflag:s26] =	ssyncadd.s32 @!p2 $0xFFFFD800  }
0xbc: {  	v0 =	vld @!p0 [tilespmem:s25+$0x0];
	_ =	sdelay $0x4  }
0xbd: {  	v1 =	vand.u32 @!p0 $0x3FFF, v0;
	v0 =	vshra.s32 @!p0 v0, $0xE  }
0xbe: {  	[tilespmem:$0x2800] =	vst @!p0 v1  }
0xbf: {  	[tilespmem:$0x2900] =	vst @!p0 v0  }
0xc0: {  	v0 =	vld @!p0 [tilespmem:s25+$0x10];
	_ =	sdelay $0x4  }
0xc1: {  	v1 =	vand.u32 @!p0 $0x3FFF, v0;
	v0 =	vshra.s32 @!p0 v0, $0xE  }
0xc2: {  	[tilespmem:$0x2810] =	vst @!p0 v1  }
0xc3: {  	[tilespmem:$0x2910] =	vst @!p0 v0  }
0xc4: {  	v0 =	vld @!p0 [tilespmem:s25+$0x20];
	_ =	sdelay $0x4  }
0xc5: {  	v1 =	vand.u32 @!p0 $0x3FFF, v0;
	v0 =	vshra.s32 @!p0 v0, $0xE  }
0xc6: {  	[tilespmem:$0x2820] =	vst @!p0 v1  }
0xc7: {  	[tilespmem:$0x2920] =	vst @!p0 v0  }
0xc8: {  	v0 =	vld @!p0 [tilespmem:s25+$0x30];
	_ =	sdelay $0x4  }
0xc9: {  	v1 =	vand.u32 @!p0 $0x3FFF, v0;
	v0 =	vshra.s32 @!p0 v0, $0xE  }
0xca: {  	[tilespmem:$0x2830] =	vst @!p0 v1  }
0xcb: {  	[tilespmem:$0x2930] =	vst @!p0 v0  }
0xcc: {  	v0 =	vld @!p0 [tilespmem:s25+$0x40];
	_ =	sdelay $0x4  }
0xcd: {  	v1 =	vand.u32 @!p0 $0x3FFF, v0;
	v0 =	vshra.s32 @!p0 v0, $0xE  }
0xce: {  	[tilespmem:$0x2840] =	vst @!p0 v1  }
0xcf: {  	[tilespmem:$0x2940] =	vst @!p0 v0  }
0xd0: {  	v0 =	vld @!p0 [tilespmem:s25+$0x50];
	_ =	sdelay $0x3  }
.Ltmp0:
0xd1: {  	(pc) =	sbr.rel @p1 .LBB2_2-.Ltmp0, $4  }
0xd2: {  	v1 =	vand.u32 @!p0 $0x3FFF, v0;
	v0 =	vshra.s32 @!p0 v0, $0xE  }
0xd3: {  	[tilespmem:$0x2850] =	vst @!p0 v1  }
0xd4: {  	s29 =	simm.s32 @!p0 $0x2A00;
	s28 =	simm.s32 @!p0 $0x2800;
	s26 =	simm.s32 @!p0 $0x80;
	[tilespmem:$0x2950] =	vst @!p0 v0  }
0xd5: {  	v0 =	vld @!p0 [tilespmem:s25+$0x60]  }
0xd6: {  	_ =	sdelay $0x3  }
0xd7: {  	v1 =	vand.u32 @!p0 $0x3FFF, v0  }
0xd8: {  	v0 =	vshra.s32 @!p0 v0, $0xE;
	[tilespmem:$0x2860] =	vst @!p0 v1  }
0xd9: {  	[tilespmem:$0x2960] =	vst @!p0 v0  }
0xda: {  	v0 =	vld @!p0 [tilespmem:s25+$0x70];
	_ =	sdelay $0x4  }
0xdb: {  	v1 =	vand.u32 @!p0 $0x3FFF, v0  }
0xdc: {  	v0 =	vshra.s32 @!p0 v0, $0xE;
	[tilespmem:$0x2870] =	vst @!p0 v1  }
0xdd: {  	[tilespmem:$0x2970] =	vst @!p0 v0  }
0xde: {  	[tilespmem:s29], [sflag:$0x1] =	stream.indirect.gather @!p0 [hbm4b:s4+s26], $0x80, s28, s26, $0xb8;
	[tilespmem:$0x1EA00] =	vst v63  }
0xdf: {  	_ = 	snop  }
0xe0: {  	[spmem:s2] =	stream.indirect.scatter.add.f32 [tilespmem:s18], [sflag:$0x3], $0x80, s21, s13, $0xb8;
	[tilespmem:$0x1EA00] =	vst v63  }
0xe1: {  	_ =	swait.ge [sflag:s12], $0x4000  }
0xe2: {  	s22 =	sadd.s32 $0x1, s22;
	[sflag:s12] =	ssyncset.done $0x0  }
0xe3: {  	p0 =	sne.s32 s22, s10;
	[sflag:s12] =	ssyncadd.s32 $0xFFFFC000  }
.Ltmp1:
0xe4: {  	[bflag:$0x0] =	sbarrier.arrive $0xFFFF;
	(pc) =	sbr.rel @p0 .LBB2_1-.Ltmp1, $4  }
0xe5: {  	[hbm:s9], [sflag:s6] =	dma.local [spmem:s11], $0x2800  }
0xe6: {  	_ =	swait.ge [sflag:s12], $0x2800  }
0xe7: {  	[sflag:s12] =	ssyncset.done $0x0  }
0xe8: {  	[sflag:s12] =	ssyncadd.s32 $0xFFFFD800  }
0xe9: {  	_ =	sfence.sel $0x180000  }
0xea: {  	[bflag:$0x0] =	sbarrier.arrive $0xFFFF  }
0xeb: {  	p0 =	sne.s32 s1, $0x0;
	_ =	strace $0x90000047  }
0xec: {  	s0 =	sadd.s32 @!p0 $0x100000, s0;
	[bflag:$0x2] =	sbarrier.arrive $0xFFFF  }
0xed: {  	[sflag:s0] =	ssyncadd.tile.s32 @!p0 $0x1;
	_ =	shalt  }
.Lfunc_end2:
_tile_overlayer_lowered:
.L_overlay_start_2:
0xee: {  	(tag) =	ssettag $0x2  }
0xef: {  	s0 =	rddreg [dreg:$0x0];
	s2 =	stileid.u32  }
0xf0: {  	s1 =	rddreg [dreg:$0x1];
	p0 =	sne.s32 s2, $0x0  }
0xf1: {  	s3 =	rddreg [dreg:$0x2];
	[bflag:$0x3] =	sbarrier.arrive $0xFFFF;
	s2 =	simm.s32 @!p0 $0x1C03  }
0xf2: {  	[timem:s3], [sflag:s2] =	dma.local @!p0 [hbm:s0], s1  }
0xf3: {  	s0 =	simm.s32 @!p0 $0x3  }
0xf4: {  	_ =	swait.ge @!p0 [sflag:s0], s1  }
0xf5: {  	s1 =	ssub.s32 @!p0 $0x0, s1;
	[sflag:s0] =	ssyncset.done @!p0 $0x0  }
0xf6: {  	[sflag:s0] =	ssyncadd.s32 @!p0 s1  }
0xf7: {  	[bflag:$0x3] =	sbarrier.arrive $0xFFFF  }
0xf8: {  	_ =	shalt  }

</sc_bundles>
